<compile_context>
chip_gen: v7x
topology: tpu7x:2x2x1
jax: 0.10.2.dev20260603
libtpu: 0.0.44.dev20260713+nightly
codegen_flags: <defaults>
</compile_context>

<pallas_src>
import functools

import jax
import jax.numpy as jnp
from jax.experimental import pallas as pl
from jax.experimental.pallas import tpu as pltpu
from jax.experimental.pallas import tpu_sc as plsc

_LANES = 16
_ROWS = 32
_UNROLL = 8
_RPAD = 88


def _make_sc_call(N, C, H, W, R):
    nch = H // _ROWS
    NP = N * C
    scale = jnp.float32(R - 1)
    mesh = plsc.VectorSubcoreMesh(core_axis_name="c", subcore_axis_name="s")

    @functools.partial(
        pl.kernel,
        out_type=jax.ShapeDtypeStruct((N, C, H, W), jnp.float32),
        mesh=mesh,
        scratch_types=[pltpu.VMEM((_RPAD - 8,), jnp.float32)],
        compiler_params=pltpu.CompilerParams(needs_layout_passes=False),
    )
    def run(imgs_hbm, lut_hbm, out_hbm, d_v):
        def body(in_v, lut_v, out_v):
            zero = jnp.zeros((_LANES,), jnp.int32)

            for k in range(0, _RPAD - 8, _LANES):
                d_v[pl.ds(k, _LANES)] = (
                    lut_v[0, pl.ds(k + 1, _LANES)] - lut_v[0, pl.ds(k, _LANES)]
                )

            wshift = W.bit_length() - 1

            @plsc.parallel_loop(0, _ROWS * W, step=2 * _LANES, unroll=_UNROLL // 2)
            def _(flat0):
                for q in range(2):
                    flat = flat0 + q * _LANES
                    r = jax.lax.shift_right_logical(flat, wshift)
                    c = jax.lax.bitwise_and(flat, W - 1)
                    x = in_v[0, 0, r, pl.ds(c, _LANES)]
                    s = x * scale
                    i0 = s.astype(jnp.int32)
                    f = s - i0.astype(jnp.float32)
                    a0 = plsc.load_gather(lut_v, [zero, i0])
                    dd = plsc.load_gather(d_v, [i0])
                    res = a0 + f * dd
                    res = jnp.minimum(jnp.maximum(res, 0.0), 1.0)
                    out_v[0, 0, r, pl.ds(c, _LANES)] = res

        pltpu.emit_pipeline(
            body,
            grid=(N * C * nch,),
            in_specs=[
                pl.BlockSpec(
                    (1, 1, _ROWS, W),
                    index_map=lambda i: ((i % NP) // C, i % C, i // NP, 0),
                ),
                pl.BlockSpec((1, _RPAD), index_map=lambda i: (i % NP, 0)),
            ],
            out_specs=[
                pl.BlockSpec(
                    (1, 1, _ROWS, W),
                    index_map=lambda i: ((i % NP) // C, i % C, i // NP, 0),
                ),
            ],
            core_axis_name=("c", "s"),
            dimension_semantics=(pltpu.PARALLEL,),
        )(imgs_hbm, lut_hbm, out_hbm)

    return run


def kernel(imgs, xform_params):
    N, C, H, W = imgs.shape
    R = xform_params.shape[1]
    lut = jnp.transpose(xform_params, (0, 2, 1)).reshape(N * C, R)
    lut = jnp.pad(lut, ((0, 0), (0, _RPAD - R)), mode="edge")
    return _make_sc_call(N, C, H, W, R)(imgs, lut)

# --- scband reference (transcript-rebuilt; emitter-appended) ---
"""Pipeline reference for scband-independent-channel-color-transforms-1297080123781 (READ-ONLY COPY).

The authoritative reference and input builder live on the scoring server;
editing this copy changes nothing except your own understanding.
"""

import jax, jax.numpy as jnp
import numpy as np

RESOLUTION = 72


def setup_inputs(seed: int = 0) -> dict:
    key = jax.random.key(seed)
    N, C, H, W = 32, 3, 512, 512
    imgs = jax.random.uniform(key, (N, C, H, W), dtype=jnp.float32)
    # identity_params[:, x, :] = x / (resolution - 1); xform_params initialized to identity (random_init=False)
    identity = jnp.linspace(0.0, 1.0, RESOLUTION, dtype=jnp.float32)
    xform_params = jnp.tile(identity[None, :, None], (N, 1, 3))
    return {"imgs": imgs, "xform_params": xform_params}


def reference(imgs, xform_params):
    N, C, H, W = imgs.shape
    resolution = xform_params.shape[1]
    x = jnp.transpose(imgs, (0, 2, 3, 1))  # NCHW -> NHWC
    scaled = x * jnp.float32(resolution - 1)
    ipart = jnp.floor(scaled).astype(jnp.int32)
    fpart = scaled % 1.0
    chans = []
    for ch in range(3):
        endpoints = []
        for dx in (0, 1):
            color_index = jnp.clip(ipart[:, :, :, ch] + dx, 0, resolution - 1).reshape(N, -1)
            params_ch = xform_params[:, :, ch]  # [N, resolution]
            g = jnp.take_along_axis(params_ch, color_index, axis=1).reshape(N, H, W, 1)
            endpoints.append(g)
        fp = fpart[:, :, :, ch][..., None]
        out_ch = jnp.clip(endpoints[0] * (1.0 - fp) + endpoints[1] * fp, 0.0, 1.0)
        chans.append(jnp.transpose(out_ch, (0, 3, 1, 2)))
    return jnp.clip(jnp.concatenate(chans, axis=1), 0.0, 1.0)

if __name__ == "__main__":
    import jax
    _d = setup_inputs()
    print(jax.jit(kernel)(*tuple(_d.values())))

</pallas_src>

<mosaic_0001>
#map = affine_map<(d0, d1) -> (0, 0, 0, 0)>
#map1 = affine_map<(d0, d1) -> (0, 0)>
#map2 = affine_map<(d0, d1) -> (0)>
module attributes {stable_mosaic.version = 14 : i64} {
  func.func @_rewritten_body(%arg0: i32, %arg1: i32, %arg2: memref<32x3x512x512xf32, #tpu.memory_space<hbm>>, %arg3: memref<96x88xf32, #tpu.memory_space<hbm>>, %arg4: memref<1xf32, #tpu.memory_space<hbm>>, %arg5: memref<32x3x512x512xf32, #tpu.memory_space<hbm>>, %arg6: memref<80xf32, #tpu.memory_space<vmem>>) attributes {dimension_semantics = [#tpu.dimension_semantics<core_parallel>, #tpu.dimension_semantics<subcore_parallel>], iteration_bounds = array<i64: 2, 16>, scalar_prefetch = 0 : i64, scratch_operands = 1 : i64, tpu.core_type = #tpu.core_type<sc_vector_subcore>, window_params = [{transform_indices = #map}, {transform_indices = #map1}, {transform_indices = #map2}, {transform_indices = #map}]} {
    %empty_ref3A = memref.alloca() : memref<16xf32, #tpu.memory_space<vmem>>
    "tpu.region"() ({
      %run_scoped3A = tpu.sem_alloc : memref<!tpu.dma_semaphore, #tpu.memory_space<semaphore_mem>>
      %dma_start3A = arith.constant 0 : i32
      %dma_start3A_8 = tpu.memref_slice %empty_ref3A[%dma_start3A] : memref<16xf32, #tpu.memory_space<vmem>> -> memref<1xf32, #tpu.memory_space<vmem>>
      %dma_start3A_9 = arith.constant 0 : i32
      %dma_start3A_10 = tpu.memref_slice %empty_ref3A[%dma_start3A_9] : memref<16xf32, #tpu.memory_space<vmem>> -> memref<1xf32, #tpu.memory_space<vmem>>
      tpu.enqueue_dma source(%arg4 : memref<1xf32, #tpu.memory_space<hbm>>) target(%dma_start3A_10 : memref<1xf32, #tpu.memory_space<vmem>>) target_semaphore(%run_scoped3A : memref<!tpu.dma_semaphore, #tpu.memory_space<semaphore_mem>>)
      %dma_wait3A = arith.constant 0 : i32
      %dma_wait3A_11 = tpu.memref_slice %empty_ref3A[%dma_wait3A] : memref<16xf32, #tpu.memory_space<vmem>> -> memref<1xf32, #tpu.memory_space<vmem>>
      %dma_wait3A_12 = arith.constant 0 : i32
      %dma_wait3A_13 = tpu.memref_slice %empty_ref3A[%dma_wait3A_12] : memref<16xf32, #tpu.memory_space<vmem>> -> memref<1xf32, #tpu.memory_space<vmem>>
      tpu.wait_dma2 semaphore(%run_scoped3A : memref<!tpu.dma_semaphore, #tpu.memory_space<semaphore_mem>>) src(%arg4 : memref<1xf32, #tpu.memory_space<hbm>>) dst(%dma_wait3A_13 : memref<1xf32, #tpu.memory_space<vmem>>)
      tpu.yield
    }) : () -> ()
    %get3A = arith.constant 0 : index
    %get3A_0 = tpu.vector_load %empty_ref3A[%get3A] {strides = array<i32>} : memref<16xf32, #tpu.memory_space<vmem>>, vector<16xf32>,
    %slice3A = vector.extract_strided_slice %get3A_0 {offsets = [0], sizes = [1], strides = [1]} : vector<16xf32> to vector<1xf32>
    %squeeze3A = vector.extract %slice3A[0] : f32 from vector<1xf32>
    %mul3A = arith.constant 1 : i32
    %mul3A_1 = arith.muli %arg1, %mul3A : i32
    %add3A = arith.constant 0 : i32
    %add3A_2 = arith.addi %add3A, %mul3A_1 : i32
    %mul3A_3 = arith.constant 16 : i32
    %mul3A_4 = arith.muli %arg0, %mul3A_3 : i32
    %add3A_5 = arith.addi %add3A_2, %mul3A_4 : i32
    %mul3A_6 = arith.constant 48 : i32
    %mul3A_7 = arith.muli %add3A_5, %mul3A_6 : i32
    "tpu.region"() ({
      %run_scoped3A = memref.alloca() : memref<2x1x1x32x512xf32, #tpu.memory_space<vmem>>
      %run_scoped3A_8 = tpu.sem_alloc : memref<2x!tpu.dma_semaphore, #tpu.memory_space<semaphore_mem>>
      %run_scoped3A_9 = memref.alloca() : memref<2x1x88xf32, #tpu.memory_space<vmem>>
      %run_scoped3A_10 = tpu.sem_alloc : memref<2x!tpu.dma_semaphore, #tpu.memory_space<semaphore_mem>>
      %run_scoped3A_11 = memref.alloca() : memref<2x1x1x32x512xf32, #tpu.memory_space<vmem>>
      %run_scoped3A_12 = tpu.sem_alloc : memref<2x!tpu.dma_semaphore, #tpu.memory_space<semaphore_mem>>
      %add3A_13 = arith.constant 0 : i32
      %add3A_14 = arith.addi %add3A_13, %mul3A_7 : i32
      %select_n3A = arith.constant true
      %select_n3A_15 = arith.constant 0 : i32
      %select_n3A_16 = arith.constant -1 : i32
      %select_n3A_17 = arith.select %select_n3A, %select_n3A_16, %select_n3A_15 : i32
      %eq3A = arith.constant -1 : i32
      %eq3A_18 = arith.cmpi eq, %select_n3A_17, %eq3A : i32
      %select_n3A_19 = arith.constant 47 : i32
      %select_n3A_20 = arith.select %eq3A_18, %select_n3A_19, %select_n3A_17 : i32
      %add3A_21 = arith.addi %select_n3A_20, %mul3A_7 : i32
      %select_n3A_22 = arith.constant true
      %select_n3A_23 = arith.constant 0 : i32
      %select_n3A_24 = arith.constant 1 : i32
      %select_n3A_25 = arith.select %select_n3A_22, %select_n3A_24, %select_n3A_23 : i32
      %eq3A_26 = arith.constant 48 : i32
      %eq3A_27 = arith.cmpi eq, %select_n3A_25, %eq3A_26 : i32
      %select_n3A_28 = arith.constant 0 : i32
      %select_n3A_29 = arith.select %eq3A_27, %select_n3A_28, %select_n3A_25 : i32
      %add3A_30 = arith.addi %select_n3A_29, %mul3A_7 : i32
      %add3A_31 = arith.constant 1 : i32
      %add3A_32 = arith.addi %select_n3A_29, %add3A_31 : i32
      %select_n3A_33 = arith.constant true
      %select_n3A_34 = arith.select %select_n3A_33, %add3A_32, %select_n3A_29 : i32
      %eq3A_35 = arith.constant 48 : i32
      %eq3A_36 = arith.cmpi eq, %select_n3A_34, %eq3A_35 : i32
      %select_n3A_37 = arith.constant 0 : i32
      %select_n3A_38 = arith.select %eq3A_36, %select_n3A_37, %select_n3A_34 : i32
      %add3A_39 = arith.addi %select_n3A_38, %mul3A_7 : i32
      "tpu.trace_start"() <{level = 10 : i32, message = "ep_initialize_0"}> : () -> ()
      %rem3A = arith.constant 0 : i32
      %rem3A_40 = arith.constant 2 : i32
      %rem3A_41 = arith.remui %rem3A, %rem3A_40 : i32
      %jit3A = arith.constant 96 : i32
      %eq3A_42 = arith.constant 0 : i32
      %eq3A_43 = arith.cmpi eq, %jit3A, %eq3A_42 : i32
      %jit3A_44 = arith.constant 1 : i32
      %select_n3A_45 = arith.select %eq3A_43, %jit3A_44, %jit3A : i32
      %rem3A_46 = arith.remsi %add3A_14, %select_n3A_45 : i32
      %ne3A = arith.constant 0 : i32
      %ne3A_47 = arith.cmpi ne, %rem3A_46, %ne3A : i32
      %lt3A = arith.constant 0 : i32
      %lt3A_48 = arith.cmpi slt, %rem3A_46, %lt3A : i32
      %lt3A_49 = arith.constant 0 : i32
      %lt3A_50 = arith.cmpi slt, %select_n3A_45, %lt3A_49 : i32
      %ne3A_51 = arith.xori %lt3A_48, %lt3A_50 : i1
      %and3A = arith.andi %ne3A_51, %ne3A_47 : i1
      %add3A_52 = arith.addi %rem3A_46, %select_n3A_45 : i32
      %select_n3A_53 = arith.select %and3A, %add3A_52, %rem3A_46 : i32
      %jit3A_54 = arith.constant 3 : i32
      %div3A = arith.divsi %select_n3A_53, %jit3A_54 : i32
      %sign3A = arith.constant 0 : i32
      %sign3A_55 = arith.cmpi sgt, %select_n3A_53, %sign3A : i32
      %sign3A_56 = arith.extui %sign3A_55 : i1 to i32
      %sign3A_57 = arith.constant 0 : i32
      %sign3A_58 = arith.cmpi slt, %select_n3A_53, %sign3A_57 : i32
      %sign3A_59 = arith.extui %sign3A_58 : i1 to i32
      %sign3A_60 = arith.subi %sign3A_56, %sign3A_59 : i32
      %sign3A_61 = arith.constant 0 : i32
      %sign3A_62 = arith.cmpi sgt, %jit3A_54, %sign3A_61 : i32
      %sign3A_63 = arith.extui %sign3A_62 : i1 to i32
      %sign3A_64 = arith.constant 0 : i32
      %sign3A_65 = arith.cmpi slt, %jit3A_54, %sign3A_64 : i32
      %sign3A_66 = arith.extui %sign3A_65 : i1 to i32
      %sign3A_67 = arith.subi %sign3A_63, %sign3A_66 : i32
      %ne3A_68 = arith.cmpi ne, %sign3A_60, %sign3A_67 : i32
      %rem3A_69 = arith.remsi %select_n3A_53, %jit3A_54 : i32
      %ne3A_70 = arith.constant 0 : i32
      %ne3A_71 = arith.cmpi ne, %rem3A_69, %ne3A_70 : i32
      %and3A_72 = arith.andi %ne3A_68, %ne3A_71 : i1
      %sub3A = arith.constant 1 : i32
      %sub3A_73 = arith.subi %div3A, %sub3A : i32
      %select_n3A_74 = arith.select %and3A_72, %sub3A_73, %div3A : i32
      %jit3A_75 = arith.constant 3 : i32
      %eq3A_76 = arith.constant 0 : i32
      %eq3A_77 = arith.cmpi eq, %jit3A_75, %eq3A_76 : i32
      %jit3A_78 = arith.constant 1 : i32
      %select_n3A_79 = arith.select %eq3A_77, %jit3A_78, %jit3A_75 : i32
      %rem3A_80 = arith.remsi %add3A_14, %select_n3A_79 : i32
      %ne3A_81 = arith.constant 0 : i32
      %ne3A_82 = arith.cmpi ne, %rem3A_80, %ne3A_81 : i32
      %lt3A_83 = arith.constant 0 : i32
      %lt3A_84 = arith.cmpi slt, %rem3A_80, %lt3A_83 : i32
      %lt3A_85 = arith.constant 0 : i32
      %lt3A_86 = arith.cmpi slt, %select_n3A_79, %lt3A_85 : i32
      %ne3A_87 = arith.xori %lt3A_84, %lt3A_86 : i1
      %and3A_88 = arith.andi %ne3A_87, %ne3A_82 : i1
      %add3A_89 = arith.addi %rem3A_80, %select_n3A_79 : i32
      %select_n3A_90 = arith.select %and3A_88, %add3A_89, %rem3A_80 : i32
      %jit3A_91 = arith.constant 96 : i32
      %div3A_92 = arith.divsi %add3A_14, %jit3A_91 : i32
      %sign3A_93 = arith.constant 0 : i32
      %sign3A_94 = arith.cmpi sgt, %add3A_14, %sign3A_93 : i32
      %sign3A_95 = arith.extui %sign3A_94 : i1 to i32
      %sign3A_96 = arith.constant 0 : i32
      %sign3A_97 = arith.cmpi slt, %add3A_14, %sign3A_96 : i32
      %sign3A_98 = arith.extui %sign3A_97 : i1 to i32
      %sign3A_99 = arith.subi %sign3A_95, %sign3A_98 : i32
      %sign3A_100 = arith.constant 0 : i32
      %sign3A_101 = arith.cmpi sgt, %jit3A_91, %sign3A_100 : i32
      %sign3A_102 = arith.extui %sign3A_101 : i1 to i32
      %sign3A_103 = arith.constant 0 : i32
      %sign3A_104 = arith.cmpi slt, %jit3A_91, %sign3A_103 : i32
      %sign3A_105 = arith.extui %sign3A_104 : i1 to i32
      %sign3A_106 = arith.subi %sign3A_102, %sign3A_105 : i32
      %ne3A_107 = arith.cmpi ne, %sign3A_99, %sign3A_106 : i32
      %rem3A_108 = arith.remsi %add3A_14, %jit3A_91 : i32
      %ne3A_109 = arith.constant 0 : i32
      %ne3A_110 = arith.cmpi ne, %rem3A_108, %ne3A_109 : i32
      %and3A_111 = arith.andi %ne3A_107, %ne3A_110 : i1
      %sub3A_112 = arith.constant 1 : i32
      %sub3A_113 = arith.subi %div3A_92, %sub3A_112 : i32
      %select_n3A_114 = arith.select %and3A_111, %sub3A_113, %div3A_92 : i32
      %mul3A_115 = arith.constant 1 : i32
      %mul3A_116 = arith.muli %mul3A_115, %select_n3A_74 : i32
      %mul3A_117 = arith.constant 1 : i32
      %mul3A_118 = arith.muli %mul3A_117, %select_n3A_90 : i32
      %mul3A_119 = arith.constant 32 : i32
      %mul3A_120 = arith.muli %mul3A_119, %select_n3A_114 : i32
      %dma_start3A = arith.constant 0 : i32
      %dma_start3A_121 = arith.constant 0 : i32
      %dma_start3A_122 = arith.constant 0 : i32
      %dma_start3A_123 = arith.constant 0 : i32
      %dma_start3A_124 = tpu.memref_slice %run_scoped3A[%rem3A_41, %dma_start3A, %dma_start3A_121, %dma_start3A_122, %dma_start3A_123] : memref<2x1x1x32x512xf32, #tpu.memory_space<vmem>> -> memref<1x1x1x32x512xf32, #tpu.memory_space<vmem>>
      %dma_start3A_125 = tpu.memref_squeeze %dma_start3A_124 : memref<1x1x1x32x512xf32, #tpu.memory_space<vmem>> -> memref<1x1x32x512xf32, #tpu.memory_space<vmem>>
      %dma_start3A_126 = arith.constant 0 : i32
      %dma_start3A_127 = tpu.memref_slice %arg2[%mul3A_116, %mul3A_118, %mul3A_120, %dma_start3A_126] : memref<32x3x512x512xf32, #tpu.memory_space<hbm>> -> memref<1x1x32x512xf32, #tpu.memory_space<hbm>>
      %dma_start3A_128 = tpu.memref_slice %run_scoped3A_8[%rem3A_41] : memref<2x!tpu.dma_semaphore, #tpu.memory_space<semaphore_mem>> -> memref<1x!tpu.dma_semaphore, #tpu.memory_space<semaphore_mem>>
      %dma_start3A_129 = tpu.memref_squeeze %dma_start3A_128 : memref<1x!tpu.dma_semaphore, #tpu.memory_space<semaphore_mem>> -> memref<!tpu.dma_semaphore, #tpu.memory_space<semaphore_mem>>
      %dma_start3A_130 = arith.constant 0 : i32
      %dma_start3A_131 = arith.constant 0 : i32
      %dma_start3A_132 = arith.constant 0 : i32
      %dma_start3A_133 = arith.constant 0 : i32
      %dma_start3A_134 = tpu.memref_slice %run_scoped3A[%rem3A_41, %dma_start3A_130, %dma_start3A_131, %dma_start3A_132, %dma_start3A_133] : memref<2x1x1x32x512xf32, #tpu.memory_space<vmem>> -> memref<1x1x1x32x512xf32, #tpu.memory_space<vmem>>
      %dma_start3A_135 = tpu.memref_squeeze %dma_start3A_134 : memref<1x1x1x32x512xf32, #tpu.memory_space<vmem>> -> memref<1x1x32x512xf32, #tpu.memory_space<vmem>>
      %dma_start3A_136 = arith.constant 0 : i32
      %dma_start3A_137 = tpu.memref_slice %arg2[%mul3A_116, %mul3A_118, %mul3A_120, %dma_start3A_136] : memref<32x3x512x512xf32, #tpu.memory_space<hbm>> -> memref<1x1x32x512xf32, #tpu.memory_space<hbm>>
      tpu.enqueue_dma source(%dma_start3A_137 : memref<1x1x32x512xf32, #tpu.memory_space<hbm>>) target(%dma_start3A_135 : memref<1x1x32x512xf32, #tpu.memory_space<vmem>>) target_semaphore(%dma_start3A_129 : memref<!tpu.dma_semaphore, #tpu.memory_space<semaphore_mem>>)
      %add3A_138 = arith.constant 0 : i32
      %add3A_139 = arith.constant 1 : i32
      %add3A_140 = arith.addi %add3A_138, %add3A_139 : i32
      %select_n3A_141 = arith.constant true
      %select_n3A_142 = arith.constant 0 : i32
      %select_n3A_143 = arith.select %select_n3A_141, %add3A_140, %select_n3A_142 : i32
      %rem3A_144 = arith.constant 0 : i32
      %rem3A_145 = arith.constant 2 : i32
      %rem3A_146 = arith.remui %rem3A_144, %rem3A_145 : i32
      %jit3A_147 = arith.constant 96 : i32
      %eq3A_148 = arith.constant 0 : i32
      %eq3A_149 = arith.cmpi eq, %jit3A_147, %eq3A_148 : i32
      %jit3A_150 = arith.constant 1 : i32
      %select_n3A_151 = arith.select %eq3A_149, %jit3A_150, %jit3A_147 : i32
      %rem3A_152 = arith.remsi %add3A_14, %select_n3A_151 : i32
      %ne3A_153 = arith.constant 0 : i32
      %ne3A_154 = arith.cmpi ne, %rem3A_152, %ne3A_153 : i32
      %lt3A_155 = arith.constant 0 : i32
      %lt3A_156 = arith.cmpi slt, %rem3A_152, %lt3A_155 : i32
      %lt3A_157 = arith.constant 0 : i32
      %lt3A_158 = arith.cmpi slt, %select_n3A_151, %lt3A_157 : i32
      %ne3A_159 = arith.xori %lt3A_156, %lt3A_158 : i1
      %and3A_160 = arith.andi %ne3A_159, %ne3A_154 : i1
      %add3A_161 = arith.addi %rem3A_152, %select_n3A_151 : i32
      %select_n3A_162 = arith.select %and3A_160, %add3A_161, %rem3A_152 : i32
      %mul3A_163 = arith.constant 1 : i32
      %mul3A_164 = arith.muli %mul3A_163, %select_n3A_162 : i32
      %dma_start3A_165 = arith.constant 0 : i32
      %dma_start3A_166 = arith.constant 0 : i32
      %dma_start3A_167 = tpu.memref_slice %run_scoped3A_9[%rem3A_146, %dma_start3A_165, %dma_start3A_166] : memref<2x1x88xf32, #tpu.memory_space<vmem>> -> memref<1x1x88xf32, #tpu.memory_space<vmem>>
      %dma_start3A_168 = tpu.memref_squeeze %dma_start3A_167 : memref<1x1x88xf32, #tpu.memory_space<vmem>> -> memref<1x88xf32, #tpu.memory_space<vmem>>
      %dma_start3A_169 = arith.constant 0 : i32
      %dma_start3A_170 = tpu.memref_slice %arg3[%mul3A_164, %dma_start3A_169] : memref<96x88xf32, #tpu.memory_space<hbm>> -> memref<1x88xf32, #tpu.memory_space<hbm>>
      %dma_start3A_171 = tpu.memref_slice %run_scoped3A_10[%rem3A_146] : memref<2x!tpu.dma_semaphore, #tpu.memory_space<semaphore_mem>> -> memref<1x!tpu.dma_semaphore, #tpu.memory_space<semaphore_mem>>
      %dma_start3A_172 = tpu.memref_squeeze %dma_start3A_171 : memref<1x!tpu.dma_semaphore, #tpu.memory_space<semaphore_mem>> -> memref<!tpu.dma_semaphore, #tpu.memory_space<semaphore_mem>>
      %dma_start3A_173 = arith.constant 0 : i32
      %dma_start3A_174 = arith.constant 0 : i32
      %dma_start3A_175 = tpu.memref_slice %run_scoped3A_9[%rem3A_146, %dma_start3A_173, %dma_start3A_174] : memref<2x1x88xf32, #tpu.memory_space<vmem>> -> memref<1x1x88xf32, #tpu.memory_space<vmem>>
      %dma_start3A_176 = tpu.memref_squeeze %dma_start3A_175 : memref<1x1x88xf32, #tpu.memory_space<vmem>> -> memref<1x88xf32, #tpu.memory_space<vmem>>
      %dma_start3A_177 = arith.constant 0 : i32
      %dma_start3A_178 = tpu.memref_slice %arg3[%mul3A_164, %dma_start3A_177] : memref<96x88xf32, #tpu.memory_space<hbm>> -> memref<1x88xf32, #tpu.memory_space<hbm>>
      tpu.enqueue_dma source(%dma_start3A_178 : memref<1x88xf32, #tpu.memory_space<hbm>>) target(%dma_start3A_176 : memref<1x88xf32, #tpu.memory_space<vmem>>) target_semaphore(%dma_start3A_172 : memref<!tpu.dma_semaphore, #tpu.memory_space<semaphore_mem>>)
      %add3A_179 = arith.constant 0 : i32
      %add3A_180 = arith.constant 1 : i32
      %add3A_181 = arith.addi %add3A_179, %add3A_180 : i32
      %select_n3A_182 = arith.constant true
      %select_n3A_183 = arith.constant 0 : i32
      %select_n3A_184 = arith.select %select_n3A_182, %add3A_181, %select_n3A_183 : i32
      "tpu.trace_stop"() : () -> ()
      %scan3A = arith.constant 0 : i32
      %scan3A_185 = arith.constant 0 : i32
      %scan3A_186 = arith.constant 0 : i32
      %scan3A_187 = arith.constant 0 : i32
      %scan3A_188 = arith.constant 0 : i32
      %scan3A_189 = arith.constant 0 : i32
      %scan3A_190 = arith.constant 48 : i32
      %scan3A_191 = arith.addi %scan3A_189, %scan3A_190 : i32
      %scan3A_192 = arith.constant 1 : i32
      %scan3A_193:7 = scf.for %scan3A_336 = %scan3A_189 to %scan3A_191 step %scan3A_192 iter_args(%scan3A_337 = %select_n3A_143, %scan3A_338 = %scan3A, %scan3A_339 = %select_n3A_184, %scan3A_340 = %scan3A_185, %scan3A_341 = %scan3A_186, %scan3A_342 = %scan3A_187, %scan3A_343 = %scan3A_188) -> (i32, i32, i32, i32, i32, i32, i32)  : i32 {
        %eq3A_344 = arith.constant 0 : i32
        %eq3A_345 = arith.cmpi eq, %scan3A_336, %eq3A_344 : i32
        %eq3A_346 = arith.constant 47 : i32
        %eq3A_347 = arith.cmpi eq, %scan3A_336, %eq3A_346 : i32
        %add3A_348 = arith.addi %scan3A_343, %mul3A_7 : i32
        %sub3A_349 = arith.constant 1 : i32
        %sub3A_350 = arith.subi %scan3A_343, %sub3A_349 : i32
        %select_n3A_351 = arith.constant true
        %select_n3A_352 = arith.select %select_n3A_351, %sub3A_350, %scan3A_343 : i32
        %eq3A_353 = arith.constant -1 : i32
        %eq3A_354 = arith.cmpi eq, %select_n3A_352, %eq3A_353 : i32
        %select_n3A_355 = arith.constant 47 : i32
        %select_n3A_356 = arith.select %eq3A_354, %select_n3A_355, %select_n3A_352 : i32
        %add3A_357 = arith.addi %select_n3A_356, %mul3A_7 : i32
        %add3A_358 = arith.constant 1 : i32
        %add3A_359 = arith.addi %scan3A_343, %add3A_358 : i32
        %select_n3A_360 = arith.constant true
        %select_n3A_361 = arith.select %select_n3A_360, %add3A_359, %scan3A_343 : i32
        %eq3A_362 = arith.constant 48 : i32
        %eq3A_363 = arith.cmpi eq, %select_n3A_361, %eq3A_362 : i32
        %select_n3A_364 = arith.constant 0 : i32
        %select_n3A_365 = arith.select %eq3A_363, %select_n3A_364, %select_n3A_361 : i32
        %add3A_366 = arith.addi %select_n3A_365, %mul3A_7 : i32
        %add3A_367 = arith.constant 1 : i32
        %add3A_368 = arith.addi %select_n3A_365, %add3A_367 : i32
        %select_n3A_369 = arith.constant true
        %select_n3A_370 = arith.select %select_n3A_369, %add3A_368, %select_n3A_365 : i32
        %eq3A_371 = arith.constant 48 : i32
        %eq3A_372 = arith.cmpi eq, %select_n3A_370, %eq3A_371 : i32
        %select_n3A_373 = arith.constant 0 : i32
        %select_n3A_374 = arith.select %eq3A_372, %select_n3A_373, %select_n3A_370 : i32
        %add3A_375 = arith.addi %select_n3A_374, %mul3A_7 : i32
        %jit3A_376 = arith.constant 96 : i32
        %eq3A_377 = arith.constant 0 : i32
        %eq3A_378 = arith.cmpi eq, %jit3A_376, %eq3A_377 : i32
        %jit3A_379 = arith.constant 1 : i32
        %select_n3A_380 = arith.select %eq3A_378, %jit3A_379, %jit3A_376 : i32
        %rem3A_381 = arith.remsi %add3A_348, %select_n3A_380 : i32
        %ne3A_382 = arith.constant 0 : i32
        %ne3A_383 = arith.cmpi ne, %rem3A_381, %ne3A_382 : i32
        %lt3A_384 = arith.constant 0 : i32
        %lt3A_385 = arith.cmpi slt, %rem3A_381, %lt3A_384 : i32
        %lt3A_386 = arith.constant 0 : i32
        %lt3A_387 = arith.cmpi slt, %select_n3A_380, %lt3A_386 : i32
        %ne3A_388 = arith.xori %lt3A_385, %lt3A_387 : i1
        %and3A_389 = arith.andi %ne3A_388, %ne3A_383 : i1
        %add3A_390 = arith.addi %rem3A_381, %select_n3A_380 : i32
        %select_n3A_391 = arith.select %and3A_389, %add3A_390, %rem3A_381 : i32
        %jit3A_392 = arith.constant 3 : i32
        %div3A_393 = arith.divsi %select_n3A_391, %jit3A_392 : i32
        %sign3A_394 = arith.constant 0 : i32
        %sign3A_395 = arith.cmpi sgt, %select_n3A_391, %sign3A_394 : i32
        %sign3A_396 = arith.extui %sign3A_395 : i1 to i32
        %sign3A_397 = arith.constant 0 : i32
        %sign3A_398 = arith.cmpi slt, %select_n3A_391, %sign3A_397 : i32
        %sign3A_399 = arith.extui %sign3A_398 : i1 to i32
        %sign3A_400 = arith.subi %sign3A_396, %sign3A_399 : i32
        %sign3A_401 = arith.constant 0 : i32
        %sign3A_402 = arith.cmpi sgt, %jit3A_392, %sign3A_401 : i32
        %sign3A_403 = arith.extui %sign3A_402 : i1 to i32
        %sign3A_404 = arith.constant 0 : i32
        %sign3A_405 = arith.cmpi slt, %jit3A_392, %sign3A_404 : i32
        %sign3A_406 = arith.extui %sign3A_405 : i1 to i32
        %sign3A_407 = arith.subi %sign3A_403, %sign3A_406 : i32
        %ne3A_408 = arith.cmpi ne, %sign3A_400, %sign3A_407 : i32
        %rem3A_409 = arith.remsi %select_n3A_391, %jit3A_392 : i32
        %ne3A_410 = arith.constant 0 : i32
        %ne3A_411 = arith.cmpi ne, %rem3A_409, %ne3A_410 : i32
        %and3A_412 = arith.andi %ne3A_408, %ne3A_411 : i1
        %sub3A_413 = arith.constant 1 : i32
        %sub3A_414 = arith.subi %div3A_393, %sub3A_413 : i32
        %select_n3A_415 = arith.select %and3A_412, %sub3A_414, %div3A_393 : i32
        %jit3A_416 = arith.constant 3 : i32
        %eq3A_417 = arith.constant 0 : i32
        %eq3A_418 = arith.cmpi eq, %jit3A_416, %eq3A_417 : i32
        %jit3A_419 = arith.constant 1 : i32
        %select_n3A_420 = arith.select %eq3A_418, %jit3A_419, %jit3A_416 : i32
        %rem3A_421 = arith.remsi %add3A_348, %select_n3A_420 : i32
        %ne3A_422 = arith.constant 0 : i32
        %ne3A_423 = arith.cmpi ne, %rem3A_421, %ne3A_422 : i32
        %lt3A_424 = arith.constant 0 : i32
        %lt3A_425 = arith.cmpi slt, %rem3A_421, %lt3A_424 : i32
        %lt3A_426 = arith.constant 0 : i32
        %lt3A_427 = arith.cmpi slt, %select_n3A_420, %lt3A_426 : i32
        %ne3A_428 = arith.xori %lt3A_425, %lt3A_427 : i1
        %and3A_429 = arith.andi %ne3A_428, %ne3A_423 : i1
        %add3A_430 = arith.addi %rem3A_421, %select_n3A_420 : i32
        %select_n3A_431 = arith.select %and3A_429, %add3A_430, %rem3A_421 : i32
        %jit3A_432 = arith.constant 96 : i32
        %div3A_433 = arith.divsi %add3A_348, %jit3A_432 : i32
        %sign3A_434 = arith.constant 0 : i32
        %sign3A_435 = arith.cmpi sgt, %add3A_348, %sign3A_434 : i32
        %sign3A_436 = arith.extui %sign3A_435 : i1 to i32
        %sign3A_437 = arith.constant 0 : i32
        %sign3A_438 = arith.cmpi slt, %add3A_348, %sign3A_437 : i32
        %sign3A_439 = arith.extui %sign3A_438 : i1 to i32
        %sign3A_440 = arith.subi %sign3A_436, %sign3A_439 : i32
        %sign3A_441 = arith.constant 0 : i32
        %sign3A_442 = arith.cmpi sgt, %jit3A_432, %sign3A_441 : i32
        %sign3A_443 = arith.extui %sign3A_442 : i1 to i32
        %sign3A_444 = arith.constant 0 : i32
        %sign3A_445 = arith.cmpi slt, %jit3A_432, %sign3A_444 : i32
        %sign3A_446 = arith.extui %sign3A_445 : i1 to i32
        %sign3A_447 = arith.subi %sign3A_443, %sign3A_446 : i32
        %ne3A_448 = arith.cmpi ne, %sign3A_440, %sign3A_447 : i32
        %rem3A_449 = arith.remsi %add3A_348, %jit3A_432 : i32
        %ne3A_450 = arith.constant 0 : i32
        %ne3A_451 = arith.cmpi ne, %rem3A_449, %ne3A_450 : i32
        %and3A_452 = arith.andi %ne3A_448, %ne3A_451 : i1
        %sub3A_453 = arith.constant 1 : i32
        %sub3A_454 = arith.subi %div3A_433, %sub3A_453 : i32
        %select_n3A_455 = arith.select %and3A_452, %sub3A_454, %div3A_433 : i32
        %jit3A_456 = arith.constant 96 : i32
        %eq3A_457 = arith.constant 0 : i32
        %eq3A_458 = arith.cmpi eq, %jit3A_456, %eq3A_457 : i32
        %jit3A_459 = arith.constant 1 : i32
        %select_n3A_460 = arith.select %eq3A_458, %jit3A_459, %jit3A_456 : i32
        %rem3A_461 = arith.remsi %add3A_366, %select_n3A_460 : i32
        %ne3A_462 = arith.constant 0 : i32
        %ne3A_463 = arith.cmpi ne, %rem3A_461, %ne3A_462 : i32
        %lt3A_464 = arith.constant 0 : i32
        %lt3A_465 = arith.cmpi slt, %rem3A_461, %lt3A_464 : i32
        %lt3A_466 = arith.constant 0 : i32
        %lt3A_467 = arith.cmpi slt, %select_n3A_460, %lt3A_466 : i32
        %ne3A_468 = arith.xori %lt3A_465, %lt3A_467 : i1
        %and3A_469 = arith.andi %ne3A_468, %ne3A_463 : i1
        %add3A_470 = arith.addi %rem3A_461, %select_n3A_460 : i32
        %select_n3A_471 = arith.select %and3A_469, %add3A_470, %rem3A_461 : i32
        %jit3A_472 = arith.constant 3 : i32
        %div3A_473 = arith.divsi %select_n3A_471, %jit3A_472 : i32
        %sign3A_474 = arith.constant 0 : i32
        %sign3A_475 = arith.cmpi sgt, %select_n3A_471, %sign3A_474 : i32
        %sign3A_476 = arith.extui %sign3A_475 : i1 to i32
        %sign3A_477 = arith.constant 0 : i32
        %sign3A_478 = arith.cmpi slt, %select_n3A_471, %sign3A_477 : i32
        %sign3A_479 = arith.extui %sign3A_478 : i1 to i32
        %sign3A_480 = arith.subi %sign3A_476, %sign3A_479 : i32
        %sign3A_481 = arith.constant 0 : i32
        %sign3A_482 = arith.cmpi sgt, %jit3A_472, %sign3A_481 : i32
        %sign3A_483 = arith.extui %sign3A_482 : i1 to i32
        %sign3A_484 = arith.constant 0 : i32
        %sign3A_485 = arith.cmpi slt, %jit3A_472, %sign3A_484 : i32
        %sign3A_486 = arith.extui %sign3A_485 : i1 to i32
        %sign3A_487 = arith.subi %sign3A_483, %sign3A_486 : i32
        %ne3A_488 = arith.cmpi ne, %sign3A_480, %sign3A_487 : i32
        %rem3A_489 = arith.remsi %select_n3A_471, %jit3A_472 : i32
        %ne3A_490 = arith.constant 0 : i32
        %ne3A_491 = arith.cmpi ne, %rem3A_489, %ne3A_490 : i32
        %and3A_492 = arith.andi %ne3A_488, %ne3A_491 : i1
        %sub3A_493 = arith.constant 1 : i32
        %sub3A_494 = arith.subi %div3A_473, %sub3A_493 : i32
        %select_n3A_495 = arith.select %and3A_492, %sub3A_494, %div3A_473 : i32
        %jit3A_496 = arith.constant 3 : i32
        %eq3A_497 = arith.constant 0 : i32
        %eq3A_498 = arith.cmpi eq, %jit3A_496, %eq3A_497 : i32
        %jit3A_499 = arith.constant 1 : i32
        %select_n3A_500 = arith.select %eq3A_498, %jit3A_499, %jit3A_496 : i32
        %rem3A_501 = arith.remsi %add3A_366, %select_n3A_500 : i32
        %ne3A_502 = arith.constant 0 : i32
        %ne3A_503 = arith.cmpi ne, %rem3A_501, %ne3A_502 : i32
        %lt3A_504 = arith.constant 0 : i32
        %lt3A_505 = arith.cmpi slt, %rem3A_501, %lt3A_504 : i32
        %lt3A_506 = arith.constant 0 : i32
        %lt3A_507 = arith.cmpi slt, %select_n3A_500, %lt3A_506 : i32
        %ne3A_508 = arith.xori %lt3A_505, %lt3A_507 : i1
        %and3A_509 = arith.andi %ne3A_508, %ne3A_503 : i1
        %add3A_510 = arith.addi %rem3A_501, %select_n3A_500 : i32
        %select_n3A_511 = arith.select %and3A_509, %add3A_510, %rem3A_501 : i32
        %jit3A_512 = arith.constant 96 : i32
        %div3A_513 = arith.divsi %add3A_366, %jit3A_512 : i32
        %sign3A_514 = arith.constant 0 : i32
        %sign3A_515 = arith.cmpi sgt, %add3A_366, %sign3A_514 : i32
        %sign3A_516 = arith.extui %sign3A_515 : i1 to i32
        %sign3A_517 = arith.constant 0 : i32
        %sign3A_518 = arith.cmpi slt, %add3A_366, %sign3A_517 : i32
        %sign3A_519 = arith.extui %sign3A_518 : i1 to i32
        %sign3A_520 = arith.subi %sign3A_516, %sign3A_519 : i32
        %sign3A_521 = arith.constant 0 : i32
        %sign3A_522 = arith.cmpi sgt, %jit3A_512, %sign3A_521 : i32
        %sign3A_523 = arith.extui %sign3A_522 : i1 to i32
        %sign3A_524 = arith.constant 0 : i32
        %sign3A_525 = arith.cmpi slt, %jit3A_512, %sign3A_524 : i32
        %sign3A_526 = arith.extui %sign3A_525 : i1 to i32
        %sign3A_527 = arith.subi %sign3A_523, %sign3A_526 : i32
        %ne3A_528 = arith.cmpi ne, %sign3A_520, %sign3A_527 : i32
        %rem3A_529 = arith.remsi %add3A_366, %jit3A_512 : i32
        %ne3A_530 = arith.constant 0 : i32
        %ne3A_531 = arith.cmpi ne, %rem3A_529, %ne3A_530 : i32
        %and3A_532 = arith.andi %ne3A_528, %ne3A_531 : i1
        %sub3A_533 = arith.constant 1 : i32
        %sub3A_534 = arith.subi %div3A_513, %sub3A_533 : i32
        %select_n3A_535 = arith.select %and3A_532, %sub3A_534, %div3A_513 : i32
        %ne3A_536 = arith.cmpi ne, %select_n3A_415, %select_n3A_495 : i32
        %ne3A_537 = arith.cmpi ne, %select_n3A_431, %select_n3A_511 : i32
        %ne3A_538 = arith.cmpi ne, %select_n3A_455, %select_n3A_535 : i32
        %or3A = arith.constant false
        %or3A_539 = arith.ori %or3A, %ne3A_536 : i1
        %or3A_540 = arith.ori %or3A_539, %ne3A_537 : i1
        %or3A_541 = arith.ori %or3A_540, %ne3A_538 : i1
        %or3A_542 = arith.constant false
        %or3A_543 = arith.ori %or3A_541, %or3A_542 : i1
        %ge3A = arith.constant 47 : i32
        %ge3A_544 = arith.cmpi sge, %scan3A_336, %ge3A : i32
        %not3A = arith.constant true
        %not3A_545 = arith.xori %ge3A_544, %not3A : i1
        %and3A_546 = arith.andi %or3A_543, %not3A_545 : i1
        %convert_element_type3A = arith.extui %and3A_546 : i1 to i32
        %cond3A = arith.constant 0 : i32
        %cond3A_547 = arith.cmpi ne, %convert_element_type3A, %cond3A : i32
        scf.if %cond3A_547 {
          "tpu.trace_start"() <{level = 10 : i32, message = "ep_copy_in"}> : () -> ()
          %rem3A_2287 = arith.constant 2 : i32
          %rem3A_2288 = arith.remui %scan3A_337, %rem3A_2287 : i32
          %jit3A_2289 = arith.constant 96 : i32
          %eq3A_2290 = arith.constant 0 : i32
          %eq3A_2291 = arith.cmpi eq, %jit3A_2289, %eq3A_2290 : i32
          %jit3A_2292 = arith.constant 1 : i32
          %select_n3A_2293 = arith.select %eq3A_2291, %jit3A_2292, %jit3A_2289 : i32
          %rem3A_2294 = arith.remsi %add3A_366, %select_n3A_2293 : i32
          %ne3A_2295 = arith.constant 0 : i32
          %ne3A_2296 = arith.cmpi ne, %rem3A_2294, %ne3A_2295 : i32
          %lt3A_2297 = arith.constant 0 : i32
          %lt3A_2298 = arith.cmpi slt, %rem3A_2294, %lt3A_2297 : i32
          %lt3A_2299 = arith.constant 0 : i32
          %lt3A_2300 = arith.cmpi slt, %select_n3A_2293, %lt3A_2299 : i32
          %ne3A_2301 = arith.xori %lt3A_2298, %lt3A_2300 : i1
          %and3A_2302 = arith.andi %ne3A_2301, %ne3A_2296 : i1
          %add3A_2303 = arith.addi %rem3A_2294, %select_n3A_2293 : i32
          %select_n3A_2304 = arith.select %and3A_2302, %add3A_2303, %rem3A_2294 : i32
          %jit3A_2305 = arith.constant 3 : i32
          %div3A_2306 = arith.divsi %select_n3A_2304, %jit3A_2305 : i32
          %sign3A_2307 = arith.constant 0 : i32
          %sign3A_2308 = arith.cmpi sgt, %select_n3A_2304, %sign3A_2307 : i32
          %sign3A_2309 = arith.extui %sign3A_2308 : i1 to i32
          %sign3A_2310 = arith.constant 0 : i32
          %sign3A_2311 = arith.cmpi slt, %select_n3A_2304, %sign3A_2310 : i32
          %sign3A_2312 = arith.extui %sign3A_2311 : i1 to i32
          %sign3A_2313 = arith.subi %sign3A_2309, %sign3A_2312 : i32
          %sign3A_2314 = arith.constant 0 : i32
          %sign3A_2315 = arith.cmpi sgt, %jit3A_2305, %sign3A_2314 : i32
          %sign3A_2316 = arith.extui %sign3A_2315 : i1 to i32
          %sign3A_2317 = arith.constant 0 : i32
          %sign3A_2318 = arith.cmpi slt, %jit3A_2305, %sign3A_2317 : i32
          %sign3A_2319 = arith.extui %sign3A_2318 : i1 to i32
          %sign3A_2320 = arith.subi %sign3A_2316, %sign3A_2319 : i32
          %ne3A_2321 = arith.cmpi ne, %sign3A_2313, %sign3A_2320 : i32
          %rem3A_2322 = arith.remsi %select_n3A_2304, %jit3A_2305 : i32
          %ne3A_2323 = arith.constant 0 : i32
          %ne3A_2324 = arith.cmpi ne, %rem3A_2322, %ne3A_2323 : i32
          %and3A_2325 = arith.andi %ne3A_2321, %ne3A_2324 : i1
          %sub3A_2326 = arith.constant 1 : i32
          %sub3A_2327 = arith.subi %div3A_2306, %sub3A_2326 : i32
          %select_n3A_2328 = arith.select %and3A_2325, %sub3A_2327, %div3A_2306 : i32
          %jit3A_2329 = arith.constant 3 : i32
          %eq3A_2330 = arith.constant 0 : i32
          %eq3A_2331 = arith.cmpi eq, %jit3A_2329, %eq3A_2330 : i32
          %jit3A_2332 = arith.constant 1 : i32
          %select_n3A_2333 = arith.select %eq3A_2331, %jit3A_2332, %jit3A_2329 : i32
          %rem3A_2334 = arith.remsi %add3A_366, %select_n3A_2333 : i32
          %ne3A_2335 = arith.constant 0 : i32
          %ne3A_2336 = arith.cmpi ne, %rem3A_2334, %ne3A_2335 : i32
          %lt3A_2337 = arith.constant 0 : i32
          %lt3A_2338 = arith.cmpi slt, %rem3A_2334, %lt3A_2337 : i32
          %lt3A_2339 = arith.constant 0 : i32
          %lt3A_2340 = arith.cmpi slt, %select_n3A_2333, %lt3A_2339 : i32
          %ne3A_2341 = arith.xori %lt3A_2338, %lt3A_2340 : i1
          %and3A_2342 = arith.andi %ne3A_2341, %ne3A_2336 : i1
          %add3A_2343 = arith.addi %rem3A_2334, %select_n3A_2333 : i32
          %select_n3A_2344 = arith.select %and3A_2342, %add3A_2343, %rem3A_2334 : i32
          %jit3A_2345 = arith.constant 96 : i32
          %div3A_2346 = arith.divsi %add3A_366, %jit3A_2345 : i32
          %sign3A_2347 = arith.constant 0 : i32
          %sign3A_2348 = arith.cmpi sgt, %add3A_366, %sign3A_2347 : i32
          %sign3A_2349 = arith.extui %sign3A_2348 : i1 to i32
          %sign3A_2350 = arith.constant 0 : i32
          %sign3A_2351 = arith.cmpi slt, %add3A_366, %sign3A_2350 : i32
          %sign3A_2352 = arith.extui %sign3A_2351 : i1 to i32
          %sign3A_2353 = arith.subi %sign3A_2349, %sign3A_2352 : i32
          %sign3A_2354 = arith.constant 0 : i32
          %sign3A_2355 = arith.cmpi sgt, %jit3A_2345, %sign3A_2354 : i32
          %sign3A_2356 = arith.extui %sign3A_2355 : i1 to i32
          %sign3A_2357 = arith.constant 0 : i32
          %sign3A_2358 = arith.cmpi slt, %jit3A_2345, %sign3A_2357 : i32
          %sign3A_2359 = arith.extui %sign3A_2358 : i1 to i32
          %sign3A_2360 = arith.subi %sign3A_2356, %sign3A_2359 : i32
          %ne3A_2361 = arith.cmpi ne, %sign3A_2353, %sign3A_2360 : i32
          %rem3A_2362 = arith.remsi %add3A_366, %jit3A_2345 : i32
          %ne3A_2363 = arith.constant 0 : i32
          %ne3A_2364 = arith.cmpi ne, %rem3A_2362, %ne3A_2363 : i32
          %and3A_2365 = arith.andi %ne3A_2361, %ne3A_2364 : i1
          %sub3A_2366 = arith.constant 1 : i32
          %sub3A_2367 = arith.subi %div3A_2346, %sub3A_2366 : i32
          %select_n3A_2368 = arith.select %and3A_2365, %sub3A_2367, %div3A_2346 : i32
          %mul3A_2369 = arith.constant 1 : i32
          %mul3A_2370 = arith.muli %mul3A_2369, %select_n3A_2328 : i32
          %mul3A_2371 = arith.constant 1 : i32
          %mul3A_2372 = arith.muli %mul3A_2371, %select_n3A_2344 : i32
          %mul3A_2373 = arith.constant 32 : i32
          %mul3A_2374 = arith.muli %mul3A_2373, %select_n3A_2368 : i32
          %dma_start3A_2375 = arith.constant 0 : i32
          %dma_start3A_2376 = arith.constant 0 : i32
          %dma_start3A_2377 = arith.constant 0 : i32
          %dma_start3A_2378 = arith.constant 0 : i32
          %dma_start3A_2379 = tpu.memref_slice %run_scoped3A[%rem3A_2288, %dma_start3A_2375, %dma_start3A_2376, %dma_start3A_2377, %dma_start3A_2378] : memref<2x1x1x32x512xf32, #tpu.memory_space<vmem>> -> memref<1x1x1x32x512xf32, #tpu.memory_space<vmem>>
          %dma_start3A_2380 = tpu.memref_squeeze %dma_start3A_2379 : memref<1x1x1x32x512xf32, #tpu.memory_space<vmem>> -> memref<1x1x32x512xf32, #tpu.memory_space<vmem>>
          %dma_start3A_2381 = arith.constant 0 : i32
          %dma_start3A_2382 = tpu.memref_slice %arg2[%mul3A_2370, %mul3A_2372, %mul3A_2374, %dma_start3A_2381] : memref<32x3x512x512xf32, #tpu.memory_space<hbm>> -> memref<1x1x32x512xf32, #tpu.memory_space<hbm>>
          %dma_start3A_2383 = tpu.memref_slice %run_scoped3A_8[%rem3A_2288] : memref<2x!tpu.dma_semaphore, #tpu.memory_space<semaphore_mem>> -> memref<1x!tpu.dma_semaphore, #tpu.memory_space<semaphore_mem>>
          %dma_start3A_2384 = tpu.memref_squeeze %dma_start3A_2383 : memref<1x!tpu.dma_semaphore, #tpu.memory_space<semaphore_mem>> -> memref<!tpu.dma_semaphore, #tpu.memory_space<semaphore_mem>>
          %dma_start3A_2385 = arith.constant 0 : i32
          %dma_start3A_2386 = arith.constant 0 : i32
          %dma_start3A_2387 = arith.constant 0 : i32
          %dma_start3A_2388 = arith.constant 0 : i32
          %dma_start3A_2389 = tpu.memref_slice %run_scoped3A[%rem3A_2288, %dma_start3A_2385, %dma_start3A_2386, %dma_start3A_2387, %dma_start3A_2388] : memref<2x1x1x32x512xf32, #tpu.memory_space<vmem>> -> memref<1x1x1x32x512xf32, #tpu.memory_space<vmem>>
          %dma_start3A_2390 = tpu.memref_squeeze %dma_start3A_2389 : memref<1x1x1x32x512xf32, #tpu.memory_space<vmem>> -> memref<1x1x32x512xf32, #tpu.memory_space<vmem>>
          %dma_start3A_2391 = arith.constant 0 : i32
          %dma_start3A_2392 = tpu.memref_slice %arg2[%mul3A_2370, %mul3A_2372, %mul3A_2374, %dma_start3A_2391] : memref<32x3x512x512xf32, #tpu.memory_space<hbm>> -> memref<1x1x32x512xf32, #tpu.memory_space<hbm>>
          tpu.enqueue_dma source(%dma_start3A_2392 : memref<1x1x32x512xf32, #tpu.memory_space<hbm>>) target(%dma_start3A_2390 : memref<1x1x32x512xf32, #tpu.memory_space<vmem>>) target_semaphore(%dma_start3A_2384 : memref<!tpu.dma_semaphore, #tpu.memory_space<semaphore_mem>>)
          "tpu.trace_stop"() : () -> ()
        } else {
        }
        %and3A_548 = arith.constant true
        %and3A_549 = arith.andi %and3A_546, %and3A_548 : i1
        %add3A_550 = arith.constant 1 : i32
        %add3A_551 = arith.addi %scan3A_337, %add3A_550 : i32
        %select_n3A_552 = arith.select %and3A_549, %add3A_551, %scan3A_337 : i32
        %jit3A_553 = arith.constant 96 : i32
        %eq3A_554 = arith.constant 0 : i32
        %eq3A_555 = arith.cmpi eq, %jit3A_553, %eq3A_554 : i32
        %jit3A_556 = arith.constant 1 : i32
        %select_n3A_557 = arith.select %eq3A_555, %jit3A_556, %jit3A_553 : i32
        %rem3A_558 = arith.remsi %add3A_348, %select_n3A_557 : i32
        %ne3A_559 = arith.constant 0 : i32
        %ne3A_560 = arith.cmpi ne, %rem3A_558, %ne3A_559 : i32
        %lt3A_561 = arith.constant 0 : i32
        %lt3A_562 = arith.cmpi slt, %rem3A_558, %lt3A_561 : i32
        %lt3A_563 = arith.constant 0 : i32
        %lt3A_564 = arith.cmpi slt, %select_n3A_557, %lt3A_563 : i32
        %ne3A_565 = arith.xori %lt3A_562, %lt3A_564 : i1
        %and3A_566 = arith.andi %ne3A_565, %ne3A_560 : i1
        %add3A_567 = arith.addi %rem3A_558, %select_n3A_557 : i32
        %select_n3A_568 = arith.select %and3A_566, %add3A_567, %rem3A_558 : i32
        %jit3A_569 = arith.constant 96 : i32
        %eq3A_570 = arith.constant 0 : i32
        %eq3A_571 = arith.cmpi eq, %jit3A_569, %eq3A_570 : i32
        %jit3A_572 = arith.constant 1 : i32
        %select_n3A_573 = arith.select %eq3A_571, %jit3A_572, %jit3A_569 : i32
        %rem3A_574 = arith.remsi %add3A_366, %select_n3A_573 : i32
        %ne3A_575 = arith.constant 0 : i32
        %ne3A_576 = arith.cmpi ne, %rem3A_574, %ne3A_575 : i32
        %lt3A_577 = arith.constant 0 : i32
        %lt3A_578 = arith.cmpi slt, %rem3A_574, %lt3A_577 : i32
        %lt3A_579 = arith.constant 0 : i32
        %lt3A_580 = arith.cmpi slt, %select_n3A_573, %lt3A_579 : i32
        %ne3A_581 = arith.xori %lt3A_578, %lt3A_580 : i1
        %and3A_582 = arith.andi %ne3A_581, %ne3A_576 : i1
        %add3A_583 = arith.addi %rem3A_574, %select_n3A_573 : i32
        %select_n3A_584 = arith.select %and3A_582, %add3A_583, %rem3A_574 : i32
        %ne3A_585 = arith.cmpi ne, %select_n3A_568, %select_n3A_584 : i32
        %or3A_586 = arith.constant false
        %or3A_587 = arith.ori %or3A_586, %ne3A_585 : i1
        %or3A_588 = arith.constant false
        %or3A_589 = arith.ori %or3A_587, %or3A_588 : i1
        %ge3A_590 = arith.constant 47 : i32
        %ge3A_591 = arith.cmpi sge, %scan3A_336, %ge3A_590 : i32
        %not3A_592 = arith.constant true
        %not3A_593 = arith.xori %ge3A_591, %not3A_592 : i1
        %and3A_594 = arith.andi %or3A_589, %not3A_593 : i1
        %convert_element_type3A_595 = arith.extui %and3A_594 : i1 to i32
        %cond3A_596 = arith.constant 0 : i32
        %cond3A_597 = arith.cmpi ne, %convert_element_type3A_595, %cond3A_596 : i32
        scf.if %cond3A_597 {
          "tpu.trace_start"() <{level = 10 : i32, message = "ep_copy_in"}> : () -> ()
          %rem3A_2287 = arith.constant 2 : i32
          %rem3A_2288 = arith.remui %scan3A_339, %rem3A_2287 : i32
          %jit3A_2289 = arith.constant 96 : i32
          %eq3A_2290 = arith.constant 0 : i32
          %eq3A_2291 = arith.cmpi eq, %jit3A_2289, %eq3A_2290 : i32
          %jit3A_2292 = arith.constant 1 : i32
          %select_n3A_2293 = arith.select %eq3A_2291, %jit3A_2292, %jit3A_2289 : i32
          %rem3A_2294 = arith.remsi %add3A_366, %select_n3A_2293 : i32
          %ne3A_2295 = arith.constant 0 : i32
          %ne3A_2296 = arith.cmpi ne, %rem3A_2294, %ne3A_2295 : i32
          %lt3A_2297 = arith.constant 0 : i32
          %lt3A_2298 = arith.cmpi slt, %rem3A_2294, %lt3A_2297 : i32
          %lt3A_2299 = arith.constant 0 : i32
          %lt3A_2300 = arith.cmpi slt, %select_n3A_2293, %lt3A_2299 : i32
          %ne3A_2301 = arith.xori %lt3A_2298, %lt3A_2300 : i1
          %and3A_2302 = arith.andi %ne3A_2301, %ne3A_2296 : i1
          %add3A_2303 = arith.addi %rem3A_2294, %select_n3A_2293 : i32
          %select_n3A_2304 = arith.select %and3A_2302, %add3A_2303, %rem3A_2294 : i32
          %mul3A_2305 = arith.constant 1 : i32
          %mul3A_2306 = arith.muli %mul3A_2305, %select_n3A_2304 : i32
          %dma_start3A_2307 = arith.constant 0 : i32
          %dma_start3A_2308 = arith.constant 0 : i32
          %dma_start3A_2309 = tpu.memref_slice %run_scoped3A_9[%rem3A_2288, %dma_start3A_2307, %dma_start3A_2308] : memref<2x1x88xf32, #tpu.memory_space<vmem>> -> memref<1x1x88xf32, #tpu.memory_space<vmem>>
          %dma_start3A_2310 = tpu.memref_squeeze %dma_start3A_2309 : memref<1x1x88xf32, #tpu.memory_space<vmem>> -> memref<1x88xf32, #tpu.memory_space<vmem>>
          %dma_start3A_2311 = arith.constant 0 : i32
          %dma_start3A_2312 = tpu.memref_slice %arg3[%mul3A_2306, %dma_start3A_2311] : memref<96x88xf32, #tpu.memory_space<hbm>> -> memref<1x88xf32, #tpu.memory_space<hbm>>
          %dma_start3A_2313 = tpu.memref_slice %run_scoped3A_10[%rem3A_2288] : memref<2x!tpu.dma_semaphore, #tpu.memory_space<semaphore_mem>> -> memref<1x!tpu.dma_semaphore, #tpu.memory_space<semaphore_mem>>
          %dma_start3A_2314 = tpu.memref_squeeze %dma_start3A_2313 : memref<1x!tpu.dma_semaphore, #tpu.memory_space<semaphore_mem>> -> memref<!tpu.dma_semaphore, #tpu.memory_space<semaphore_mem>>
          %dma_start3A_2315 = arith.constant 0 : i32
          %dma_start3A_2316 = arith.constant 0 : i32
          %dma_start3A_2317 = tpu.memref_slice %run_scoped3A_9[%rem3A_2288, %dma_start3A_2315, %dma_start3A_2316] : memref<2x1x88xf32, #tpu.memory_space<vmem>> -> memref<1x1x88xf32, #tpu.memory_space<vmem>>
          %dma_start3A_2318 = tpu.memref_squeeze %dma_start3A_2317 : memref<1x1x88xf32, #tpu.memory_space<vmem>> -> memref<1x88xf32, #tpu.memory_space<vmem>>
          %dma_start3A_2319 = arith.constant 0 : i32
          %dma_start3A_2320 = tpu.memref_slice %arg3[%mul3A_2306, %dma_start3A_2319] : memref<96x88xf32, #tpu.memory_space<hbm>> -> memref<1x88xf32, #tpu.memory_space<hbm>>
          tpu.enqueue_dma source(%dma_start3A_2320 : memref<1x88xf32, #tpu.memory_space<hbm>>) target(%dma_start3A_2318 : memref<1x88xf32, #tpu.memory_space<vmem>>) target_semaphore(%dma_start3A_2314 : memref<!tpu.dma_semaphore, #tpu.memory_space<semaphore_mem>>)
          "tpu.trace_stop"() : () -> ()
        } else {
        }
        %and3A_598 = arith.constant true
        %and3A_599 = arith.andi %and3A_594, %and3A_598 : i1
        %add3A_600 = arith.constant 1 : i32
        %add3A_601 = arith.addi %scan3A_339, %add3A_600 : i32
        %select_n3A_602 = arith.select %and3A_599, %add3A_601, %scan3A_339 : i32
        %jit3A_603 = arith.constant 96 : i32
        %eq3A_604 = arith.constant 0 : i32
        %eq3A_605 = arith.cmpi eq, %jit3A_603, %eq3A_604 : i32
        %jit3A_606 = arith.constant 1 : i32
        %select_n3A_607 = arith.select %eq3A_605, %jit3A_606, %jit3A_603 : i32
        %rem3A_608 = arith.remsi %add3A_348, %select_n3A_607 : i32
        %ne3A_609 = arith.constant 0 : i32
        %ne3A_610 = arith.cmpi ne, %rem3A_608, %ne3A_609 : i32
        %lt3A_611 = arith.constant 0 : i32
        %lt3A_612 = arith.cmpi slt, %rem3A_608, %lt3A_611 : i32
        %lt3A_613 = arith.constant 0 : i32
        %lt3A_614 = arith.cmpi slt, %select_n3A_607, %lt3A_613 : i32
        %ne3A_615 = arith.xori %lt3A_612, %lt3A_614 : i1
        %and3A_616 = arith.andi %ne3A_615, %ne3A_610 : i1
        %add3A_617 = arith.addi %rem3A_608, %select_n3A_607 : i32
        %select_n3A_618 = arith.select %and3A_616, %add3A_617, %rem3A_608 : i32
        %jit3A_619 = arith.constant 3 : i32
        %div3A_620 = arith.divsi %select_n3A_618, %jit3A_619 : i32
        %sign3A_621 = arith.constant 0 : i32
        %sign3A_622 = arith.cmpi sgt, %select_n3A_618, %sign3A_621 : i32
        %sign3A_623 = arith.extui %sign3A_622 : i1 to i32
        %sign3A_624 = arith.constant 0 : i32
        %sign3A_625 = arith.cmpi slt, %select_n3A_618, %sign3A_624 : i32
        %sign3A_626 = arith.extui %sign3A_625 : i1 to i32
        %sign3A_627 = arith.subi %sign3A_623, %sign3A_626 : i32
        %sign3A_628 = arith.constant 0 : i32
        %sign3A_629 = arith.cmpi sgt, %jit3A_619, %sign3A_628 : i32
        %sign3A_630 = arith.extui %sign3A_629 : i1 to i32
        %sign3A_631 = arith.constant 0 : i32
        %sign3A_632 = arith.cmpi slt, %jit3A_619, %sign3A_631 : i32
        %sign3A_633 = arith.extui %sign3A_632 : i1 to i32
        %sign3A_634 = arith.subi %sign3A_630, %sign3A_633 : i32
        %ne3A_635 = arith.cmpi ne, %sign3A_627, %sign3A_634 : i32
        %rem3A_636 = arith.remsi %select_n3A_618, %jit3A_619 : i32
        %ne3A_637 = arith.constant 0 : i32
        %ne3A_638 = arith.cmpi ne, %rem3A_636, %ne3A_637 : i32
        %and3A_639 = arith.andi %ne3A_635, %ne3A_638 : i1
        %sub3A_640 = arith.constant 1 : i32
        %sub3A_641 = arith.subi %div3A_620, %sub3A_640 : i32
        %select_n3A_642 = arith.select %and3A_639, %sub3A_641, %div3A_620 : i32
        %jit3A_643 = arith.constant 3 : i32
        %eq3A_644 = arith.constant 0 : i32
        %eq3A_645 = arith.cmpi eq, %jit3A_643, %eq3A_644 : i32
        %jit3A_646 = arith.constant 1 : i32
        %select_n3A_647 = arith.select %eq3A_645, %jit3A_646, %jit3A_643 : i32
        %rem3A_648 = arith.remsi %add3A_348, %select_n3A_647 : i32
        %ne3A_649 = arith.constant 0 : i32
        %ne3A_650 = arith.cmpi ne, %rem3A_648, %ne3A_649 : i32
        %lt3A_651 = arith.constant 0 : i32
        %lt3A_652 = arith.cmpi slt, %rem3A_648, %lt3A_651 : i32
        %lt3A_653 = arith.constant 0 : i32
        %lt3A_654 = arith.cmpi slt, %select_n3A_647, %lt3A_653 : i32
        %ne3A_655 = arith.xori %lt3A_652, %lt3A_654 : i1
        %and3A_656 = arith.andi %ne3A_655, %ne3A_650 : i1
        %add3A_657 = arith.addi %rem3A_648, %select_n3A_647 : i32
        %select_n3A_658 = arith.select %and3A_656, %add3A_657, %rem3A_648 : i32
        %jit3A_659 = arith.constant 96 : i32
        %div3A_660 = arith.divsi %add3A_348, %jit3A_659 : i32
        %sign3A_661 = arith.constant 0 : i32
        %sign3A_662 = arith.cmpi sgt, %add3A_348, %sign3A_661 : i32
        %sign3A_663 = arith.extui %sign3A_662 : i1 to i32
        %sign3A_664 = arith.constant 0 : i32
        %sign3A_665 = arith.cmpi slt, %add3A_348, %sign3A_664 : i32
        %sign3A_666 = arith.extui %sign3A_665 : i1 to i32
        %sign3A_667 = arith.subi %sign3A_663, %sign3A_666 : i32
        %sign3A_668 = arith.constant 0 : i32
        %sign3A_669 = arith.cmpi sgt, %jit3A_659, %sign3A_668 : i32
        %sign3A_670 = arith.extui %sign3A_669 : i1 to i32
        %sign3A_671 = arith.constant 0 : i32
        %sign3A_672 = arith.cmpi slt, %jit3A_659, %sign3A_671 : i32
        %sign3A_673 = arith.extui %sign3A_672 : i1 to i32
        %sign3A_674 = arith.subi %sign3A_670, %sign3A_673 : i32
        %ne3A_675 = arith.cmpi ne, %sign3A_667, %sign3A_674 : i32
        %rem3A_676 = arith.remsi %add3A_348, %jit3A_659 : i32
        %ne3A_677 = arith.constant 0 : i32
        %ne3A_678 = arith.cmpi ne, %rem3A_676, %ne3A_677 : i32
        %and3A_679 = arith.andi %ne3A_675, %ne3A_678 : i1
        %sub3A_680 = arith.constant 1 : i32
        %sub3A_681 = arith.subi %div3A_660, %sub3A_680 : i32
        %select_n3A_682 = arith.select %and3A_679, %sub3A_681, %div3A_660 : i32
        %jit3A_683 = arith.constant 96 : i32
        %eq3A_684 = arith.constant 0 : i32
        %eq3A_685 = arith.cmpi eq, %jit3A_683, %eq3A_684 : i32
        %jit3A_686 = arith.constant 1 : i32
        %select_n3A_687 = arith.select %eq3A_685, %jit3A_686, %jit3A_683 : i32
        %rem3A_688 = arith.remsi %add3A_366, %select_n3A_687 : i32
        %ne3A_689 = arith.constant 0 : i32
        %ne3A_690 = arith.cmpi ne, %rem3A_688, %ne3A_689 : i32
        %lt3A_691 = arith.constant 0 : i32
        %lt3A_692 = arith.cmpi slt, %rem3A_688, %lt3A_691 : i32
        %lt3A_693 = arith.constant 0 : i32
        %lt3A_694 = arith.cmpi slt, %select_n3A_687, %lt3A_693 : i32
        %ne3A_695 = arith.xori %lt3A_692, %lt3A_694 : i1
        %and3A_696 = arith.andi %ne3A_695, %ne3A_690 : i1
        %add3A_697 = arith.addi %rem3A_688, %select_n3A_687 : i32
        %select_n3A_698 = arith.select %and3A_696, %add3A_697, %rem3A_688 : i32
        %jit3A_699 = arith.constant 3 : i32
        %div3A_700 = arith.divsi %select_n3A_698, %jit3A_699 : i32
        %sign3A_701 = arith.constant 0 : i32
        %sign3A_702 = arith.cmpi sgt, %select_n3A_698, %sign3A_701 : i32
        %sign3A_703 = arith.extui %sign3A_702 : i1 to i32
        %sign3A_704 = arith.constant 0 : i32
        %sign3A_705 = arith.cmpi slt, %select_n3A_698, %sign3A_704 : i32
        %sign3A_706 = arith.extui %sign3A_705 : i1 to i32
        %sign3A_707 = arith.subi %sign3A_703, %sign3A_706 : i32
        %sign3A_708 = arith.constant 0 : i32
        %sign3A_709 = arith.cmpi sgt, %jit3A_699, %sign3A_708 : i32
        %sign3A_710 = arith.extui %sign3A_709 : i1 to i32
        %sign3A_711 = arith.constant 0 : i32
        %sign3A_712 = arith.cmpi slt, %jit3A_699, %sign3A_711 : i32
        %sign3A_713 = arith.extui %sign3A_712 : i1 to i32
        %sign3A_714 = arith.subi %sign3A_710, %sign3A_713 : i32
        %ne3A_715 = arith.cmpi ne, %sign3A_707, %sign3A_714 : i32
        %rem3A_716 = arith.remsi %select_n3A_698, %jit3A_699 : i32
        %ne3A_717 = arith.constant 0 : i32
        %ne3A_718 = arith.cmpi ne, %rem3A_716, %ne3A_717 : i32
        %and3A_719 = arith.andi %ne3A_715, %ne3A_718 : i1
        %sub3A_720 = arith.constant 1 : i32
        %sub3A_721 = arith.subi %div3A_700, %sub3A_720 : i32
        %select_n3A_722 = arith.select %and3A_719, %sub3A_721, %div3A_700 : i32
        %jit3A_723 = arith.constant 3 : i32
        %eq3A_724 = arith.constant 0 : i32
        %eq3A_725 = arith.cmpi eq, %jit3A_723, %eq3A_724 : i32
        %jit3A_726 = arith.constant 1 : i32
        %select_n3A_727 = arith.select %eq3A_725, %jit3A_726, %jit3A_723 : i32
        %rem3A_728 = arith.remsi %add3A_366, %select_n3A_727 : i32
        %ne3A_729 = arith.constant 0 : i32
        %ne3A_730 = arith.cmpi ne, %rem3A_728, %ne3A_729 : i32
        %lt3A_731 = arith.constant 0 : i32
        %lt3A_732 = arith.cmpi slt, %rem3A_728, %lt3A_731 : i32
        %lt3A_733 = arith.constant 0 : i32
        %lt3A_734 = arith.cmpi slt, %select_n3A_727, %lt3A_733 : i32
        %ne3A_735 = arith.xori %lt3A_732, %lt3A_734 : i1
        %and3A_736 = arith.andi %ne3A_735, %ne3A_730 : i1
        %add3A_737 = arith.addi %rem3A_728, %select_n3A_727 : i32
        %select_n3A_738 = arith.select %and3A_736, %add3A_737, %rem3A_728 : i32
        %jit3A_739 = arith.constant 96 : i32
        %div3A_740 = arith.divsi %add3A_366, %jit3A_739 : i32
        %sign3A_741 = arith.constant 0 : i32
        %sign3A_742 = arith.cmpi sgt, %add3A_366, %sign3A_741 : i32
        %sign3A_743 = arith.extui %sign3A_742 : i1 to i32
        %sign3A_744 = arith.constant 0 : i32
        %sign3A_745 = arith.cmpi slt, %add3A_366, %sign3A_744 : i32
        %sign3A_746 = arith.extui %sign3A_745 : i1 to i32
        %sign3A_747 = arith.subi %sign3A_743, %sign3A_746 : i32
        %sign3A_748 = arith.constant 0 : i32
        %sign3A_749 = arith.cmpi sgt, %jit3A_739, %sign3A_748 : i32
        %sign3A_750 = arith.extui %sign3A_749 : i1 to i32
        %sign3A_751 = arith.constant 0 : i32
        %sign3A_752 = arith.cmpi slt, %jit3A_739, %sign3A_751 : i32
        %sign3A_753 = arith.extui %sign3A_752 : i1 to i32
        %sign3A_754 = arith.subi %sign3A_750, %sign3A_753 : i32
        %ne3A_755 = arith.cmpi ne, %sign3A_747, %sign3A_754 : i32
        %rem3A_756 = arith.remsi %add3A_366, %jit3A_739 : i32
        %ne3A_757 = arith.constant 0 : i32
        %ne3A_758 = arith.cmpi ne, %rem3A_756, %ne3A_757 : i32
        %and3A_759 = arith.andi %ne3A_755, %ne3A_758 : i1
        %sub3A_760 = arith.constant 1 : i32
        %sub3A_761 = arith.subi %div3A_740, %sub3A_760 : i32
        %select_n3A_762 = arith.select %and3A_759, %sub3A_761, %div3A_740 : i32
        %ne3A_763 = arith.cmpi ne, %select_n3A_642, %select_n3A_722 : i32
        %ne3A_764 = arith.cmpi ne, %select_n3A_658, %select_n3A_738 : i32
        %ne3A_765 = arith.cmpi ne, %select_n3A_682, %select_n3A_762 : i32
        %or3A_766 = arith.constant false
        %or3A_767 = arith.ori %or3A_766, %ne3A_763 : i1
        %or3A_768 = arith.ori %or3A_767, %ne3A_764 : i1
        %or3A_769 = arith.ori %or3A_768, %ne3A_765 : i1
        %or3A_770 = arith.constant false
        %or3A_771 = arith.ori %or3A_769, %or3A_770 : i1
        %ge3A_772 = arith.constant 47 : i32
        %ge3A_773 = arith.cmpi sge, %scan3A_336, %ge3A_772 : i32
        %not3A_774 = arith.constant true
        %not3A_775 = arith.xori %ge3A_773, %not3A_774 : i1
        %and3A_776 = arith.andi %or3A_771, %not3A_775 : i1
        %jit3A_777 = arith.constant 96 : i32
        %eq3A_778 = arith.constant 0 : i32
        %eq3A_779 = arith.cmpi eq, %jit3A_777, %eq3A_778 : i32
        %jit3A_780 = arith.constant 1 : i32
        %select_n3A_781 = arith.select %eq3A_779, %jit3A_780, %jit3A_777 : i32
        %rem3A_782 = arith.remsi %add3A_348, %select_n3A_781 : i32
        %ne3A_783 = arith.constant 0 : i32
        %ne3A_784 = arith.cmpi ne, %rem3A_782, %ne3A_783 : i32
        %lt3A_785 = arith.constant 0 : i32
        %lt3A_786 = arith.cmpi slt, %rem3A_782, %lt3A_785 : i32
        %lt3A_787 = arith.constant 0 : i32
        %lt3A_788 = arith.cmpi slt, %select_n3A_781, %lt3A_787 : i32
        %ne3A_789 = arith.xori %lt3A_786, %lt3A_788 : i1
        %and3A_790 = arith.andi %ne3A_789, %ne3A_784 : i1
        %add3A_791 = arith.addi %rem3A_782, %select_n3A_781 : i32
        %select_n3A_792 = arith.select %and3A_790, %add3A_791, %rem3A_782 : i32
        %jit3A_793 = arith.constant 3 : i32
        %div3A_794 = arith.divsi %select_n3A_792, %jit3A_793 : i32
        %sign3A_795 = arith.constant 0 : i32
        %sign3A_796 = arith.cmpi sgt, %select_n3A_792, %sign3A_795 : i32
        %sign3A_797 = arith.extui %sign3A_796 : i1 to i32
        %sign3A_798 = arith.constant 0 : i32
        %sign3A_799 = arith.cmpi slt, %select_n3A_792, %sign3A_798 : i32
        %sign3A_800 = arith.extui %sign3A_799 : i1 to i32
        %sign3A_801 = arith.subi %sign3A_797, %sign3A_800 : i32
        %sign3A_802 = arith.constant 0 : i32
        %sign3A_803 = arith.cmpi sgt, %jit3A_793, %sign3A_802 : i32
        %sign3A_804 = arith.extui %sign3A_803 : i1 to i32
        %sign3A_805 = arith.constant 0 : i32
        %sign3A_806 = arith.cmpi slt, %jit3A_793, %sign3A_805 : i32
        %sign3A_807 = arith.extui %sign3A_806 : i1 to i32
        %sign3A_808 = arith.subi %sign3A_804, %sign3A_807 : i32
        %ne3A_809 = arith.cmpi ne, %sign3A_801, %sign3A_808 : i32
        %rem3A_810 = arith.remsi %select_n3A_792, %jit3A_793 : i32
        %ne3A_811 = arith.constant 0 : i32
        %ne3A_812 = arith.cmpi ne, %rem3A_810, %ne3A_811 : i32
        %and3A_813 = arith.andi %ne3A_809, %ne3A_812 : i1
        %sub3A_814 = arith.constant 1 : i32
        %sub3A_815 = arith.subi %div3A_794, %sub3A_814 : i32
        %select_n3A_816 = arith.select %and3A_813, %sub3A_815, %div3A_794 : i32
        %jit3A_817 = arith.constant 3 : i32
        %eq3A_818 = arith.constant 0 : i32
        %eq3A_819 = arith.cmpi eq, %jit3A_817, %eq3A_818 : i32
        %jit3A_820 = arith.constant 1 : i32
        %select_n3A_821 = arith.select %eq3A_819, %jit3A_820, %jit3A_817 : i32
        %rem3A_822 = arith.remsi %add3A_348, %select_n3A_821 : i32
        %ne3A_823 = arith.constant 0 : i32
        %ne3A_824 = arith.cmpi ne, %rem3A_822, %ne3A_823 : i32
        %lt3A_825 = arith.constant 0 : i32
        %lt3A_826 = arith.cmpi slt, %rem3A_822, %lt3A_825 : i32
        %lt3A_827 = arith.constant 0 : i32
        %lt3A_828 = arith.cmpi slt, %select_n3A_821, %lt3A_827 : i32
        %ne3A_829 = arith.xori %lt3A_826, %lt3A_828 : i1
        %and3A_830 = arith.andi %ne3A_829, %ne3A_824 : i1
        %add3A_831 = arith.addi %rem3A_822, %select_n3A_821 : i32
        %select_n3A_832 = arith.select %and3A_830, %add3A_831, %rem3A_822 : i32
        %jit3A_833 = arith.constant 96 : i32
        %div3A_834 = arith.divsi %add3A_348, %jit3A_833 : i32
        %sign3A_835 = arith.constant 0 : i32
        %sign3A_836 = arith.cmpi sgt, %add3A_348, %sign3A_835 : i32
        %sign3A_837 = arith.extui %sign3A_836 : i1 to i32
        %sign3A_838 = arith.constant 0 : i32
        %sign3A_839 = arith.cmpi slt, %add3A_348, %sign3A_838 : i32
        %sign3A_840 = arith.extui %sign3A_839 : i1 to i32
        %sign3A_841 = arith.subi %sign3A_837, %sign3A_840 : i32
        %sign3A_842 = arith.constant 0 : i32
        %sign3A_843 = arith.cmpi sgt, %jit3A_833, %sign3A_842 : i32
        %sign3A_844 = arith.extui %sign3A_843 : i1 to i32
        %sign3A_845 = arith.constant 0 : i32
        %sign3A_846 = arith.cmpi slt, %jit3A_833, %sign3A_845 : i32
        %sign3A_847 = arith.extui %sign3A_846 : i1 to i32
        %sign3A_848 = arith.subi %sign3A_844, %sign3A_847 : i32
        %ne3A_849 = arith.cmpi ne, %sign3A_841, %sign3A_848 : i32
        %rem3A_850 = arith.remsi %add3A_348, %jit3A_833 : i32
        %ne3A_851 = arith.constant 0 : i32
        %ne3A_852 = arith.cmpi ne, %rem3A_850, %ne3A_851 : i32
        %and3A_853 = arith.andi %ne3A_849, %ne3A_852 : i1
        %sub3A_854 = arith.constant 1 : i32
        %sub3A_855 = arith.subi %div3A_834, %sub3A_854 : i32
        %select_n3A_856 = arith.select %and3A_853, %sub3A_855, %div3A_834 : i32
        %jit3A_857 = arith.constant 96 : i32
        %eq3A_858 = arith.constant 0 : i32
        %eq3A_859 = arith.cmpi eq, %jit3A_857, %eq3A_858 : i32
        %jit3A_860 = arith.constant 1 : i32
        %select_n3A_861 = arith.select %eq3A_859, %jit3A_860, %jit3A_857 : i32
        %rem3A_862 = arith.remsi %add3A_357, %select_n3A_861 : i32
        %ne3A_863 = arith.constant 0 : i32
        %ne3A_864 = arith.cmpi ne, %rem3A_862, %ne3A_863 : i32
        %lt3A_865 = arith.constant 0 : i32
        %lt3A_866 = arith.cmpi slt, %rem3A_862, %lt3A_865 : i32
        %lt3A_867 = arith.constant 0 : i32
        %lt3A_868 = arith.cmpi slt, %select_n3A_861, %lt3A_867 : i32
        %ne3A_869 = arith.xori %lt3A_866, %lt3A_868 : i1
        %and3A_870 = arith.andi %ne3A_869, %ne3A_864 : i1
        %add3A_871 = arith.addi %rem3A_862, %select_n3A_861 : i32
        %select_n3A_872 = arith.select %and3A_870, %add3A_871, %rem3A_862 : i32
        %jit3A_873 = arith.constant 3 : i32
        %div3A_874 = arith.divsi %select_n3A_872, %jit3A_873 : i32
        %sign3A_875 = arith.constant 0 : i32
        %sign3A_876 = arith.cmpi sgt, %select_n3A_872, %sign3A_875 : i32
        %sign3A_877 = arith.extui %sign3A_876 : i1 to i32
        %sign3A_878 = arith.constant 0 : i32
        %sign3A_879 = arith.cmpi slt, %select_n3A_872, %sign3A_878 : i32
        %sign3A_880 = arith.extui %sign3A_879 : i1 to i32
        %sign3A_881 = arith.subi %sign3A_877, %sign3A_880 : i32
        %sign3A_882 = arith.constant 0 : i32
        %sign3A_883 = arith.cmpi sgt, %jit3A_873, %sign3A_882 : i32
        %sign3A_884 = arith.extui %sign3A_883 : i1 to i32
        %sign3A_885 = arith.constant 0 : i32
        %sign3A_886 = arith.cmpi slt, %jit3A_873, %sign3A_885 : i32
        %sign3A_887 = arith.extui %sign3A_886 : i1 to i32
        %sign3A_888 = arith.subi %sign3A_884, %sign3A_887 : i32
        %ne3A_889 = arith.cmpi ne, %sign3A_881, %sign3A_888 : i32
        %rem3A_890 = arith.remsi %select_n3A_872, %jit3A_873 : i32
        %ne3A_891 = arith.constant 0 : i32
        %ne3A_892 = arith.cmpi ne, %rem3A_890, %ne3A_891 : i32
        %and3A_893 = arith.andi %ne3A_889, %ne3A_892 : i1
        %sub3A_894 = arith.constant 1 : i32
        %sub3A_895 = arith.subi %div3A_874, %sub3A_894 : i32
        %select_n3A_896 = arith.select %and3A_893, %sub3A_895, %div3A_874 : i32
        %jit3A_897 = arith.constant 3 : i32
        %eq3A_898 = arith.constant 0 : i32
        %eq3A_899 = arith.cmpi eq, %jit3A_897, %eq3A_898 : i32
        %jit3A_900 = arith.constant 1 : i32
        %select_n3A_901 = arith.select %eq3A_899, %jit3A_900, %jit3A_897 : i32
        %rem3A_902 = arith.remsi %add3A_357, %select_n3A_901 : i32
        %ne3A_903 = arith.constant 0 : i32
        %ne3A_904 = arith.cmpi ne, %rem3A_902, %ne3A_903 : i32
        %lt3A_905 = arith.constant 0 : i32
        %lt3A_906 = arith.cmpi slt, %rem3A_902, %lt3A_905 : i32
        %lt3A_907 = arith.constant 0 : i32
        %lt3A_908 = arith.cmpi slt, %select_n3A_901, %lt3A_907 : i32
        %ne3A_909 = arith.xori %lt3A_906, %lt3A_908 : i1
        %and3A_910 = arith.andi %ne3A_909, %ne3A_904 : i1
        %add3A_911 = arith.addi %rem3A_902, %select_n3A_901 : i32
        %select_n3A_912 = arith.select %and3A_910, %add3A_911, %rem3A_902 : i32
        %jit3A_913 = arith.constant 96 : i32
        %div3A_914 = arith.divsi %add3A_357, %jit3A_913 : i32
        %sign3A_915 = arith.constant 0 : i32
        %sign3A_916 = arith.cmpi sgt, %add3A_357, %sign3A_915 : i32
        %sign3A_917 = arith.extui %sign3A_916 : i1 to i32
        %sign3A_918 = arith.constant 0 : i32
        %sign3A_919 = arith.cmpi slt, %add3A_357, %sign3A_918 : i32
        %sign3A_920 = arith.extui %sign3A_919 : i1 to i32
        %sign3A_921 = arith.subi %sign3A_917, %sign3A_920 : i32
        %sign3A_922 = arith.constant 0 : i32
        %sign3A_923 = arith.cmpi sgt, %jit3A_913, %sign3A_922 : i32
        %sign3A_924 = arith.extui %sign3A_923 : i1 to i32
        %sign3A_925 = arith.constant 0 : i32
        %sign3A_926 = arith.cmpi slt, %jit3A_913, %sign3A_925 : i32
        %sign3A_927 = arith.extui %sign3A_926 : i1 to i32
        %sign3A_928 = arith.subi %sign3A_924, %sign3A_927 : i32
        %ne3A_929 = arith.cmpi ne, %sign3A_921, %sign3A_928 : i32
        %rem3A_930 = arith.remsi %add3A_357, %jit3A_913 : i32
        %ne3A_931 = arith.constant 0 : i32
        %ne3A_932 = arith.cmpi ne, %rem3A_930, %ne3A_931 : i32
        %and3A_933 = arith.andi %ne3A_929, %ne3A_932 : i1
        %sub3A_934 = arith.constant 1 : i32
        %sub3A_935 = arith.subi %div3A_914, %sub3A_934 : i32
        %select_n3A_936 = arith.select %and3A_933, %sub3A_935, %div3A_914 : i32
        %ne3A_937 = arith.cmpi ne, %select_n3A_816, %select_n3A_896 : i32
        %ne3A_938 = arith.cmpi ne, %select_n3A_832, %select_n3A_912 : i32
        %ne3A_939 = arith.cmpi ne, %select_n3A_856, %select_n3A_936 : i32
        %or3A_940 = arith.constant false
        %or3A_941 = arith.ori %or3A_940, %ne3A_937 : i1
        %or3A_942 = arith.ori %or3A_941, %ne3A_938 : i1
        %or3A_943 = arith.ori %or3A_942, %ne3A_939 : i1
        %or3A_944 = arith.constant false
        %or3A_945 = arith.ori %or3A_943, %or3A_944 : i1
        %or3A_946 = arith.ori %or3A_945, %eq3A_345 : i1
        %convert_element_type3A_947 = arith.extui %or3A_946 : i1 to i32
        %cond3A_948 = arith.constant 0 : i32
        %cond3A_949 = arith.cmpi ne, %convert_element_type3A_947, %cond3A_948 : i32
        scf.if %cond3A_949 {
          %jit3A_2287 = arith.constant 96 : i32
          "tpu.trace_start"() <{level = 10 : i32, message = "ep_wait_in"}> : () -> ()
          %eq3A_2288 = arith.constant 0 : i32
          %eq3A_2289 = arith.cmpi eq, %jit3A_2287, %eq3A_2288 : i32
          %jit3A_2290 = arith.constant 1 : i32
          %select_n3A_2291 = arith.select %eq3A_2289, %jit3A_2290, %jit3A_2287 : i32
          %rem3A_2292 = arith.remsi %add3A_348, %select_n3A_2291 : i32
          %ne3A_2293 = arith.constant 0 : i32
          %ne3A_2294 = arith.cmpi ne, %rem3A_2292, %ne3A_2293 : i32
          %lt3A_2295 = arith.constant 0 : i32
          %lt3A_2296 = arith.cmpi slt, %rem3A_2292, %lt3A_2295 : i32
          %lt3A_2297 = arith.constant 0 : i32
          %lt3A_2298 = arith.cmpi slt, %select_n3A_2291, %lt3A_2297 : i32
          %ne3A_2299 = arith.xori %lt3A_2296, %lt3A_2298 : i1
          %and3A_2300 = arith.andi %ne3A_2299, %ne3A_2294 : i1
          %add3A_2301 = arith.addi %rem3A_2292, %select_n3A_2291 : i32
          %select_n3A_2302 = arith.select %and3A_2300, %add3A_2301, %rem3A_2292 : i32
          %jit3A_2303 = arith.constant 3 : i32
          %div3A_2304 = arith.divsi %select_n3A_2302, %jit3A_2303 : i32
          %sign3A_2305 = arith.constant 0 : i32
          %sign3A_2306 = arith.cmpi sgt, %select_n3A_2302, %sign3A_2305 : i32
          %sign3A_2307 = arith.extui %sign3A_2306 : i1 to i32
          %sign3A_2308 = arith.constant 0 : i32
          %sign3A_2309 = arith.cmpi slt, %select_n3A_2302, %sign3A_2308 : i32
          %sign3A_2310 = arith.extui %sign3A_2309 : i1 to i32
          %sign3A_2311 = arith.subi %sign3A_2307, %sign3A_2310 : i32
          %sign3A_2312 = arith.constant 0 : i32
          %sign3A_2313 = arith.cmpi sgt, %jit3A_2303, %sign3A_2312 : i32
          %sign3A_2314 = arith.extui %sign3A_2313 : i1 to i32
          %sign3A_2315 = arith.constant 0 : i32
          %sign3A_2316 = arith.cmpi slt, %jit3A_2303, %sign3A_2315 : i32
          %sign3A_2317 = arith.extui %sign3A_2316 : i1 to i32
          %sign3A_2318 = arith.subi %sign3A_2314, %sign3A_2317 : i32
          %ne3A_2319 = arith.cmpi ne, %sign3A_2311, %sign3A_2318 : i32
          %rem3A_2320 = arith.remsi %select_n3A_2302, %jit3A_2303 : i32
          %ne3A_2321 = arith.constant 0 : i32
          %ne3A_2322 = arith.cmpi ne, %rem3A_2320, %ne3A_2321 : i32
          %and3A_2323 = arith.andi %ne3A_2319, %ne3A_2322 : i1
          %sub3A_2324 = arith.constant 1 : i32
          %sub3A_2325 = arith.subi %div3A_2304, %sub3A_2324 : i32
          %select_n3A_2326 = arith.select %and3A_2323, %sub3A_2325, %div3A_2304 : i32
          %jit3A_2327 = arith.constant 3 : i32
          %eq3A_2328 = arith.constant 0 : i32
          %eq3A_2329 = arith.cmpi eq, %jit3A_2327, %eq3A_2328 : i32
          %jit3A_2330 = arith.constant 1 : i32
          %select_n3A_2331 = arith.select %eq3A_2329, %jit3A_2330, %jit3A_2327 : i32
          %rem3A_2332 = arith.remsi %add3A_348, %select_n3A_2331 : i32
          %ne3A_2333 = arith.constant 0 : i32
          %ne3A_2334 = arith.cmpi ne, %rem3A_2332, %ne3A_2333 : i32
          %lt3A_2335 = arith.constant 0 : i32
          %lt3A_2336 = arith.cmpi slt, %rem3A_2332, %lt3A_2335 : i32
          %lt3A_2337 = arith.constant 0 : i32
          %lt3A_2338 = arith.cmpi slt, %select_n3A_2331, %lt3A_2337 : i32
          %ne3A_2339 = arith.xori %lt3A_2336, %lt3A_2338 : i1
          %and3A_2340 = arith.andi %ne3A_2339, %ne3A_2334 : i1
          %add3A_2341 = arith.addi %rem3A_2332, %select_n3A_2331 : i32
          %select_n3A_2342 = arith.select %and3A_2340, %add3A_2341, %rem3A_2332 : i32
          %jit3A_2343 = arith.constant 96 : i32
          %div3A_2344 = arith.divsi %add3A_348, %jit3A_2343 : i32
          %sign3A_2345 = arith.constant 0 : i32
          %sign3A_2346 = arith.cmpi sgt, %add3A_348, %sign3A_2345 : i32
          %sign3A_2347 = arith.extui %sign3A_2346 : i1 to i32
          %sign3A_2348 = arith.constant 0 : i32
          %sign3A_2349 = arith.cmpi slt, %add3A_348, %sign3A_2348 : i32
          %sign3A_2350 = arith.extui %sign3A_2349 : i1 to i32
          %sign3A_2351 = arith.subi %sign3A_2347, %sign3A_2350 : i32
          %sign3A_2352 = arith.constant 0 : i32
          %sign3A_2353 = arith.cmpi sgt, %jit3A_2343, %sign3A_2352 : i32
          %sign3A_2354 = arith.extui %sign3A_2353 : i1 to i32
          %sign3A_2355 = arith.constant 0 : i32
          %sign3A_2356 = arith.cmpi slt, %jit3A_2343, %sign3A_2355 : i32
          %sign3A_2357 = arith.extui %sign3A_2356 : i1 to i32
          %sign3A_2358 = arith.subi %sign3A_2354, %sign3A_2357 : i32
          %ne3A_2359 = arith.cmpi ne, %sign3A_2351, %sign3A_2358 : i32
          %rem3A_2360 = arith.remsi %add3A_348, %jit3A_2343 : i32
          %ne3A_2361 = arith.constant 0 : i32
          %ne3A_2362 = arith.cmpi ne, %rem3A_2360, %ne3A_2361 : i32
          %and3A_2363 = arith.andi %ne3A_2359, %ne3A_2362 : i1
          %sub3A_2364 = arith.constant 1 : i32
          %sub3A_2365 = arith.subi %div3A_2344, %sub3A_2364 : i32
          %select_n3A_2366 = arith.select %and3A_2363, %sub3A_2365, %div3A_2344 : i32
          %mul3A_2367 = arith.constant 1 : i32
          %mul3A_2368 = arith.muli %mul3A_2367, %select_n3A_2326 : i32
          %mul3A_2369 = arith.constant 1 : i32
          %mul3A_2370 = arith.muli %mul3A_2369, %select_n3A_2342 : i32
          %mul3A_2371 = arith.constant 32 : i32
          %mul3A_2372 = arith.muli %mul3A_2371, %select_n3A_2366 : i32
          %rem3A_2373 = arith.constant 2 : i32
          %rem3A_2374 = arith.remui %scan3A_338, %rem3A_2373 : i32
          %dma_wait3A_2375 = arith.constant 0 : i32
          %dma_wait3A_2376 = arith.constant 0 : i32
          %dma_wait3A_2377 = arith.constant 0 : i32
          %dma_wait3A_2378 = arith.constant 0 : i32
          %dma_wait3A_2379 = tpu.memref_slice %run_scoped3A[%rem3A_2374, %dma_wait3A_2375, %dma_wait3A_2376, %dma_wait3A_2377, %dma_wait3A_2378] : memref<2x1x1x32x512xf32, #tpu.memory_space<vmem>> -> memref<1x1x1x32x512xf32, #tpu.memory_space<vmem>>
          %dma_wait3A_2380 = tpu.memref_squeeze %dma_wait3A_2379 : memref<1x1x1x32x512xf32, #tpu.memory_space<vmem>> -> memref<1x1x32x512xf32, #tpu.memory_space<vmem>>
          %dma_wait3A_2381 = arith.constant 0 : i32
          %dma_wait3A_2382 = tpu.memref_slice %arg2[%mul3A_2368, %mul3A_2370, %mul3A_2372, %dma_wait3A_2381] : memref<32x3x512x512xf32, #tpu.memory_space<hbm>> -> memref<1x1x32x512xf32, #tpu.memory_space<hbm>>
          %dma_wait3A_2383 = tpu.memref_slice %run_scoped3A_8[%rem3A_2374] : memref<2x!tpu.dma_semaphore, #tpu.memory_space<semaphore_mem>> -> memref<1x!tpu.dma_semaphore, #tpu.memory_space<semaphore_mem>>
          %dma_wait3A_2384 = tpu.memref_squeeze %dma_wait3A_2383 : memref<1x!tpu.dma_semaphore, #tpu.memory_space<semaphore_mem>> -> memref<!tpu.dma_semaphore, #tpu.memory_space<semaphore_mem>>
          %dma_wait3A_2385 = arith.constant 0 : i32
          %dma_wait3A_2386 = arith.constant 0 : i32
          %dma_wait3A_2387 = arith.constant 0 : i32
          %dma_wait3A_2388 = arith.constant 0 : i32
          %dma_wait3A_2389 = tpu.memref_slice %run_scoped3A[%rem3A_2374, %dma_wait3A_2385, %dma_wait3A_2386, %dma_wait3A_2387, %dma_wait3A_2388] : memref<2x1x1x32x512xf32, #tpu.memory_space<vmem>> -> memref<1x1x1x32x512xf32, #tpu.memory_space<vmem>>
          %dma_wait3A_2390 = tpu.memref_squeeze %dma_wait3A_2389 : memref<1x1x1x32x512xf32, #tpu.memory_space<vmem>> -> memref<1x1x32x512xf32, #tpu.memory_space<vmem>>
          %dma_wait3A_2391 = arith.constant 0 : i32
          %dma_wait3A_2392 = tpu.memref_slice %arg2[%mul3A_2368, %mul3A_2370, %mul3A_2372, %dma_wait3A_2391] : memref<32x3x512x512xf32, #tpu.memory_space<hbm>> -> memref<1x1x32x512xf32, #tpu.memory_space<hbm>>
          tpu.wait_dma2 semaphore(%dma_wait3A_2384 : memref<!tpu.dma_semaphore, #tpu.memory_space<semaphore_mem>>) src(%dma_wait3A_2392 : memref<1x1x32x512xf32, #tpu.memory_space<hbm>>) dst(%dma_wait3A_2390 : memref<1x1x32x512xf32, #tpu.memory_space<vmem>>)
          "tpu.trace_stop"() : () -> ()
        } else {
        }
        %jit3A_950 = arith.constant 96 : i32
        %eq3A_951 = arith.constant 0 : i32
        %eq3A_952 = arith.cmpi eq, %jit3A_950, %eq3A_951 : i32
        %jit3A_953 = arith.constant 1 : i32
        %select_n3A_954 = arith.select %eq3A_952, %jit3A_953, %jit3A_950 : i32
        %rem3A_955 = arith.remsi %add3A_348, %select_n3A_954 : i32
        %ne3A_956 = arith.constant 0 : i32
        %ne3A_957 = arith.cmpi ne, %rem3A_955, %ne3A_956 : i32
        %lt3A_958 = arith.constant 0 : i32
        %lt3A_959 = arith.cmpi slt, %rem3A_955, %lt3A_958 : i32
        %lt3A_960 = arith.constant 0 : i32
        %lt3A_961 = arith.cmpi slt, %select_n3A_954, %lt3A_960 : i32
        %ne3A_962 = arith.xori %lt3A_959, %lt3A_961 : i1
        %and3A_963 = arith.andi %ne3A_962, %ne3A_957 : i1
        %add3A_964 = arith.addi %rem3A_955, %select_n3A_954 : i32
        %select_n3A_965 = arith.select %and3A_963, %add3A_964, %rem3A_955 : i32
        %jit3A_966 = arith.constant 96 : i32
        %eq3A_967 = arith.constant 0 : i32
        %eq3A_968 = arith.cmpi eq, %jit3A_966, %eq3A_967 : i32
        %jit3A_969 = arith.constant 1 : i32
        %select_n3A_970 = arith.select %eq3A_968, %jit3A_969, %jit3A_966 : i32
        %rem3A_971 = arith.remsi %add3A_357, %select_n3A_970 : i32
        %ne3A_972 = arith.constant 0 : i32
        %ne3A_973 = arith.cmpi ne, %rem3A_971, %ne3A_972 : i32
        %lt3A_974 = arith.constant 0 : i32
        %lt3A_975 = arith.cmpi slt, %rem3A_971, %lt3A_974 : i32
        %lt3A_976 = arith.constant 0 : i32
        %lt3A_977 = arith.cmpi slt, %select_n3A_970, %lt3A_976 : i32
        %ne3A_978 = arith.xori %lt3A_975, %lt3A_977 : i1
        %and3A_979 = arith.andi %ne3A_978, %ne3A_973 : i1
        %add3A_980 = arith.addi %rem3A_971, %select_n3A_970 : i32
        %select_n3A_981 = arith.select %and3A_979, %add3A_980, %rem3A_971 : i32
        %ne3A_982 = arith.cmpi ne, %select_n3A_965, %select_n3A_981 : i32
        %or3A_983 = arith.constant false
        %or3A_984 = arith.ori %or3A_983, %ne3A_982 : i1
        %or3A_985 = arith.constant false
        %or3A_986 = arith.ori %or3A_984, %or3A_985 : i1
        %or3A_987 = arith.ori %or3A_986, %eq3A_345 : i1
        %convert_element_type3A_988 = arith.extui %or3A_987 : i1 to i32
        %cond3A_989 = arith.constant 0 : i32
        %cond3A_990 = arith.cmpi ne, %convert_element_type3A_988, %cond3A_989 : i32
        scf.if %cond3A_990 {
          %jit3A_2287 = arith.constant 96 : i32
          "tpu.trace_start"() <{level = 10 : i32, message = "ep_wait_in"}> : () -> ()
          %eq3A_2288 = arith.constant 0 : i32
          %eq3A_2289 = arith.cmpi eq, %jit3A_2287, %eq3A_2288 : i32
          %jit3A_2290 = arith.constant 1 : i32
          %select_n3A_2291 = arith.select %eq3A_2289, %jit3A_2290, %jit3A_2287 : i32
          %rem3A_2292 = arith.remsi %add3A_348, %select_n3A_2291 : i32
          %ne3A_2293 = arith.constant 0 : i32
          %ne3A_2294 = arith.cmpi ne, %rem3A_2292, %ne3A_2293 : i32
          %lt3A_2295 = arith.constant 0 : i32
          %lt3A_2296 = arith.cmpi slt, %rem3A_2292, %lt3A_2295 : i32
          %lt3A_2297 = arith.constant 0 : i32
          %lt3A_2298 = arith.cmpi slt, %select_n3A_2291, %lt3A_2297 : i32
          %ne3A_2299 = arith.xori %lt3A_2296, %lt3A_2298 : i1
          %and3A_2300 = arith.andi %ne3A_2299, %ne3A_2294 : i1
          %add3A_2301 = arith.addi %rem3A_2292, %select_n3A_2291 : i32
          %select_n3A_2302 = arith.select %and3A_2300, %add3A_2301, %rem3A_2292 : i32
          %mul3A_2303 = arith.constant 1 : i32
          %mul3A_2304 = arith.muli %mul3A_2303, %select_n3A_2302 : i32
          %rem3A_2305 = arith.constant 2 : i32
          %rem3A_2306 = arith.remui %scan3A_340, %rem3A_2305 : i32
          %dma_wait3A_2307 = arith.constant 0 : i32
          %dma_wait3A_2308 = arith.constant 0 : i32
          %dma_wait3A_2309 = tpu.memref_slice %run_scoped3A_9[%rem3A_2306, %dma_wait3A_2307, %dma_wait3A_2308] : memref<2x1x88xf32, #tpu.memory_space<vmem>> -> memref<1x1x88xf32, #tpu.memory_space<vmem>>
          %dma_wait3A_2310 = tpu.memref_squeeze %dma_wait3A_2309 : memref<1x1x88xf32, #tpu.memory_space<vmem>> -> memref<1x88xf32, #tpu.memory_space<vmem>>
          %dma_wait3A_2311 = arith.constant 0 : i32
          %dma_wait3A_2312 = tpu.memref_slice %arg3[%mul3A_2304, %dma_wait3A_2311] : memref<96x88xf32, #tpu.memory_space<hbm>> -> memref<1x88xf32, #tpu.memory_space<hbm>>
          %dma_wait3A_2313 = tpu.memref_slice %run_scoped3A_10[%rem3A_2306] : memref<2x!tpu.dma_semaphore, #tpu.memory_space<semaphore_mem>> -> memref<1x!tpu.dma_semaphore, #tpu.memory_space<semaphore_mem>>
          %dma_wait3A_2314 = tpu.memref_squeeze %dma_wait3A_2313 : memref<1x!tpu.dma_semaphore, #tpu.memory_space<semaphore_mem>> -> memref<!tpu.dma_semaphore, #tpu.memory_space<semaphore_mem>>
          %dma_wait3A_2315 = arith.constant 0 : i32
          %dma_wait3A_2316 = arith.constant 0 : i32
          %dma_wait3A_2317 = tpu.memref_slice %run_scoped3A_9[%rem3A_2306, %dma_wait3A_2315, %dma_wait3A_2316] : memref<2x1x88xf32, #tpu.memory_space<vmem>> -> memref<1x1x88xf32, #tpu.memory_space<vmem>>
          %dma_wait3A_2318 = tpu.memref_squeeze %dma_wait3A_2317 : memref<1x1x88xf32, #tpu.memory_space<vmem>> -> memref<1x88xf32, #tpu.memory_space<vmem>>
          %dma_wait3A_2319 = arith.constant 0 : i32
          %dma_wait3A_2320 = tpu.memref_slice %arg3[%mul3A_2304, %dma_wait3A_2319] : memref<96x88xf32, #tpu.memory_space<hbm>> -> memref<1x88xf32, #tpu.memory_space<hbm>>
          tpu.wait_dma2 semaphore(%dma_wait3A_2314 : memref<!tpu.dma_semaphore, #tpu.memory_space<semaphore_mem>>) src(%dma_wait3A_2320 : memref<1x88xf32, #tpu.memory_space<hbm>>) dst(%dma_wait3A_2318 : memref<1x88xf32, #tpu.memory_space<vmem>>)
          "tpu.trace_stop"() : () -> ()
        } else {
        }
        %jit3A_991 = arith.constant 96 : i32
        %eq3A_992 = arith.constant 0 : i32
        %eq3A_993 = arith.cmpi eq, %jit3A_991, %eq3A_992 : i32
        %jit3A_994 = arith.constant 1 : i32
        %select_n3A_995 = arith.select %eq3A_993, %jit3A_994, %jit3A_991 : i32
        %rem3A_996 = arith.remsi %add3A_348, %select_n3A_995 : i32
        %ne3A_997 = arith.constant 0 : i32
        %ne3A_998 = arith.cmpi ne, %rem3A_996, %ne3A_997 : i32
        %lt3A_999 = arith.constant 0 : i32
        %lt3A_1000 = arith.cmpi slt, %rem3A_996, %lt3A_999 : i32
        %lt3A_1001 = arith.constant 0 : i32
        %lt3A_1002 = arith.cmpi slt, %select_n3A_995, %lt3A_1001 : i32
        %ne3A_1003 = arith.xori %lt3A_1000, %lt3A_1002 : i1
        %and3A_1004 = arith.andi %ne3A_1003, %ne3A_998 : i1
        %add3A_1005 = arith.addi %rem3A_996, %select_n3A_995 : i32
        %select_n3A_1006 = arith.select %and3A_1004, %add3A_1005, %rem3A_996 : i32
        %jit3A_1007 = arith.constant 3 : i32
        %div3A_1008 = arith.divsi %select_n3A_1006, %jit3A_1007 : i32
        %sign3A_1009 = arith.constant 0 : i32
        %sign3A_1010 = arith.cmpi sgt, %select_n3A_1006, %sign3A_1009 : i32
        %sign3A_1011 = arith.extui %sign3A_1010 : i1 to i32
        %sign3A_1012 = arith.constant 0 : i32
        %sign3A_1013 = arith.cmpi slt, %select_n3A_1006, %sign3A_1012 : i32
        %sign3A_1014 = arith.extui %sign3A_1013 : i1 to i32
        %sign3A_1015 = arith.subi %sign3A_1011, %sign3A_1014 : i32
        %sign3A_1016 = arith.constant 0 : i32
        %sign3A_1017 = arith.cmpi sgt, %jit3A_1007, %sign3A_1016 : i32
        %sign3A_1018 = arith.extui %sign3A_1017 : i1 to i32
        %sign3A_1019 = arith.constant 0 : i32
        %sign3A_1020 = arith.cmpi slt, %jit3A_1007, %sign3A_1019 : i32
        %sign3A_1021 = arith.extui %sign3A_1020 : i1 to i32
        %sign3A_1022 = arith.subi %sign3A_1018, %sign3A_1021 : i32
        %ne3A_1023 = arith.cmpi ne, %sign3A_1015, %sign3A_1022 : i32
        %rem3A_1024 = arith.remsi %select_n3A_1006, %jit3A_1007 : i32
        %ne3A_1025 = arith.constant 0 : i32
        %ne3A_1026 = arith.cmpi ne, %rem3A_1024, %ne3A_1025 : i32
        %and3A_1027 = arith.andi %ne3A_1023, %ne3A_1026 : i1
        %sub3A_1028 = arith.constant 1 : i32
        %sub3A_1029 = arith.subi %div3A_1008, %sub3A_1028 : i32
        %select_n3A_1030 = arith.select %and3A_1027, %sub3A_1029, %div3A_1008 : i32
        %jit3A_1031 = arith.constant 3 : i32
        %eq3A_1032 = arith.constant 0 : i32
        %eq3A_1033 = arith.cmpi eq, %jit3A_1031, %eq3A_1032 : i32
        %jit3A_1034 = arith.constant 1 : i32
        %select_n3A_1035 = arith.select %eq3A_1033, %jit3A_1034, %jit3A_1031 : i32
        %rem3A_1036 = arith.remsi %add3A_348, %select_n3A_1035 : i32
        %ne3A_1037 = arith.constant 0 : i32
        %ne3A_1038 = arith.cmpi ne, %rem3A_1036, %ne3A_1037 : i32
        %lt3A_1039 = arith.constant 0 : i32
        %lt3A_1040 = arith.cmpi slt, %rem3A_1036, %lt3A_1039 : i32
        %lt3A_1041 = arith.constant 0 : i32
        %lt3A_1042 = arith.cmpi slt, %select_n3A_1035, %lt3A_1041 : i32
        %ne3A_1043 = arith.xori %lt3A_1040, %lt3A_1042 : i1
        %and3A_1044 = arith.andi %ne3A_1043, %ne3A_1038 : i1
        %add3A_1045 = arith.addi %rem3A_1036, %select_n3A_1035 : i32
        %select_n3A_1046 = arith.select %and3A_1044, %add3A_1045, %rem3A_1036 : i32
        %jit3A_1047 = arith.constant 96 : i32
        %div3A_1048 = arith.divsi %add3A_348, %jit3A_1047 : i32
        %sign3A_1049 = arith.constant 0 : i32
        %sign3A_1050 = arith.cmpi sgt, %add3A_348, %sign3A_1049 : i32
        %sign3A_1051 = arith.extui %sign3A_1050 : i1 to i32
        %sign3A_1052 = arith.constant 0 : i32
        %sign3A_1053 = arith.cmpi slt, %add3A_348, %sign3A_1052 : i32
        %sign3A_1054 = arith.extui %sign3A_1053 : i1 to i32
        %sign3A_1055 = arith.subi %sign3A_1051, %sign3A_1054 : i32
        %sign3A_1056 = arith.constant 0 : i32
        %sign3A_1057 = arith.cmpi sgt, %jit3A_1047, %sign3A_1056 : i32
        %sign3A_1058 = arith.extui %sign3A_1057 : i1 to i32
        %sign3A_1059 = arith.constant 0 : i32
        %sign3A_1060 = arith.cmpi slt, %jit3A_1047, %sign3A_1059 : i32
        %sign3A_1061 = arith.extui %sign3A_1060 : i1 to i32
        %sign3A_1062 = arith.subi %sign3A_1058, %sign3A_1061 : i32
        %ne3A_1063 = arith.cmpi ne, %sign3A_1055, %sign3A_1062 : i32
        %rem3A_1064 = arith.remsi %add3A_348, %jit3A_1047 : i32
        %ne3A_1065 = arith.constant 0 : i32
        %ne3A_1066 = arith.cmpi ne, %rem3A_1064, %ne3A_1065 : i32
        %and3A_1067 = arith.andi %ne3A_1063, %ne3A_1066 : i1
        %sub3A_1068 = arith.constant 1 : i32
        %sub3A_1069 = arith.subi %div3A_1048, %sub3A_1068 : i32
        %select_n3A_1070 = arith.select %and3A_1067, %sub3A_1069, %div3A_1048 : i32
        %jit3A_1071 = arith.constant 96 : i32
        %eq3A_1072 = arith.constant 0 : i32
        %eq3A_1073 = arith.cmpi eq, %jit3A_1071, %eq3A_1072 : i32
        %jit3A_1074 = arith.constant 1 : i32
        %select_n3A_1075 = arith.select %eq3A_1073, %jit3A_1074, %jit3A_1071 : i32
        %rem3A_1076 = arith.remsi %add3A_357, %select_n3A_1075 : i32
        %ne3A_1077 = arith.constant 0 : i32
        %ne3A_1078 = arith.cmpi ne, %rem3A_1076, %ne3A_1077 : i32
        %lt3A_1079 = arith.constant 0 : i32
        %lt3A_1080 = arith.cmpi slt, %rem3A_1076, %lt3A_1079 : i32
        %lt3A_1081 = arith.constant 0 : i32
        %lt3A_1082 = arith.cmpi slt, %select_n3A_1075, %lt3A_1081 : i32
        %ne3A_1083 = arith.xori %lt3A_1080, %lt3A_1082 : i1
        %and3A_1084 = arith.andi %ne3A_1083, %ne3A_1078 : i1
        %add3A_1085 = arith.addi %rem3A_1076, %select_n3A_1075 : i32
        %select_n3A_1086 = arith.select %and3A_1084, %add3A_1085, %rem3A_1076 : i32
        %jit3A_1087 = arith.constant 3 : i32
        %div3A_1088 = arith.divsi %select_n3A_1086, %jit3A_1087 : i32
        %sign3A_1089 = arith.constant 0 : i32
        %sign3A_1090 = arith.cmpi sgt, %select_n3A_1086, %sign3A_1089 : i32
        %sign3A_1091 = arith.extui %sign3A_1090 : i1 to i32
        %sign3A_1092 = arith.constant 0 : i32
        %sign3A_1093 = arith.cmpi slt, %select_n3A_1086, %sign3A_1092 : i32
        %sign3A_1094 = arith.extui %sign3A_1093 : i1 to i32
        %sign3A_1095 = arith.subi %sign3A_1091, %sign3A_1094 : i32
        %sign3A_1096 = arith.constant 0 : i32
        %sign3A_1097 = arith.cmpi sgt, %jit3A_1087, %sign3A_1096 : i32
        %sign3A_1098 = arith.extui %sign3A_1097 : i1 to i32
        %sign3A_1099 = arith.constant 0 : i32
        %sign3A_1100 = arith.cmpi slt, %jit3A_1087, %sign3A_1099 : i32
        %sign3A_1101 = arith.extui %sign3A_1100 : i1 to i32
        %sign3A_1102 = arith.subi %sign3A_1098, %sign3A_1101 : i32
        %ne3A_1103 = arith.cmpi ne, %sign3A_1095, %sign3A_1102 : i32
        %rem3A_1104 = arith.remsi %select_n3A_1086, %jit3A_1087 : i32
        %ne3A_1105 = arith.constant 0 : i32
        %ne3A_1106 = arith.cmpi ne, %rem3A_1104, %ne3A_1105 : i32
        %and3A_1107 = arith.andi %ne3A_1103, %ne3A_1106 : i1
        %sub3A_1108 = arith.constant 1 : i32
        %sub3A_1109 = arith.subi %div3A_1088, %sub3A_1108 : i32
        %select_n3A_1110 = arith.select %and3A_1107, %sub3A_1109, %div3A_1088 : i32
        %jit3A_1111 = arith.constant 3 : i32
        %eq3A_1112 = arith.constant 0 : i32
        %eq3A_1113 = arith.cmpi eq, %jit3A_1111, %eq3A_1112 : i32
        %jit3A_1114 = arith.constant 1 : i32
        %select_n3A_1115 = arith.select %eq3A_1113, %jit3A_1114, %jit3A_1111 : i32
        %rem3A_1116 = arith.remsi %add3A_357, %select_n3A_1115 : i32
        %ne3A_1117 = arith.constant 0 : i32
        %ne3A_1118 = arith.cmpi ne, %rem3A_1116, %ne3A_1117 : i32
        %lt3A_1119 = arith.constant 0 : i32
        %lt3A_1120 = arith.cmpi slt, %rem3A_1116, %lt3A_1119 : i32
        %lt3A_1121 = arith.constant 0 : i32
        %lt3A_1122 = arith.cmpi slt, %select_n3A_1115, %lt3A_1121 : i32
        %ne3A_1123 = arith.xori %lt3A_1120, %lt3A_1122 : i1
        %and3A_1124 = arith.andi %ne3A_1123, %ne3A_1118 : i1
        %add3A_1125 = arith.addi %rem3A_1116, %select_n3A_1115 : i32
        %select_n3A_1126 = arith.select %and3A_1124, %add3A_1125, %rem3A_1116 : i32
        %jit3A_1127 = arith.constant 96 : i32
        %div3A_1128 = arith.divsi %add3A_357, %jit3A_1127 : i32
        %sign3A_1129 = arith.constant 0 : i32
        %sign3A_1130 = arith.cmpi sgt, %add3A_357, %sign3A_1129 : i32
        %sign3A_1131 = arith.extui %sign3A_1130 : i1 to i32
        %sign3A_1132 = arith.constant 0 : i32
        %sign3A_1133 = arith.cmpi slt, %add3A_357, %sign3A_1132 : i32
        %sign3A_1134 = arith.extui %sign3A_1133 : i1 to i32
        %sign3A_1135 = arith.subi %sign3A_1131, %sign3A_1134 : i32
        %sign3A_1136 = arith.constant 0 : i32
        %sign3A_1137 = arith.cmpi sgt, %jit3A_1127, %sign3A_1136 : i32
        %sign3A_1138 = arith.extui %sign3A_1137 : i1 to i32
        %sign3A_1139 = arith.constant 0 : i32
        %sign3A_1140 = arith.cmpi slt, %jit3A_1127, %sign3A_1139 : i32
        %sign3A_1141 = arith.extui %sign3A_1140 : i1 to i32
        %sign3A_1142 = arith.subi %sign3A_1138, %sign3A_1141 : i32
        %ne3A_1143 = arith.cmpi ne, %sign3A_1135, %sign3A_1142 : i32
        %rem3A_1144 = arith.remsi %add3A_357, %jit3A_1127 : i32
        %ne3A_1145 = arith.constant 0 : i32
        %ne3A_1146 = arith.cmpi ne, %rem3A_1144, %ne3A_1145 : i32
        %and3A_1147 = arith.andi %ne3A_1143, %ne3A_1146 : i1
        %sub3A_1148 = arith.constant 1 : i32
        %sub3A_1149 = arith.subi %div3A_1128, %sub3A_1148 : i32
        %select_n3A_1150 = arith.select %and3A_1147, %sub3A_1149, %div3A_1128 : i32
        %ne3A_1151 = arith.cmpi ne, %select_n3A_1030, %select_n3A_1110 : i32
        %ne3A_1152 = arith.cmpi ne, %select_n3A_1046, %select_n3A_1126 : i32
        %ne3A_1153 = arith.cmpi ne, %select_n3A_1070, %select_n3A_1150 : i32
        %or3A_1154 = arith.constant false
        %or3A_1155 = arith.ori %or3A_1154, %ne3A_1151 : i1
        %or3A_1156 = arith.ori %or3A_1155, %ne3A_1152 : i1
        %or3A_1157 = arith.ori %or3A_1156, %ne3A_1153 : i1
        %or3A_1158 = arith.constant false
        %or3A_1159 = arith.ori %or3A_1157, %or3A_1158 : i1
        %or3A_1160 = arith.ori %or3A_1159, %eq3A_345 : i1
        %convert_element_type3A_1161 = arith.extui %or3A_1160 : i1 to i32
        %cond3A_1162 = arith.constant 0 : i32
        %cond3A_1163 = arith.cmpi ne, %convert_element_type3A_1161, %cond3A_1162 : i32
        scf.if %cond3A_1163 {
        } else {
        }
        %rem3A_1164 = arith.constant 2 : i32
        %rem3A_1165 = arith.remui %scan3A_338, %rem3A_1164 : i32
        %rem3A_1166 = arith.constant 2 : i32
        %rem3A_1167 = arith.remui %scan3A_340, %rem3A_1166 : i32
        %rem3A_1168 = arith.constant 2 : i32
        %rem3A_1169 = arith.remui %scan3A_341, %rem3A_1168 : i32
        %broadcast_in_dim3A = arith.constant 0 : i32
        "tpu.trace_start"() <{level = 10 : i32, message = "ep_run_kernel"}> : () -> ()
        %broadcast_in_dim3A_1170 = vector.broadcast %broadcast_in_dim3A : i32 to vector<16xi32>
        %get3A_1171 = arith.constant 0 : i32
        %get3A_1172 = arith.constant 0 : i32
        %get3A_1173 = arith.constant 0 : i32
        %get3A_1174 = tpu.memref_slice %run_scoped3A_9[%rem3A_1167, %get3A_1172, %get3A_1173] : memref<2x1x88xf32, #tpu.memory_space<vmem>> -> memref<1x1x88xf32, #tpu.memory_space<vmem>>
        %get3A_1175 = tpu.memref_squeeze %get3A_1174 : memref<1x1x88xf32, #tpu.memory_space<vmem>> -> memref<1x88xf32, #tpu.memory_space<vmem>>
        %get3A_1176 = arith.index_cast %get3A_1171 : i32 to index
        %get3A_1177 = arith.constant 1 : index
        %get3A_1178 = tpu.vector_load %get3A_1175[%get3A_1176, %get3A_1177] {strides = array<i32>} : memref<1x88xf32, #tpu.memory_space<vmem>>, vector<16xf32>,
        %get3A_1179 = arith.constant 0 : i32
        %get3A_1180 = arith.constant 0 : i32
        %get3A_1181 = arith.constant 0 : i32
        %get3A_1182 = tpu.memref_slice %run_scoped3A_9[%rem3A_1167, %get3A_1180, %get3A_1181] : memref<2x1x88xf32, #tpu.memory_space<vmem>> -> memref<1x1x88xf32, #tpu.memory_space<vmem>>
        %get3A_1183 = tpu.memref_squeeze %get3A_1182 : memref<1x1x88xf32, #tpu.memory_space<vmem>> -> memref<1x88xf32, #tpu.memory_space<vmem>>
        %get3A_1184 = arith.index_cast %get3A_1179 : i32 to index
        %get3A_1185 = arith.constant 0 : index
        %get3A_1186 = tpu.vector_load %get3A_1183[%get3A_1184, %get3A_1185] {strides = array<i32>} : memref<1x88xf32, #tpu.memory_space<vmem>>, vector<16xf32>,
        %sub3A_1187 = arith.subf %get3A_1178, %get3A_1186 : vector<16xf32>
        %swap3A = arith.constant 0 : index
        %swap3A_1188 = tpu.vector_load %arg6[%swap3A] {strides = array<i32>} : memref<80xf32, #tpu.memory_space<vmem>>, vector<16xf32>,
        tpu.vector_store %arg6[%swap3A], %sub3A_1187 {strides = array<i32>} : memref<80xf32, #tpu.memory_space<vmem>>, vector<16xf32>,
        %get3A_1189 = arith.constant 0 : i32
        %get3A_1190 = arith.constant 0 : i32
        %get3A_1191 = arith.constant 0 : i32
        %get3A_1192 = tpu.memref_slice %run_scoped3A_9[%rem3A_1167, %get3A_1190, %get3A_1191] : memref<2x1x88xf32, #tpu.memory_space<vmem>> -> memref<1x1x88xf32, #tpu.memory_space<vmem>>
        %get3A_1193 = tpu.memref_squeeze %get3A_1192 : memref<1x1x88xf32, #tpu.memory_space<vmem>> -> memref<1x88xf32, #tpu.memory_space<vmem>>
        %get3A_1194 = arith.index_cast %get3A_1189 : i32 to index
        %get3A_1195 = arith.constant 17 : index
        %get3A_1196 = tpu.vector_load %get3A_1193[%get3A_1194, %get3A_1195] {strides = array<i32>} : memref<1x88xf32, #tpu.memory_space<vmem>>, vector<16xf32>,
        %get3A_1197 = arith.constant 0 : i32
        %get3A_1198 = arith.constant 0 : i32
        %get3A_1199 = arith.constant 0 : i32
        %get3A_1200 = tpu.memref_slice %run_scoped3A_9[%rem3A_1167, %get3A_1198, %get3A_1199] : memref<2x1x88xf32, #tpu.memory_space<vmem>> -> memref<1x1x88xf32, #tpu.memory_space<vmem>>
        %get3A_1201 = tpu.memref_squeeze %get3A_1200 : memref<1x1x88xf32, #tpu.memory_space<vmem>> -> memref<1x88xf32, #tpu.memory_space<vmem>>
        %get3A_1202 = arith.index_cast %get3A_1197 : i32 to index
        %get3A_1203 = arith.constant 16 : index
        %get3A_1204 = tpu.vector_load %get3A_1201[%get3A_1202, %get3A_1203] {strides = array<i32>} : memref<1x88xf32, #tpu.memory_space<vmem>>, vector<16xf32>,
        %sub3A_1205 = arith.subf %get3A_1196, %get3A_1204 : vector<16xf32>
        %swap3A_1206 = arith.constant 16 : index
        %swap3A_1207 = tpu.vector_load %arg6[%swap3A_1206] {strides = array<i32>} : memref<80xf32, #tpu.memory_space<vmem>>, vector<16xf32>,
        tpu.vector_store %arg6[%swap3A_1206], %sub3A_1205 {strides = array<i32>} : memref<80xf32, #tpu.memory_space<vmem>>, vector<16xf32>,
        %get3A_1208 = arith.constant 0 : i32
        %get3A_1209 = arith.constant 0 : i32
        %get3A_1210 = arith.constant 0 : i32
        %get3A_1211 = tpu.memref_slice %run_scoped3A_9[%rem3A_1167, %get3A_1209, %get3A_1210] : memref<2x1x88xf32, #tpu.memory_space<vmem>> -> memref<1x1x88xf32, #tpu.memory_space<vmem>>
        %get3A_1212 = tpu.memref_squeeze %get3A_1211 : memref<1x1x88xf32, #tpu.memory_space<vmem>> -> memref<1x88xf32, #tpu.memory_space<vmem>>
        %get3A_1213 = arith.index_cast %get3A_1208 : i32 to index
        %get3A_1214 = arith.constant 33 : index
        %get3A_1215 = tpu.vector_load %get3A_1212[%get3A_1213, %get3A_1214] {strides = array<i32>} : memref<1x88xf32, #tpu.memory_space<vmem>>, vector<16xf32>,
        %get3A_1216 = arith.constant 0 : i32
        %get3A_1217 = arith.constant 0 : i32
        %get3A_1218 = arith.constant 0 : i32
        %get3A_1219 = tpu.memref_slice %run_scoped3A_9[%rem3A_1167, %get3A_1217, %get3A_1218] : memref<2x1x88xf32, #tpu.memory_space<vmem>> -> memref<1x1x88xf32, #tpu.memory_space<vmem>>
        %get3A_1220 = tpu.memref_squeeze %get3A_1219 : memref<1x1x88xf32, #tpu.memory_space<vmem>> -> memref<1x88xf32, #tpu.memory_space<vmem>>
        %get3A_1221 = arith.index_cast %get3A_1216 : i32 to index
        %get3A_1222 = arith.constant 32 : index
        %get3A_1223 = tpu.vector_load %get3A_1220[%get3A_1221, %get3A_1222] {strides = array<i32>} : memref<1x88xf32, #tpu.memory_space<vmem>>, vector<16xf32>,
        %sub3A_1224 = arith.subf %get3A_1215, %get3A_1223 : vector<16xf32>
        %swap3A_1225 = arith.constant 32 : index
        %swap3A_1226 = tpu.vector_load %arg6[%swap3A_1225] {strides = array<i32>} : memref<80xf32, #tpu.memory_space<vmem>>, vector<16xf32>,
        tpu.vector_store %arg6[%swap3A_1225], %sub3A_1224 {strides = array<i32>} : memref<80xf32, #tpu.memory_space<vmem>>, vector<16xf32>,
        %get3A_1227 = arith.constant 0 : i32
        %get3A_1228 = arith.constant 0 : i32
        %get3A_1229 = arith.constant 0 : i32
        %get3A_1230 = tpu.memref_slice %run_scoped3A_9[%rem3A_1167, %get3A_1228, %get3A_1229] : memref<2x1x88xf32, #tpu.memory_space<vmem>> -> memref<1x1x88xf32, #tpu.memory_space<vmem>>
        %get3A_1231 = tpu.memref_squeeze %get3A_1230 : memref<1x1x88xf32, #tpu.memory_space<vmem>> -> memref<1x88xf32, #tpu.memory_space<vmem>>
        %get3A_1232 = arith.index_cast %get3A_1227 : i32 to index
        %get3A_1233 = arith.constant 49 : index
        %get3A_1234 = tpu.vector_load %get3A_1231[%get3A_1232, %get3A_1233] {strides = array<i32>} : memref<1x88xf32, #tpu.memory_space<vmem>>, vector<16xf32>,
        %get3A_1235 = arith.constant 0 : i32
        %get3A_1236 = arith.constant 0 : i32
        %get3A_1237 = arith.constant 0 : i32
        %get3A_1238 = tpu.memref_slice %run_scoped3A_9[%rem3A_1167, %get3A_1236, %get3A_1237] : memref<2x1x88xf32, #tpu.memory_space<vmem>> -> memref<1x1x88xf32, #tpu.memory_space<vmem>>
        %get3A_1239 = tpu.memref_squeeze %get3A_1238 : memref<1x1x88xf32, #tpu.memory_space<vmem>> -> memref<1x88xf32, #tpu.memory_space<vmem>>
        %get3A_1240 = arith.index_cast %get3A_1235 : i32 to index
        %get3A_1241 = arith.constant 48 : index
        %get3A_1242 = tpu.vector_load %get3A_1239[%get3A_1240, %get3A_1241] {strides = array<i32>} : memref<1x88xf32, #tpu.memory_space<vmem>>, vector<16xf32>,
        %sub3A_1243 = arith.subf %get3A_1234, %get3A_1242 : vector<16xf32>
        %swap3A_1244 = arith.constant 48 : index
        %swap3A_1245 = tpu.vector_load %arg6[%swap3A_1244] {strides = array<i32>} : memref<80xf32, #tpu.memory_space<vmem>>, vector<16xf32>,
        tpu.vector_store %arg6[%swap3A_1244], %sub3A_1243 {strides = array<i32>} : memref<80xf32, #tpu.memory_space<vmem>>, vector<16xf32>,
        %get3A_1246 = arith.constant 0 : i32
        %get3A_1247 = arith.constant 0 : i32
        %get3A_1248 = arith.constant 0 : i32
        %get3A_1249 = tpu.memref_slice %run_scoped3A_9[%rem3A_1167, %get3A_1247, %get3A_1248] : memref<2x1x88xf32, #tpu.memory_space<vmem>> -> memref<1x1x88xf32, #tpu.memory_space<vmem>>
        %get3A_1250 = tpu.memref_squeeze %get3A_1249 : memref<1x1x88xf32, #tpu.memory_space<vmem>> -> memref<1x88xf32, #tpu.memory_space<vmem>>
        %get3A_1251 = arith.index_cast %get3A_1246 : i32 to index
        %get3A_1252 = arith.constant 65 : index
        %get3A_1253 = tpu.vector_load %get3A_1250[%get3A_1251, %get3A_1252] {strides = array<i32>} : memref<1x88xf32, #tpu.memory_space<vmem>>, vector<16xf32>,
        %get3A_1254 = arith.constant 0 : i32
        %get3A_1255 = arith.constant 0 : i32
        %get3A_1256 = arith.constant 0 : i32
        %get3A_1257 = tpu.memref_slice %run_scoped3A_9[%rem3A_1167, %get3A_1255, %get3A_1256] : memref<2x1x88xf32, #tpu.memory_space<vmem>> -> memref<1x1x88xf32, #tpu.memory_space<vmem>>
        %get3A_1258 = tpu.memref_squeeze %get3A_1257 : memref<1x1x88xf32, #tpu.memory_space<vmem>> -> memref<1x88xf32, #tpu.memory_space<vmem>>
        %get3A_1259 = arith.index_cast %get3A_1254 : i32 to index
        %get3A_1260 = arith.constant 64 : index
        %get3A_1261 = tpu.vector_load %get3A_1258[%get3A_1259, %get3A_1260] {strides = array<i32>} : memref<1x88xf32, #tpu.memory_space<vmem>>, vector<16xf32>,
        %sub3A_1262 = arith.subf %get3A_1253, %get3A_1261 : vector<16xf32>
        %swap3A_1263 = arith.constant 64 : index
        %swap3A_1264 = tpu.vector_load %arg6[%swap3A_1263] {strides = array<i32>} : memref<80xf32, #tpu.memory_space<vmem>>, vector<16xf32>,
        tpu.vector_store %arg6[%swap3A_1263], %sub3A_1262 {strides = array<i32>} : memref<80xf32, #tpu.memory_space<vmem>>, vector<16xf32>,
        %parallel_loop3A = arith.constant 0 : i32
        %parallel_loop3A_1265 = arith.constant 16384 : i32
        %parallel_loop3A_1266 = arith.constant 32 : i32
        scf.for %parallel_loop3A_2287 = %parallel_loop3A to %parallel_loop3A_1265 step %parallel_loop3A_1266  : i32 {
          %parallel_loop3A_2288 = arith.constant 0 : i32
          %parallel_loop3A_2289 = arith.addi %parallel_loop3A_2287, %parallel_loop3A_2288 : i32
          %parallel_loop3A_2290 = arith.constant 9 : i32
          %parallel_loop3A_2291 = arith.shrui %parallel_loop3A_2289, %parallel_loop3A_2290 : i32
          %parallel_loop3A_2292 = arith.constant 511 : i32
          %parallel_loop3A_2293 = arith.andi %parallel_loop3A_2289, %parallel_loop3A_2292 : i32
          %parallel_loop3A_2294 = arith.constant 0 : i32
          %parallel_loop3A_2295 = arith.constant 0 : i32
          %parallel_loop3A_2296 = arith.constant 0 : i32
          %parallel_loop3A_2297 = arith.constant 0 : i32
          %parallel_loop3A_2298 = arith.constant 0 : i32
          %parallel_loop3A_2299 = arith.constant 0 : i32
          %parallel_loop3A_2300 = tpu.memref_slice %run_scoped3A[%rem3A_1165, %parallel_loop3A_2296, %parallel_loop3A_2297, %parallel_loop3A_2298, %parallel_loop3A_2299] : memref<2x1x1x32x512xf32, #tpu.memory_space<vmem>> -> memref<1x1x1x32x512xf32, #tpu.memory_space<vmem>>
          %parallel_loop3A_2301 = tpu.memref_squeeze %parallel_loop3A_2300 : memref<1x1x1x32x512xf32, #tpu.memory_space<vmem>> -> memref<1x1x32x512xf32, #tpu.memory_space<vmem>>
          %parallel_loop3A_2302 = arith.index_cast %parallel_loop3A_2294 : i32 to index
          %parallel_loop3A_2303 = arith.index_cast %parallel_loop3A_2295 : i32 to index
          %parallel_loop3A_2304 = arith.index_cast %parallel_loop3A_2291 : i32 to index
          %parallel_loop3A_2305 = arith.index_cast %parallel_loop3A_2293 : i32 to index
          %parallel_loop3A_2306 = tpu.vector_load %parallel_loop3A_2301[%parallel_loop3A_2302, %parallel_loop3A_2303, %parallel_loop3A_2304, %parallel_loop3A_2305] {strides = array<i32>} : memref<1x1x32x512xf32, #tpu.memory_space<vmem>>, vector<16xf32>,
          %parallel_loop3A_2307 = vector.broadcast %squeeze3A : f32 to vector<16xf32>
          %parallel_loop3A_2308 = arith.mulf %parallel_loop3A_2306, %parallel_loop3A_2307 : vector<16xf32>
          %parallel_loop3A_2309 = arith.fptosi %parallel_loop3A_2308 : vector<16xf32> to vector<16xi32>
          %parallel_loop3A_2310 = arith.sitofp %parallel_loop3A_2309 : vector<16xi32> to vector<16xf32>
          %parallel_loop3A_2311 = arith.subf %parallel_loop3A_2308, %parallel_loop3A_2310 : vector<16xf32>
          %parallel_loop3A_2312 = arith.constant 0 : i32
          %parallel_loop3A_2313 = arith.constant 0 : i32
          %parallel_loop3A_2314 = tpu.memref_slice %run_scoped3A_9[%rem3A_1167, %parallel_loop3A_2312, %parallel_loop3A_2313] : memref<2x1x88xf32, #tpu.memory_space<vmem>> -> memref<1x1x88xf32, #tpu.memory_space<vmem>>
          %parallel_loop3A_2315 = tpu.memref_squeeze %parallel_loop3A_2314 : memref<1x1x88xf32, #tpu.memory_space<vmem>> -> memref<1x88xf32, #tpu.memory_space<vmem>>
          %parallel_loop3A_2316 = tpu.vector_load_idx %parallel_loop3A_2315[%broadcast_in_dim3A_1170, %parallel_loop3A_2309] : memref<1x88xf32, #tpu.memory_space<vmem>>[vector<16xi32>, vector<16xi32>], vector<16xf32>,
          %parallel_loop3A_2317 = tpu.vector_load_idx %arg6[%parallel_loop3A_2309] : memref<80xf32, #tpu.memory_space<vmem>>[vector<16xi32>], vector<16xf32>,
          %parallel_loop3A_2318 = arith.mulf %parallel_loop3A_2311, %parallel_loop3A_2317 : vector<16xf32>
          %parallel_loop3A_2319 = arith.addf %parallel_loop3A_2316, %parallel_loop3A_2318 : vector<16xf32>
          %parallel_loop3A_2320 = arith.constant 0.000000e+00 : f32
          %parallel_loop3A_2321 = vector.broadcast %parallel_loop3A_2320 : f32 to vector<16xf32>
          %parallel_loop3A_2322 = arith.maximumf %parallel_loop3A_2319, %parallel_loop3A_2321 : vector<16xf32>
          %parallel_loop3A_2323 = arith.constant 1.000000e+00 : f32
          %parallel_loop3A_2324 = vector.broadcast %parallel_loop3A_2323 : f32 to vector<16xf32>
          %parallel_loop3A_2325 = arith.minimumf %parallel_loop3A_2322, %parallel_loop3A_2324 : vector<16xf32>
          %parallel_loop3A_2326 = arith.constant 0 : i32
          %parallel_loop3A_2327 = arith.constant 0 : i32
          %parallel_loop3A_2328 = arith.constant 0 : i32
          %parallel_loop3A_2329 = arith.constant 0 : i32
          %parallel_loop3A_2330 = arith.constant 0 : i32
          %parallel_loop3A_2331 = arith.constant 0 : i32
          %parallel_loop3A_2332 = tpu.memref_slice %run_scoped3A_11[%rem3A_1169, %parallel_loop3A_2328, %parallel_loop3A_2329, %parallel_loop3A_2330, %parallel_loop3A_2331] : memref<2x1x1x32x512xf32, #tpu.memory_space<vmem>> -> memref<1x1x1x32x512xf32, #tpu.memory_space<vmem>>
          %parallel_loop3A_2333 = tpu.memref_squeeze %parallel_loop3A_2332 : memref<1x1x1x32x512xf32, #tpu.memory_space<vmem>> -> memref<1x1x32x512xf32, #tpu.memory_space<vmem>>
          %parallel_loop3A_2334 = arith.index_cast %parallel_loop3A_2326 : i32 to index
          %parallel_loop3A_2335 = arith.index_cast %parallel_loop3A_2327 : i32 to index
          %parallel_loop3A_2336 = arith.index_cast %parallel_loop3A_2291 : i32 to index
          %parallel_loop3A_2337 = arith.index_cast %parallel_loop3A_2293 : i32 to index
          %parallel_loop3A_2338 = tpu.vector_load %parallel_loop3A_2333[%parallel_loop3A_2334, %parallel_loop3A_2335, %parallel_loop3A_2336, %parallel_loop3A_2337] {strides = array<i32>} : memref<1x1x32x512xf32, #tpu.memory_space<vmem>>, vector<16xf32>,
          tpu.vector_store %parallel_loop3A_2333[%parallel_loop3A_2334, %parallel_loop3A_2335, %parallel_loop3A_2336, %parallel_loop3A_2337], %parallel_loop3A_2325 {strides = array<i32>} : memref<1x1x32x512xf32, #tpu.memory_space<vmem>>, vector<16xf32>,
          %parallel_loop3A_2339 = arith.constant 16 : i32
          %parallel_loop3A_2340 = arith.addi %parallel_loop3A_2287, %parallel_loop3A_2339 : i32
          %parallel_loop3A_2341 = arith.constant 9 : i32
          %parallel_loop3A_2342 = arith.shrui %parallel_loop3A_2340, %parallel_loop3A_2341 : i32
          %parallel_loop3A_2343 = arith.constant 511 : i32
          %parallel_loop3A_2344 = arith.andi %parallel_loop3A_2340, %parallel_loop3A_2343 : i32
          %parallel_loop3A_2345 = arith.constant 0 : i32
          %parallel_loop3A_2346 = arith.constant 0 : i32
          %parallel_loop3A_2347 = arith.constant 0 : i32
          %parallel_loop3A_2348 = arith.constant 0 : i32
          %parallel_loop3A_2349 = arith.constant 0 : i32
          %parallel_loop3A_2350 = arith.constant 0 : i32
          %parallel_loop3A_2351 = tpu.memref_slice %run_scoped3A[%rem3A_1165, %parallel_loop3A_2347, %parallel_loop3A_2348, %parallel_loop3A_2349, %parallel_loop3A_2350] : memref<2x1x1x32x512xf32, #tpu.memory_space<vmem>> -> memref<1x1x1x32x512xf32, #tpu.memory_space<vmem>>
          %parallel_loop3A_2352 = tpu.memref_squeeze %parallel_loop3A_2351 : memref<1x1x1x32x512xf32, #tpu.memory_space<vmem>> -> memref<1x1x32x512xf32, #tpu.memory_space<vmem>>
          %parallel_loop3A_2353 = arith.index_cast %parallel_loop3A_2345 : i32 to index
          %parallel_loop3A_2354 = arith.index_cast %parallel_loop3A_2346 : i32 to index
          %parallel_loop3A_2355 = arith.index_cast %parallel_loop3A_2342 : i32 to index
          %parallel_loop3A_2356 = arith.index_cast %parallel_loop3A_2344 : i32 to index
          %parallel_loop3A_2357 = tpu.vector_load %parallel_loop3A_2352[%parallel_loop3A_2353, %parallel_loop3A_2354, %parallel_loop3A_2355, %parallel_loop3A_2356] {strides = array<i32>} : memref<1x1x32x512xf32, #tpu.memory_space<vmem>>, vector<16xf32>,
          %parallel_loop3A_2358 = vector.broadcast %squeeze3A : f32 to vector<16xf32>
          %parallel_loop3A_2359 = arith.mulf %parallel_loop3A_2357, %parallel_loop3A_2358 : vector<16xf32>
          %parallel_loop3A_2360 = arith.fptosi %parallel_loop3A_2359 : vector<16xf32> to vector<16xi32>
          %parallel_loop3A_2361 = arith.sitofp %parallel_loop3A_2360 : vector<16xi32> to vector<16xf32>
          %parallel_loop3A_2362 = arith.subf %parallel_loop3A_2359, %parallel_loop3A_2361 : vector<16xf32>
          %parallel_loop3A_2363 = arith.constant 0 : i32
          %parallel_loop3A_2364 = arith.constant 0 : i32
          %parallel_loop3A_2365 = tpu.memref_slice %run_scoped3A_9[%rem3A_1167, %parallel_loop3A_2363, %parallel_loop3A_2364] : memref<2x1x88xf32, #tpu.memory_space<vmem>> -> memref<1x1x88xf32, #tpu.memory_space<vmem>>
          %parallel_loop3A_2366 = tpu.memref_squeeze %parallel_loop3A_2365 : memref<1x1x88xf32, #tpu.memory_space<vmem>> -> memref<1x88xf32, #tpu.memory_space<vmem>>
          %parallel_loop3A_2367 = tpu.vector_load_idx %parallel_loop3A_2366[%broadcast_in_dim3A_1170, %parallel_loop3A_2360] : memref<1x88xf32, #tpu.memory_space<vmem>>[vector<16xi32>, vector<16xi32>], vector<16xf32>,
          %parallel_loop3A_2368 = tpu.vector_load_idx %arg6[%parallel_loop3A_2360] : memref<80xf32, #tpu.memory_space<vmem>>[vector<16xi32>], vector<16xf32>,
          %parallel_loop3A_2369 = arith.mulf %parallel_loop3A_2362, %parallel_loop3A_2368 : vector<16xf32>
          %parallel_loop3A_2370 = arith.addf %parallel_loop3A_2367, %parallel_loop3A_2369 : vector<16xf32>
          %parallel_loop3A_2371 = arith.constant 0.000000e+00 : f32
          %parallel_loop3A_2372 = vector.broadcast %parallel_loop3A_2371 : f32 to vector<16xf32>
          %parallel_loop3A_2373 = arith.maximumf %parallel_loop3A_2370, %parallel_loop3A_2372 : vector<16xf32>
          %parallel_loop3A_2374 = arith.constant 1.000000e+00 : f32
          %parallel_loop3A_2375 = vector.broadcast %parallel_loop3A_2374 : f32 to vector<16xf32>
          %parallel_loop3A_2376 = arith.minimumf %parallel_loop3A_2373, %parallel_loop3A_2375 : vector<16xf32>
          %parallel_loop3A_2377 = arith.constant 0 : i32
          %parallel_loop3A_2378 = arith.constant 0 : i32
          %parallel_loop3A_2379 = arith.constant 0 : i32
          %parallel_loop3A_2380 = arith.constant 0 : i32
          %parallel_loop3A_2381 = arith.constant 0 : i32
          %parallel_loop3A_2382 = arith.constant 0 : i32
          %parallel_loop3A_2383 = tpu.memref_slice %run_scoped3A_11[%rem3A_1169, %parallel_loop3A_2379, %parallel_loop3A_2380, %parallel_loop3A_2381, %parallel_loop3A_2382] : memref<2x1x1x32x512xf32, #tpu.memory_space<vmem>> -> memref<1x1x1x32x512xf32, #tpu.memory_space<vmem>>
          %parallel_loop3A_2384 = tpu.memref_squeeze %parallel_loop3A_2383 : memref<1x1x1x32x512xf32, #tpu.memory_space<vmem>> -> memref<1x1x32x512xf32, #tpu.memory_space<vmem>>
          %parallel_loop3A_2385 = arith.index_cast %parallel_loop3A_2377 : i32 to index
          %parallel_loop3A_2386 = arith.index_cast %parallel_loop3A_2378 : i32 to index
          %parallel_loop3A_2387 = arith.index_cast %parallel_loop3A_2342 : i32 to index
          %parallel_loop3A_2388 = arith.index_cast %parallel_loop3A_2344 : i32 to index
          %parallel_loop3A_2389 = tpu.vector_load %parallel_loop3A_2384[%parallel_loop3A_2385, %parallel_loop3A_2386, %parallel_loop3A_2387, %parallel_loop3A_2388] {strides = array<i32>} : memref<1x1x32x512xf32, #tpu.memory_space<vmem>>, vector<16xf32>,
          tpu.vector_store %parallel_loop3A_2384[%parallel_loop3A_2385, %parallel_loop3A_2386, %parallel_loop3A_2387, %parallel_loop3A_2388], %parallel_loop3A_2376 {strides = array<i32>} : memref<1x1x32x512xf32, #tpu.memory_space<vmem>>, vector<16xf32>,
        } {sc.loop_unroll_factor = 4 : i64, sc.parallel_access}
        %jit3A_1267 = arith.constant 96 : i32
        "tpu.trace_stop"() : () -> ()
        %eq3A_1268 = arith.constant 0 : i32
        %eq3A_1269 = arith.cmpi eq, %jit3A_1267, %eq3A_1268 : i32
        %jit3A_1270 = arith.constant 1 : i32
        %select_n3A_1271 = arith.select %eq3A_1269, %jit3A_1270, %jit3A_1267 : i32
        %rem3A_1272 = arith.remsi %add3A_348, %select_n3A_1271 : i32
        %ne3A_1273 = arith.constant 0 : i32
        %ne3A_1274 = arith.cmpi ne, %rem3A_1272, %ne3A_1273 : i32
        %lt3A_1275 = arith.constant 0 : i32
        %lt3A_1276 = arith.cmpi slt, %rem3A_1272, %lt3A_1275 : i32
        %lt3A_1277 = arith.constant 0 : i32
        %lt3A_1278 = arith.cmpi slt, %select_n3A_1271, %lt3A_1277 : i32
        %ne3A_1279 = arith.xori %lt3A_1276, %lt3A_1278 : i1
        %and3A_1280 = arith.andi %ne3A_1279, %ne3A_1274 : i1
        %add3A_1281 = arith.addi %rem3A_1272, %select_n3A_1271 : i32
        %select_n3A_1282 = arith.select %and3A_1280, %add3A_1281, %rem3A_1272 : i32
        %jit3A_1283 = arith.constant 3 : i32
        %div3A_1284 = arith.divsi %select_n3A_1282, %jit3A_1283 : i32
        %sign3A_1285 = arith.constant 0 : i32
        %sign3A_1286 = arith.cmpi sgt, %select_n3A_1282, %sign3A_1285 : i32
        %sign3A_1287 = arith.extui %sign3A_1286 : i1 to i32
        %sign3A_1288 = arith.constant 0 : i32
        %sign3A_1289 = arith.cmpi slt, %select_n3A_1282, %sign3A_1288 : i32
        %sign3A_1290 = arith.extui %sign3A_1289 : i1 to i32
        %sign3A_1291 = arith.subi %sign3A_1287, %sign3A_1290 : i32
        %sign3A_1292 = arith.constant 0 : i32
        %sign3A_1293 = arith.cmpi sgt, %jit3A_1283, %sign3A_1292 : i32
        %sign3A_1294 = arith.extui %sign3A_1293 : i1 to i32
        %sign3A_1295 = arith.constant 0 : i32
        %sign3A_1296 = arith.cmpi slt, %jit3A_1283, %sign3A_1295 : i32
        %sign3A_1297 = arith.extui %sign3A_1296 : i1 to i32
        %sign3A_1298 = arith.subi %sign3A_1294, %sign3A_1297 : i32
        %ne3A_1299 = arith.cmpi ne, %sign3A_1291, %sign3A_1298 : i32
        %rem3A_1300 = arith.remsi %select_n3A_1282, %jit3A_1283 : i32
        %ne3A_1301 = arith.constant 0 : i32
        %ne3A_1302 = arith.cmpi ne, %rem3A_1300, %ne3A_1301 : i32
        %and3A_1303 = arith.andi %ne3A_1299, %ne3A_1302 : i1
        %sub3A_1304 = arith.constant 1 : i32
        %sub3A_1305 = arith.subi %div3A_1284, %sub3A_1304 : i32
        %select_n3A_1306 = arith.select %and3A_1303, %sub3A_1305, %div3A_1284 : i32
        %jit3A_1307 = arith.constant 3 : i32
        %eq3A_1308 = arith.constant 0 : i32
        %eq3A_1309 = arith.cmpi eq, %jit3A_1307, %eq3A_1308 : i32
        %jit3A_1310 = arith.constant 1 : i32
        %select_n3A_1311 = arith.select %eq3A_1309, %jit3A_1310, %jit3A_1307 : i32
        %rem3A_1312 = arith.remsi %add3A_348, %select_n3A_1311 : i32
        %ne3A_1313 = arith.constant 0 : i32
        %ne3A_1314 = arith.cmpi ne, %rem3A_1312, %ne3A_1313 : i32
        %lt3A_1315 = arith.constant 0 : i32
        %lt3A_1316 = arith.cmpi slt, %rem3A_1312, %lt3A_1315 : i32
        %lt3A_1317 = arith.constant 0 : i32
        %lt3A_1318 = arith.cmpi slt, %select_n3A_1311, %lt3A_1317 : i32
        %ne3A_1319 = arith.xori %lt3A_1316, %lt3A_1318 : i1
        %and3A_1320 = arith.andi %ne3A_1319, %ne3A_1314 : i1
        %add3A_1321 = arith.addi %rem3A_1312, %select_n3A_1311 : i32
        %select_n3A_1322 = arith.select %and3A_1320, %add3A_1321, %rem3A_1312 : i32
        %jit3A_1323 = arith.constant 96 : i32
        %div3A_1324 = arith.divsi %add3A_348, %jit3A_1323 : i32
        %sign3A_1325 = arith.constant 0 : i32
        %sign3A_1326 = arith.cmpi sgt, %add3A_348, %sign3A_1325 : i32
        %sign3A_1327 = arith.extui %sign3A_1326 : i1 to i32
        %sign3A_1328 = arith.constant 0 : i32
        %sign3A_1329 = arith.cmpi slt, %add3A_348, %sign3A_1328 : i32
        %sign3A_1330 = arith.extui %sign3A_1329 : i1 to i32
        %sign3A_1331 = arith.subi %sign3A_1327, %sign3A_1330 : i32
        %sign3A_1332 = arith.constant 0 : i32
        %sign3A_1333 = arith.cmpi sgt, %jit3A_1323, %sign3A_1332 : i32
        %sign3A_1334 = arith.extui %sign3A_1333 : i1 to i32
        %sign3A_1335 = arith.constant 0 : i32
        %sign3A_1336 = arith.cmpi slt, %jit3A_1323, %sign3A_1335 : i32
        %sign3A_1337 = arith.extui %sign3A_1336 : i1 to i32
        %sign3A_1338 = arith.subi %sign3A_1334, %sign3A_1337 : i32
        %ne3A_1339 = arith.cmpi ne, %sign3A_1331, %sign3A_1338 : i32
        %rem3A_1340 = arith.remsi %add3A_348, %jit3A_1323 : i32
        %ne3A_1341 = arith.constant 0 : i32
        %ne3A_1342 = arith.cmpi ne, %rem3A_1340, %ne3A_1341 : i32
        %and3A_1343 = arith.andi %ne3A_1339, %ne3A_1342 : i1
        %sub3A_1344 = arith.constant 1 : i32
        %sub3A_1345 = arith.subi %div3A_1324, %sub3A_1344 : i32
        %select_n3A_1346 = arith.select %and3A_1343, %sub3A_1345, %div3A_1324 : i32
        %jit3A_1347 = arith.constant 96 : i32
        %eq3A_1348 = arith.constant 0 : i32
        %eq3A_1349 = arith.cmpi eq, %jit3A_1347, %eq3A_1348 : i32
        %jit3A_1350 = arith.constant 1 : i32
        %select_n3A_1351 = arith.select %eq3A_1349, %jit3A_1350, %jit3A_1347 : i32
        %rem3A_1352 = arith.remsi %add3A_366, %select_n3A_1351 : i32
        %ne3A_1353 = arith.constant 0 : i32
        %ne3A_1354 = arith.cmpi ne, %rem3A_1352, %ne3A_1353 : i32
        %lt3A_1355 = arith.constant 0 : i32
        %lt3A_1356 = arith.cmpi slt, %rem3A_1352, %lt3A_1355 : i32
        %lt3A_1357 = arith.constant 0 : i32
        %lt3A_1358 = arith.cmpi slt, %select_n3A_1351, %lt3A_1357 : i32
        %ne3A_1359 = arith.xori %lt3A_1356, %lt3A_1358 : i1
        %and3A_1360 = arith.andi %ne3A_1359, %ne3A_1354 : i1
        %add3A_1361 = arith.addi %rem3A_1352, %select_n3A_1351 : i32
        %select_n3A_1362 = arith.select %and3A_1360, %add3A_1361, %rem3A_1352 : i32
        %jit3A_1363 = arith.constant 3 : i32
        %div3A_1364 = arith.divsi %select_n3A_1362, %jit3A_1363 : i32
        %sign3A_1365 = arith.constant 0 : i32
        %sign3A_1366 = arith.cmpi sgt, %select_n3A_1362, %sign3A_1365 : i32
        %sign3A_1367 = arith.extui %sign3A_1366 : i1 to i32
        %sign3A_1368 = arith.constant 0 : i32
        %sign3A_1369 = arith.cmpi slt, %select_n3A_1362, %sign3A_1368 : i32
        %sign3A_1370 = arith.extui %sign3A_1369 : i1 to i32
        %sign3A_1371 = arith.subi %sign3A_1367, %sign3A_1370 : i32
        %sign3A_1372 = arith.constant 0 : i32
        %sign3A_1373 = arith.cmpi sgt, %jit3A_1363, %sign3A_1372 : i32
        %sign3A_1374 = arith.extui %sign3A_1373 : i1 to i32
        %sign3A_1375 = arith.constant 0 : i32
        %sign3A_1376 = arith.cmpi slt, %jit3A_1363, %sign3A_1375 : i32
        %sign3A_1377 = arith.extui %sign3A_1376 : i1 to i32
        %sign3A_1378 = arith.subi %sign3A_1374, %sign3A_1377 : i32
        %ne3A_1379 = arith.cmpi ne, %sign3A_1371, %sign3A_1378 : i32
        %rem3A_1380 = arith.remsi %select_n3A_1362, %jit3A_1363 : i32
        %ne3A_1381 = arith.constant 0 : i32
        %ne3A_1382 = arith.cmpi ne, %rem3A_1380, %ne3A_1381 : i32
        %and3A_1383 = arith.andi %ne3A_1379, %ne3A_1382 : i1
        %sub3A_1384 = arith.constant 1 : i32
        %sub3A_1385 = arith.subi %div3A_1364, %sub3A_1384 : i32
        %select_n3A_1386 = arith.select %and3A_1383, %sub3A_1385, %div3A_1364 : i32
        %jit3A_1387 = arith.constant 3 : i32
        %eq3A_1388 = arith.constant 0 : i32
        %eq3A_1389 = arith.cmpi eq, %jit3A_1387, %eq3A_1388 : i32
        %jit3A_1390 = arith.constant 1 : i32
        %select_n3A_1391 = arith.select %eq3A_1389, %jit3A_1390, %jit3A_1387 : i32
        %rem3A_1392 = arith.remsi %add3A_366, %select_n3A_1391 : i32
        %ne3A_1393 = arith.constant 0 : i32
        %ne3A_1394 = arith.cmpi ne, %rem3A_1392, %ne3A_1393 : i32
        %lt3A_1395 = arith.constant 0 : i32
        %lt3A_1396 = arith.cmpi slt, %rem3A_1392, %lt3A_1395 : i32
        %lt3A_1397 = arith.constant 0 : i32
        %lt3A_1398 = arith.cmpi slt, %select_n3A_1391, %lt3A_1397 : i32
        %ne3A_1399 = arith.xori %lt3A_1396, %lt3A_1398 : i1
        %and3A_1400 = arith.andi %ne3A_1399, %ne3A_1394 : i1
        %add3A_1401 = arith.addi %rem3A_1392, %select_n3A_1391 : i32
        %select_n3A_1402 = arith.select %and3A_1400, %add3A_1401, %rem3A_1392 : i32
        %jit3A_1403 = arith.constant 96 : i32
        %div3A_1404 = arith.divsi %add3A_366, %jit3A_1403 : i32
        %sign3A_1405 = arith.constant 0 : i32
        %sign3A_1406 = arith.cmpi sgt, %add3A_366, %sign3A_1405 : i32
        %sign3A_1407 = arith.extui %sign3A_1406 : i1 to i32
        %sign3A_1408 = arith.constant 0 : i32
        %sign3A_1409 = arith.cmpi slt, %add3A_366, %sign3A_1408 : i32
        %sign3A_1410 = arith.extui %sign3A_1409 : i1 to i32
        %sign3A_1411 = arith.subi %sign3A_1407, %sign3A_1410 : i32
        %sign3A_1412 = arith.constant 0 : i32
        %sign3A_1413 = arith.cmpi sgt, %jit3A_1403, %sign3A_1412 : i32
        %sign3A_1414 = arith.extui %sign3A_1413 : i1 to i32
        %sign3A_1415 = arith.constant 0 : i32
        %sign3A_1416 = arith.cmpi slt, %jit3A_1403, %sign3A_1415 : i32
        %sign3A_1417 = arith.extui %sign3A_1416 : i1 to i32
        %sign3A_1418 = arith.subi %sign3A_1414, %sign3A_1417 : i32
        %ne3A_1419 = arith.cmpi ne, %sign3A_1411, %sign3A_1418 : i32
        %rem3A_1420 = arith.remsi %add3A_366, %jit3A_1403 : i32
        %ne3A_1421 = arith.constant 0 : i32
        %ne3A_1422 = arith.cmpi ne, %rem3A_1420, %ne3A_1421 : i32
        %and3A_1423 = arith.andi %ne3A_1419, %ne3A_1422 : i1
        %sub3A_1424 = arith.constant 1 : i32
        %sub3A_1425 = arith.subi %div3A_1404, %sub3A_1424 : i32
        %select_n3A_1426 = arith.select %and3A_1423, %sub3A_1425, %div3A_1404 : i32
        %ne3A_1427 = arith.cmpi ne, %select_n3A_1306, %select_n3A_1386 : i32
        %ne3A_1428 = arith.cmpi ne, %select_n3A_1322, %select_n3A_1402 : i32
        %ne3A_1429 = arith.cmpi ne, %select_n3A_1346, %select_n3A_1426 : i32
        %or3A_1430 = arith.constant false
        %or3A_1431 = arith.ori %or3A_1430, %ne3A_1427 : i1
        %or3A_1432 = arith.ori %or3A_1431, %ne3A_1428 : i1
        %or3A_1433 = arith.ori %or3A_1432, %ne3A_1429 : i1
        %or3A_1434 = arith.constant false
        %or3A_1435 = arith.ori %or3A_1433, %or3A_1434 : i1
        %or3A_1436 = arith.ori %or3A_1435, %eq3A_347 : i1
        %convert_element_type3A_1437 = arith.extui %or3A_1436 : i1 to i32
        %cond3A_1438 = arith.constant 0 : i32
        %cond3A_1439 = arith.cmpi ne, %convert_element_type3A_1437, %cond3A_1438 : i32
        scf.if %cond3A_1439 {
        } else {
        }
        %and3A_1440 = arith.constant false
        %and3A_1441 = arith.andi %or3A_1436, %and3A_1440 : i1
        %jit3A_1442 = arith.constant 96 : i32
        %eq3A_1443 = arith.constant 0 : i32
        %eq3A_1444 = arith.cmpi eq, %jit3A_1442, %eq3A_1443 : i32
        %jit3A_1445 = arith.constant 1 : i32
        %select_n3A_1446 = arith.select %eq3A_1444, %jit3A_1445, %jit3A_1442 : i32
        %rem3A_1447 = arith.remsi %add3A_348, %select_n3A_1446 : i32
        %ne3A_1448 = arith.constant 0 : i32
        %ne3A_1449 = arith.cmpi ne, %rem3A_1447, %ne3A_1448 : i32
        %lt3A_1450 = arith.constant 0 : i32
        %lt3A_1451 = arith.cmpi slt, %rem3A_1447, %lt3A_1450 : i32
        %lt3A_1452 = arith.constant 0 : i32
        %lt3A_1453 = arith.cmpi slt, %select_n3A_1446, %lt3A_1452 : i32
        %ne3A_1454 = arith.xori %lt3A_1451, %lt3A_1453 : i1
        %and3A_1455 = arith.andi %ne3A_1454, %ne3A_1449 : i1
        %add3A_1456 = arith.addi %rem3A_1447, %select_n3A_1446 : i32
        %select_n3A_1457 = arith.select %and3A_1455, %add3A_1456, %rem3A_1447 : i32
        %jit3A_1458 = arith.constant 96 : i32
        %eq3A_1459 = arith.constant 0 : i32
        %eq3A_1460 = arith.cmpi eq, %jit3A_1458, %eq3A_1459 : i32
        %jit3A_1461 = arith.constant 1 : i32
        %select_n3A_1462 = arith.select %eq3A_1460, %jit3A_1461, %jit3A_1458 : i32
        %rem3A_1463 = arith.remsi %add3A_366, %select_n3A_1462 : i32
        %ne3A_1464 = arith.constant 0 : i32
        %ne3A_1465 = arith.cmpi ne, %rem3A_1463, %ne3A_1464 : i32
        %lt3A_1466 = arith.constant 0 : i32
        %lt3A_1467 = arith.cmpi slt, %rem3A_1463, %lt3A_1466 : i32
        %lt3A_1468 = arith.constant 0 : i32
        %lt3A_1469 = arith.cmpi slt, %select_n3A_1462, %lt3A_1468 : i32
        %ne3A_1470 = arith.xori %lt3A_1467, %lt3A_1469 : i1
        %and3A_1471 = arith.andi %ne3A_1470, %ne3A_1465 : i1
        %add3A_1472 = arith.addi %rem3A_1463, %select_n3A_1462 : i32
        %select_n3A_1473 = arith.select %and3A_1471, %add3A_1472, %rem3A_1463 : i32
        %ne3A_1474 = arith.cmpi ne, %select_n3A_1457, %select_n3A_1473 : i32
        %or3A_1475 = arith.constant false
        %or3A_1476 = arith.ori %or3A_1475, %ne3A_1474 : i1
        %or3A_1477 = arith.constant false
        %or3A_1478 = arith.ori %or3A_1476, %or3A_1477 : i1
        %or3A_1479 = arith.ori %or3A_1478, %eq3A_347 : i1
        %convert_element_type3A_1480 = arith.extui %or3A_1479 : i1 to i32
        %cond3A_1481 = arith.constant 0 : i32
        %cond3A_1482 = arith.cmpi ne, %convert_element_type3A_1480, %cond3A_1481 : i32
        scf.if %cond3A_1482 {
        } else {
        }
        %and3A_1483 = arith.constant false
        %and3A_1484 = arith.andi %or3A_1479, %and3A_1483 : i1
        %jit3A_1485 = arith.constant 96 : i32
        %eq3A_1486 = arith.constant 0 : i32
        %eq3A_1487 = arith.cmpi eq, %jit3A_1485, %eq3A_1486 : i32
        %jit3A_1488 = arith.constant 1 : i32
        %select_n3A_1489 = arith.select %eq3A_1487, %jit3A_1488, %jit3A_1485 : i32
        %rem3A_1490 = arith.remsi %add3A_348, %select_n3A_1489 : i32
        %ne3A_1491 = arith.constant 0 : i32
        %ne3A_1492 = arith.cmpi ne, %rem3A_1490, %ne3A_1491 : i32
        %lt3A_1493 = arith.constant 0 : i32
        %lt3A_1494 = arith.cmpi slt, %rem3A_1490, %lt3A_1493 : i32
        %lt3A_1495 = arith.constant 0 : i32
        %lt3A_1496 = arith.cmpi slt, %select_n3A_1489, %lt3A_1495 : i32
        %ne3A_1497 = arith.xori %lt3A_1494, %lt3A_1496 : i1
        %and3A_1498 = arith.andi %ne3A_1497, %ne3A_1492 : i1
        %add3A_1499 = arith.addi %rem3A_1490, %select_n3A_1489 : i32
        %select_n3A_1500 = arith.select %and3A_1498, %add3A_1499, %rem3A_1490 : i32
        %jit3A_1501 = arith.constant 3 : i32
        %div3A_1502 = arith.divsi %select_n3A_1500, %jit3A_1501 : i32
        %sign3A_1503 = arith.constant 0 : i32
        %sign3A_1504 = arith.cmpi sgt, %select_n3A_1500, %sign3A_1503 : i32
        %sign3A_1505 = arith.extui %sign3A_1504 : i1 to i32
        %sign3A_1506 = arith.constant 0 : i32
        %sign3A_1507 = arith.cmpi slt, %select_n3A_1500, %sign3A_1506 : i32
        %sign3A_1508 = arith.extui %sign3A_1507 : i1 to i32
        %sign3A_1509 = arith.subi %sign3A_1505, %sign3A_1508 : i32
        %sign3A_1510 = arith.constant 0 : i32
        %sign3A_1511 = arith.cmpi sgt, %jit3A_1501, %sign3A_1510 : i32
        %sign3A_1512 = arith.extui %sign3A_1511 : i1 to i32
        %sign3A_1513 = arith.constant 0 : i32
        %sign3A_1514 = arith.cmpi slt, %jit3A_1501, %sign3A_1513 : i32
        %sign3A_1515 = arith.extui %sign3A_1514 : i1 to i32
        %sign3A_1516 = arith.subi %sign3A_1512, %sign3A_1515 : i32
        %ne3A_1517 = arith.cmpi ne, %sign3A_1509, %sign3A_1516 : i32
        %rem3A_1518 = arith.remsi %select_n3A_1500, %jit3A_1501 : i32
        %ne3A_1519 = arith.constant 0 : i32
        %ne3A_1520 = arith.cmpi ne, %rem3A_1518, %ne3A_1519 : i32
        %and3A_1521 = arith.andi %ne3A_1517, %ne3A_1520 : i1
        %sub3A_1522 = arith.constant 1 : i32
        %sub3A_1523 = arith.subi %div3A_1502, %sub3A_1522 : i32
        %select_n3A_1524 = arith.select %and3A_1521, %sub3A_1523, %div3A_1502 : i32
        %jit3A_1525 = arith.constant 3 : i32
        %eq3A_1526 = arith.constant 0 : i32
        %eq3A_1527 = arith.cmpi eq, %jit3A_1525, %eq3A_1526 : i32
        %jit3A_1528 = arith.constant 1 : i32
        %select_n3A_1529 = arith.select %eq3A_1527, %jit3A_1528, %jit3A_1525 : i32
        %rem3A_1530 = arith.remsi %add3A_348, %select_n3A_1529 : i32
        %ne3A_1531 = arith.constant 0 : i32
        %ne3A_1532 = arith.cmpi ne, %rem3A_1530, %ne3A_1531 : i32
        %lt3A_1533 = arith.constant 0 : i32
        %lt3A_1534 = arith.cmpi slt, %rem3A_1530, %lt3A_1533 : i32
        %lt3A_1535 = arith.constant 0 : i32
        %lt3A_1536 = arith.cmpi slt, %select_n3A_1529, %lt3A_1535 : i32
        %ne3A_1537 = arith.xori %lt3A_1534, %lt3A_1536 : i1
        %and3A_1538 = arith.andi %ne3A_1537, %ne3A_1532 : i1
        %add3A_1539 = arith.addi %rem3A_1530, %select_n3A_1529 : i32
        %select_n3A_1540 = arith.select %and3A_1538, %add3A_1539, %rem3A_1530 : i32
        %jit3A_1541 = arith.constant 96 : i32
        %div3A_1542 = arith.divsi %add3A_348, %jit3A_1541 : i32
        %sign3A_1543 = arith.constant 0 : i32
        %sign3A_1544 = arith.cmpi sgt, %add3A_348, %sign3A_1543 : i32
        %sign3A_1545 = arith.extui %sign3A_1544 : i1 to i32
        %sign3A_1546 = arith.constant 0 : i32
        %sign3A_1547 = arith.cmpi slt, %add3A_348, %sign3A_1546 : i32
        %sign3A_1548 = arith.extui %sign3A_1547 : i1 to i32
        %sign3A_1549 = arith.subi %sign3A_1545, %sign3A_1548 : i32
        %sign3A_1550 = arith.constant 0 : i32
        %sign3A_1551 = arith.cmpi sgt, %jit3A_1541, %sign3A_1550 : i32
        %sign3A_1552 = arith.extui %sign3A_1551 : i1 to i32
        %sign3A_1553 = arith.constant 0 : i32
        %sign3A_1554 = arith.cmpi slt, %jit3A_1541, %sign3A_1553 : i32
        %sign3A_1555 = arith.extui %sign3A_1554 : i1 to i32
        %sign3A_1556 = arith.subi %sign3A_1552, %sign3A_1555 : i32
        %ne3A_1557 = arith.cmpi ne, %sign3A_1549, %sign3A_1556 : i32
        %rem3A_1558 = arith.remsi %add3A_348, %jit3A_1541 : i32
        %ne3A_1559 = arith.constant 0 : i32
        %ne3A_1560 = arith.cmpi ne, %rem3A_1558, %ne3A_1559 : i32
        %and3A_1561 = arith.andi %ne3A_1557, %ne3A_1560 : i1
        %sub3A_1562 = arith.constant 1 : i32
        %sub3A_1563 = arith.subi %div3A_1542, %sub3A_1562 : i32
        %select_n3A_1564 = arith.select %and3A_1561, %sub3A_1563, %div3A_1542 : i32
        %jit3A_1565 = arith.constant 96 : i32
        %eq3A_1566 = arith.constant 0 : i32
        %eq3A_1567 = arith.cmpi eq, %jit3A_1565, %eq3A_1566 : i32
        %jit3A_1568 = arith.constant 1 : i32
        %select_n3A_1569 = arith.select %eq3A_1567, %jit3A_1568, %jit3A_1565 : i32
        %rem3A_1570 = arith.remsi %add3A_366, %select_n3A_1569 : i32
        %ne3A_1571 = arith.constant 0 : i32
        %ne3A_1572 = arith.cmpi ne, %rem3A_1570, %ne3A_1571 : i32
        %lt3A_1573 = arith.constant 0 : i32
        %lt3A_1574 = arith.cmpi slt, %rem3A_1570, %lt3A_1573 : i32
        %lt3A_1575 = arith.constant 0 : i32
        %lt3A_1576 = arith.cmpi slt, %select_n3A_1569, %lt3A_1575 : i32
        %ne3A_1577 = arith.xori %lt3A_1574, %lt3A_1576 : i1
        %and3A_1578 = arith.andi %ne3A_1577, %ne3A_1572 : i1
        %add3A_1579 = arith.addi %rem3A_1570, %select_n3A_1569 : i32
        %select_n3A_1580 = arith.select %and3A_1578, %add3A_1579, %rem3A_1570 : i32
        %jit3A_1581 = arith.constant 3 : i32
        %div3A_1582 = arith.divsi %select_n3A_1580, %jit3A_1581 : i32
        %sign3A_1583 = arith.constant 0 : i32
        %sign3A_1584 = arith.cmpi sgt, %select_n3A_1580, %sign3A_1583 : i32
        %sign3A_1585 = arith.extui %sign3A_1584 : i1 to i32
        %sign3A_1586 = arith.constant 0 : i32
        %sign3A_1587 = arith.cmpi slt, %select_n3A_1580, %sign3A_1586 : i32
        %sign3A_1588 = arith.extui %sign3A_1587 : i1 to i32
        %sign3A_1589 = arith.subi %sign3A_1585, %sign3A_1588 : i32
        %sign3A_1590 = arith.constant 0 : i32
        %sign3A_1591 = arith.cmpi sgt, %jit3A_1581, %sign3A_1590 : i32
        %sign3A_1592 = arith.extui %sign3A_1591 : i1 to i32
        %sign3A_1593 = arith.constant 0 : i32
        %sign3A_1594 = arith.cmpi slt, %jit3A_1581, %sign3A_1593 : i32
        %sign3A_1595 = arith.extui %sign3A_1594 : i1 to i32
        %sign3A_1596 = arith.subi %sign3A_1592, %sign3A_1595 : i32
        %ne3A_1597 = arith.cmpi ne, %sign3A_1589, %sign3A_1596 : i32
        %rem3A_1598 = arith.remsi %select_n3A_1580, %jit3A_1581 : i32
        %ne3A_1599 = arith.constant 0 : i32
        %ne3A_1600 = arith.cmpi ne, %rem3A_1598, %ne3A_1599 : i32
        %and3A_1601 = arith.andi %ne3A_1597, %ne3A_1600 : i1
        %sub3A_1602 = arith.constant 1 : i32
        %sub3A_1603 = arith.subi %div3A_1582, %sub3A_1602 : i32
        %select_n3A_1604 = arith.select %and3A_1601, %sub3A_1603, %div3A_1582 : i32
        %jit3A_1605 = arith.constant 3 : i32
        %eq3A_1606 = arith.constant 0 : i32
        %eq3A_1607 = arith.cmpi eq, %jit3A_1605, %eq3A_1606 : i32
        %jit3A_1608 = arith.constant 1 : i32
        %select_n3A_1609 = arith.select %eq3A_1607, %jit3A_1608, %jit3A_1605 : i32
        %rem3A_1610 = arith.remsi %add3A_366, %select_n3A_1609 : i32
        %ne3A_1611 = arith.constant 0 : i32
        %ne3A_1612 = arith.cmpi ne, %rem3A_1610, %ne3A_1611 : i32
        %lt3A_1613 = arith.constant 0 : i32
        %lt3A_1614 = arith.cmpi slt, %rem3A_1610, %lt3A_1613 : i32
        %lt3A_1615 = arith.constant 0 : i32
        %lt3A_1616 = arith.cmpi slt, %select_n3A_1609, %lt3A_1615 : i32
        %ne3A_1617 = arith.xori %lt3A_1614, %lt3A_1616 : i1
        %and3A_1618 = arith.andi %ne3A_1617, %ne3A_1612 : i1
        %add3A_1619 = arith.addi %rem3A_1610, %select_n3A_1609 : i32
        %select_n3A_1620 = arith.select %and3A_1618, %add3A_1619, %rem3A_1610 : i32
        %jit3A_1621 = arith.constant 96 : i32
        %div3A_1622 = arith.divsi %add3A_366, %jit3A_1621 : i32
        %sign3A_1623 = arith.constant 0 : i32
        %sign3A_1624 = arith.cmpi sgt, %add3A_366, %sign3A_1623 : i32
        %sign3A_1625 = arith.extui %sign3A_1624 : i1 to i32
        %sign3A_1626 = arith.constant 0 : i32
        %sign3A_1627 = arith.cmpi slt, %add3A_366, %sign3A_1626 : i32
        %sign3A_1628 = arith.extui %sign3A_1627 : i1 to i32
        %sign3A_1629 = arith.subi %sign3A_1625, %sign3A_1628 : i32
        %sign3A_1630 = arith.constant 0 : i32
        %sign3A_1631 = arith.cmpi sgt, %jit3A_1621, %sign3A_1630 : i32
        %sign3A_1632 = arith.extui %sign3A_1631 : i1 to i32
        %sign3A_1633 = arith.constant 0 : i32
        %sign3A_1634 = arith.cmpi slt, %jit3A_1621, %sign3A_1633 : i32
        %sign3A_1635 = arith.extui %sign3A_1634 : i1 to i32
        %sign3A_1636 = arith.subi %sign3A_1632, %sign3A_1635 : i32
        %ne3A_1637 = arith.cmpi ne, %sign3A_1629, %sign3A_1636 : i32
        %rem3A_1638 = arith.remsi %add3A_366, %jit3A_1621 : i32
        %ne3A_1639 = arith.constant 0 : i32
        %ne3A_1640 = arith.cmpi ne, %rem3A_1638, %ne3A_1639 : i32
        %and3A_1641 = arith.andi %ne3A_1637, %ne3A_1640 : i1
        %sub3A_1642 = arith.constant 1 : i32
        %sub3A_1643 = arith.subi %div3A_1622, %sub3A_1642 : i32
        %select_n3A_1644 = arith.select %and3A_1641, %sub3A_1643, %div3A_1622 : i32
        %ne3A_1645 = arith.cmpi ne, %select_n3A_1524, %select_n3A_1604 : i32
        %ne3A_1646 = arith.cmpi ne, %select_n3A_1540, %select_n3A_1620 : i32
        %ne3A_1647 = arith.cmpi ne, %select_n3A_1564, %select_n3A_1644 : i32
        %or3A_1648 = arith.constant false
        %or3A_1649 = arith.ori %or3A_1648, %ne3A_1645 : i1
        %or3A_1650 = arith.ori %or3A_1649, %ne3A_1646 : i1
        %or3A_1651 = arith.ori %or3A_1650, %ne3A_1647 : i1
        %or3A_1652 = arith.constant false
        %or3A_1653 = arith.ori %or3A_1651, %or3A_1652 : i1
        %or3A_1654 = arith.ori %or3A_1653, %eq3A_347 : i1
        %convert_element_type3A_1655 = arith.extui %or3A_1654 : i1 to i32
        %cond3A_1656 = arith.constant 0 : i32
        %cond3A_1657 = arith.cmpi ne, %convert_element_type3A_1655, %cond3A_1656 : i32
        scf.if %cond3A_1657 {
          "tpu.trace_start"() <{level = 10 : i32, message = "ep_copy_out"}> : () -> ()
          %rem3A_2287 = arith.constant 2 : i32
          %rem3A_2288 = arith.remui %scan3A_341, %rem3A_2287 : i32
          %jit3A_2289 = arith.constant 96 : i32
          %eq3A_2290 = arith.constant 0 : i32
          %eq3A_2291 = arith.cmpi eq, %jit3A_2289, %eq3A_2290 : i32
          %jit3A_2292 = arith.constant 1 : i32
          %select_n3A_2293 = arith.select %eq3A_2291, %jit3A_2292, %jit3A_2289 : i32
          %rem3A_2294 = arith.remsi %add3A_348, %select_n3A_2293 : i32
          %ne3A_2295 = arith.constant 0 : i32
          %ne3A_2296 = arith.cmpi ne, %rem3A_2294, %ne3A_2295 : i32
          %lt3A_2297 = arith.constant 0 : i32
          %lt3A_2298 = arith.cmpi slt, %rem3A_2294, %lt3A_2297 : i32
          %lt3A_2299 = arith.constant 0 : i32
          %lt3A_2300 = arith.cmpi slt, %select_n3A_2293, %lt3A_2299 : i32
          %ne3A_2301 = arith.xori %lt3A_2298, %lt3A_2300 : i1
          %and3A_2302 = arith.andi %ne3A_2301, %ne3A_2296 : i1
          %add3A_2303 = arith.addi %rem3A_2294, %select_n3A_2293 : i32
          %select_n3A_2304 = arith.select %and3A_2302, %add3A_2303, %rem3A_2294 : i32
          %jit3A_2305 = arith.constant 3 : i32
          %div3A_2306 = arith.divsi %select_n3A_2304, %jit3A_2305 : i32
          %sign3A_2307 = arith.constant 0 : i32
          %sign3A_2308 = arith.cmpi sgt, %select_n3A_2304, %sign3A_2307 : i32
          %sign3A_2309 = arith.extui %sign3A_2308 : i1 to i32
          %sign3A_2310 = arith.constant 0 : i32
          %sign3A_2311 = arith.cmpi slt, %select_n3A_2304, %sign3A_2310 : i32
          %sign3A_2312 = arith.extui %sign3A_2311 : i1 to i32
          %sign3A_2313 = arith.subi %sign3A_2309, %sign3A_2312 : i32
          %sign3A_2314 = arith.constant 0 : i32
          %sign3A_2315 = arith.cmpi sgt, %jit3A_2305, %sign3A_2314 : i32
          %sign3A_2316 = arith.extui %sign3A_2315 : i1 to i32
          %sign3A_2317 = arith.constant 0 : i32
          %sign3A_2318 = arith.cmpi slt, %jit3A_2305, %sign3A_2317 : i32
          %sign3A_2319 = arith.extui %sign3A_2318 : i1 to i32
          %sign3A_2320 = arith.subi %sign3A_2316, %sign3A_2319 : i32
          %ne3A_2321 = arith.cmpi ne, %sign3A_2313, %sign3A_2320 : i32
          %rem3A_2322 = arith.remsi %select_n3A_2304, %jit3A_2305 : i32
          %ne3A_2323 = arith.constant 0 : i32
          %ne3A_2324 = arith.cmpi ne, %rem3A_2322, %ne3A_2323 : i32
          %and3A_2325 = arith.andi %ne3A_2321, %ne3A_2324 : i1
          %sub3A_2326 = arith.constant 1 : i32
          %sub3A_2327 = arith.subi %div3A_2306, %sub3A_2326 : i32
          %select_n3A_2328 = arith.select %and3A_2325, %sub3A_2327, %div3A_2306 : i32
          %jit3A_2329 = arith.constant 3 : i32
          %eq3A_2330 = arith.constant 0 : i32
          %eq3A_2331 = arith.cmpi eq, %jit3A_2329, %eq3A_2330 : i32
          %jit3A_2332 = arith.constant 1 : i32
          %select_n3A_2333 = arith.select %eq3A_2331, %jit3A_2332, %jit3A_2329 : i32
          %rem3A_2334 = arith.remsi %add3A_348, %select_n3A_2333 : i32
          %ne3A_2335 = arith.constant 0 : i32
          %ne3A_2336 = arith.cmpi ne, %rem3A_2334, %ne3A_2335 : i32
          %lt3A_2337 = arith.constant 0 : i32
          %lt3A_2338 = arith.cmpi slt, %rem3A_2334, %lt3A_2337 : i32
          %lt3A_2339 = arith.constant 0 : i32
          %lt3A_2340 = arith.cmpi slt, %select_n3A_2333, %lt3A_2339 : i32
          %ne3A_2341 = arith.xori %lt3A_2338, %lt3A_2340 : i1
          %and3A_2342 = arith.andi %ne3A_2341, %ne3A_2336 : i1
          %add3A_2343 = arith.addi %rem3A_2334, %select_n3A_2333 : i32
          %select_n3A_2344 = arith.select %and3A_2342, %add3A_2343, %rem3A_2334 : i32
          %jit3A_2345 = arith.constant 96 : i32
          %div3A_2346 = arith.divsi %add3A_348, %jit3A_2345 : i32
          %sign3A_2347 = arith.constant 0 : i32
          %sign3A_2348 = arith.cmpi sgt, %add3A_348, %sign3A_2347 : i32
          %sign3A_2349 = arith.extui %sign3A_2348 : i1 to i32
          %sign3A_2350 = arith.constant 0 : i32
          %sign3A_2351 = arith.cmpi slt, %add3A_348, %sign3A_2350 : i32
          %sign3A_2352 = arith.extui %sign3A_2351 : i1 to i32
          %sign3A_2353 = arith.subi %sign3A_2349, %sign3A_2352 : i32
          %sign3A_2354 = arith.constant 0 : i32
          %sign3A_2355 = arith.cmpi sgt, %jit3A_2345, %sign3A_2354 : i32
          %sign3A_2356 = arith.extui %sign3A_2355 : i1 to i32
          %sign3A_2357 = arith.constant 0 : i32
          %sign3A_2358 = arith.cmpi slt, %jit3A_2345, %sign3A_2357 : i32
          %sign3A_2359 = arith.extui %sign3A_2358 : i1 to i32
          %sign3A_2360 = arith.subi %sign3A_2356, %sign3A_2359 : i32
          %ne3A_2361 = arith.cmpi ne, %sign3A_2353, %sign3A_2360 : i32
          %rem3A_2362 = arith.remsi %add3A_348, %jit3A_2345 : i32
          %ne3A_2363 = arith.constant 0 : i32
          %ne3A_2364 = arith.cmpi ne, %rem3A_2362, %ne3A_2363 : i32
          %and3A_2365 = arith.andi %ne3A_2361, %ne3A_2364 : i1
          %sub3A_2366 = arith.constant 1 : i32
          %sub3A_2367 = arith.subi %div3A_2346, %sub3A_2366 : i32
          %select_n3A_2368 = arith.select %and3A_2365, %sub3A_2367, %div3A_2346 : i32
          %mul3A_2369 = arith.constant 1 : i32
          %mul3A_2370 = arith.muli %mul3A_2369, %select_n3A_2328 : i32
          %mul3A_2371 = arith.constant 1 : i32
          %mul3A_2372 = arith.muli %mul3A_2371, %select_n3A_2344 : i32
          %mul3A_2373 = arith.constant 32 : i32
          %mul3A_2374 = arith.muli %mul3A_2373, %select_n3A_2368 : i32
          %dma_start3A_2375 = arith.constant 0 : i32
          %dma_start3A_2376 = arith.constant 0 : i32
          %dma_start3A_2377 = arith.constant 0 : i32
          %dma_start3A_2378 = arith.constant 0 : i32
          %dma_start3A_2379 = tpu.memref_slice %run_scoped3A_11[%rem3A_2288, %dma_start3A_2375, %dma_start3A_2376, %dma_start3A_2377, %dma_start3A_2378] : memref<2x1x1x32x512xf32, #tpu.memory_space<vmem>> -> memref<1x1x1x32x512xf32, #tpu.memory_space<vmem>>
          %dma_start3A_2380 = tpu.memref_squeeze %dma_start3A_2379 : memref<1x1x1x32x512xf32, #tpu.memory_space<vmem>> -> memref<1x1x32x512xf32, #tpu.memory_space<vmem>>
          %dma_start3A_2381 = arith.constant 0 : i32
          %dma_start3A_2382 = tpu.memref_slice %arg5[%mul3A_2370, %mul3A_2372, %mul3A_2374, %dma_start3A_2381] : memref<32x3x512x512xf32, #tpu.memory_space<hbm>> -> memref<1x1x32x512xf32, #tpu.memory_space<hbm>>
          %dma_start3A_2383 = tpu.memref_slice %run_scoped3A_12[%rem3A_2288] : memref<2x!tpu.dma_semaphore, #tpu.memory_space<semaphore_mem>> -> memref<1x!tpu.dma_semaphore, #tpu.memory_space<semaphore_mem>>
          %dma_start3A_2384 = tpu.memref_squeeze %dma_start3A_2383 : memref<1x!tpu.dma_semaphore, #tpu.memory_space<semaphore_mem>> -> memref<!tpu.dma_semaphore, #tpu.memory_space<semaphore_mem>>
          %dma_start3A_2385 = arith.constant 0 : i32
          %dma_start3A_2386 = tpu.memref_slice %arg5[%mul3A_2370, %mul3A_2372, %mul3A_2374, %dma_start3A_2385] : memref<32x3x512x512xf32, #tpu.memory_space<hbm>> -> memref<1x1x32x512xf32, #tpu.memory_space<hbm>>
          %dma_start3A_2387 = arith.constant 0 : i32
          %dma_start3A_2388 = arith.constant 0 : i32
          %dma_start3A_2389 = arith.constant 0 : i32
          %dma_start3A_2390 = arith.constant 0 : i32
          %dma_start3A_2391 = tpu.memref_slice %run_scoped3A_11[%rem3A_2288, %dma_start3A_2387, %dma_start3A_2388, %dma_start3A_2389, %dma_start3A_2390] : memref<2x1x1x32x512xf32, #tpu.memory_space<vmem>> -> memref<1x1x1x32x512xf32, #tpu.memory_space<vmem>>
          %dma_start3A_2392 = tpu.memref_squeeze %dma_start3A_2391 : memref<1x1x1x32x512xf32, #tpu.memory_space<vmem>> -> memref<1x1x32x512xf32, #tpu.memory_space<vmem>>
          tpu.enqueue_dma source(%dma_start3A_2392 : memref<1x1x32x512xf32, #tpu.memory_space<vmem>>) target(%dma_start3A_2386 : memref<1x1x32x512xf32, #tpu.memory_space<hbm>>) target_semaphore(%dma_start3A_2384 : memref<!tpu.dma_semaphore, #tpu.memory_space<semaphore_mem>>)
          "tpu.trace_stop"() : () -> ()
        } else {
        }
        %and3A_1658 = arith.constant true
        %and3A_1659 = arith.andi %or3A_1654, %and3A_1658 : i1
        %add3A_1660 = arith.constant 1 : i32
        %add3A_1661 = arith.addi %scan3A_341, %add3A_1660 : i32
        %select_n3A_1662 = arith.select %and3A_1659, %add3A_1661, %scan3A_341 : i32
        %jit3A_1663 = arith.constant 96 : i32
        %eq3A_1664 = arith.constant 0 : i32
        %eq3A_1665 = arith.cmpi eq, %jit3A_1663, %eq3A_1664 : i32
        %jit3A_1666 = arith.constant 1 : i32
        %select_n3A_1667 = arith.select %eq3A_1665, %jit3A_1666, %jit3A_1663 : i32
        %rem3A_1668 = arith.remsi %add3A_348, %select_n3A_1667 : i32
        %ne3A_1669 = arith.constant 0 : i32
        %ne3A_1670 = arith.cmpi ne, %rem3A_1668, %ne3A_1669 : i32
        %lt3A_1671 = arith.constant 0 : i32
        %lt3A_1672 = arith.cmpi slt, %rem3A_1668, %lt3A_1671 : i32
        %lt3A_1673 = arith.constant 0 : i32
        %lt3A_1674 = arith.cmpi slt, %select_n3A_1667, %lt3A_1673 : i32
        %ne3A_1675 = arith.xori %lt3A_1672, %lt3A_1674 : i1
        %and3A_1676 = arith.andi %ne3A_1675, %ne3A_1670 : i1
        %add3A_1677 = arith.addi %rem3A_1668, %select_n3A_1667 : i32
        %select_n3A_1678 = arith.select %and3A_1676, %add3A_1677, %rem3A_1668 : i32
        %jit3A_1679 = arith.constant 3 : i32
        %div3A_1680 = arith.divsi %select_n3A_1678, %jit3A_1679 : i32
        %sign3A_1681 = arith.constant 0 : i32
        %sign3A_1682 = arith.cmpi sgt, %select_n3A_1678, %sign3A_1681 : i32
        %sign3A_1683 = arith.extui %sign3A_1682 : i1 to i32
        %sign3A_1684 = arith.constant 0 : i32
        %sign3A_1685 = arith.cmpi slt, %select_n3A_1678, %sign3A_1684 : i32
        %sign3A_1686 = arith.extui %sign3A_1685 : i1 to i32
        %sign3A_1687 = arith.subi %sign3A_1683, %sign3A_1686 : i32
        %sign3A_1688 = arith.constant 0 : i32
        %sign3A_1689 = arith.cmpi sgt, %jit3A_1679, %sign3A_1688 : i32
        %sign3A_1690 = arith.extui %sign3A_1689 : i1 to i32
        %sign3A_1691 = arith.constant 0 : i32
        %sign3A_1692 = arith.cmpi slt, %jit3A_1679, %sign3A_1691 : i32
        %sign3A_1693 = arith.extui %sign3A_1692 : i1 to i32
        %sign3A_1694 = arith.subi %sign3A_1690, %sign3A_1693 : i32
        %ne3A_1695 = arith.cmpi ne, %sign3A_1687, %sign3A_1694 : i32
        %rem3A_1696 = arith.remsi %select_n3A_1678, %jit3A_1679 : i32
        %ne3A_1697 = arith.constant 0 : i32
        %ne3A_1698 = arith.cmpi ne, %rem3A_1696, %ne3A_1697 : i32
        %and3A_1699 = arith.andi %ne3A_1695, %ne3A_1698 : i1
        %sub3A_1700 = arith.constant 1 : i32
        %sub3A_1701 = arith.subi %div3A_1680, %sub3A_1700 : i32
        %select_n3A_1702 = arith.select %and3A_1699, %sub3A_1701, %div3A_1680 : i32
        %jit3A_1703 = arith.constant 3 : i32
        %eq3A_1704 = arith.constant 0 : i32
        %eq3A_1705 = arith.cmpi eq, %jit3A_1703, %eq3A_1704 : i32
        %jit3A_1706 = arith.constant 1 : i32
        %select_n3A_1707 = arith.select %eq3A_1705, %jit3A_1706, %jit3A_1703 : i32
        %rem3A_1708 = arith.remsi %add3A_348, %select_n3A_1707 : i32
        %ne3A_1709 = arith.constant 0 : i32
        %ne3A_1710 = arith.cmpi ne, %rem3A_1708, %ne3A_1709 : i32
        %lt3A_1711 = arith.constant 0 : i32
        %lt3A_1712 = arith.cmpi slt, %rem3A_1708, %lt3A_1711 : i32
        %lt3A_1713 = arith.constant 0 : i32
        %lt3A_1714 = arith.cmpi slt, %select_n3A_1707, %lt3A_1713 : i32
        %ne3A_1715 = arith.xori %lt3A_1712, %lt3A_1714 : i1
        %and3A_1716 = arith.andi %ne3A_1715, %ne3A_1710 : i1
        %add3A_1717 = arith.addi %rem3A_1708, %select_n3A_1707 : i32
        %select_n3A_1718 = arith.select %and3A_1716, %add3A_1717, %rem3A_1708 : i32
        %jit3A_1719 = arith.constant 96 : i32
        %div3A_1720 = arith.divsi %add3A_348, %jit3A_1719 : i32
        %sign3A_1721 = arith.constant 0 : i32
        %sign3A_1722 = arith.cmpi sgt, %add3A_348, %sign3A_1721 : i32
        %sign3A_1723 = arith.extui %sign3A_1722 : i1 to i32
        %sign3A_1724 = arith.constant 0 : i32
        %sign3A_1725 = arith.cmpi slt, %add3A_348, %sign3A_1724 : i32
        %sign3A_1726 = arith.extui %sign3A_1725 : i1 to i32
        %sign3A_1727 = arith.subi %sign3A_1723, %sign3A_1726 : i32
        %sign3A_1728 = arith.constant 0 : i32
        %sign3A_1729 = arith.cmpi sgt, %jit3A_1719, %sign3A_1728 : i32
        %sign3A_1730 = arith.extui %sign3A_1729 : i1 to i32
        %sign3A_1731 = arith.constant 0 : i32
        %sign3A_1732 = arith.cmpi slt, %jit3A_1719, %sign3A_1731 : i32
        %sign3A_1733 = arith.extui %sign3A_1732 : i1 to i32
        %sign3A_1734 = arith.subi %sign3A_1730, %sign3A_1733 : i32
        %ne3A_1735 = arith.cmpi ne, %sign3A_1727, %sign3A_1734 : i32
        %rem3A_1736 = arith.remsi %add3A_348, %jit3A_1719 : i32
        %ne3A_1737 = arith.constant 0 : i32
        %ne3A_1738 = arith.cmpi ne, %rem3A_1736, %ne3A_1737 : i32
        %and3A_1739 = arith.andi %ne3A_1735, %ne3A_1738 : i1
        %sub3A_1740 = arith.constant 1 : i32
        %sub3A_1741 = arith.subi %div3A_1720, %sub3A_1740 : i32
        %select_n3A_1742 = arith.select %and3A_1739, %sub3A_1741, %div3A_1720 : i32
        %jit3A_1743 = arith.constant 96 : i32
        %eq3A_1744 = arith.constant 0 : i32
        %eq3A_1745 = arith.cmpi eq, %jit3A_1743, %eq3A_1744 : i32
        %jit3A_1746 = arith.constant 1 : i32
        %select_n3A_1747 = arith.select %eq3A_1745, %jit3A_1746, %jit3A_1743 : i32
        %rem3A_1748 = arith.remsi %add3A_357, %select_n3A_1747 : i32
        %ne3A_1749 = arith.constant 0 : i32
        %ne3A_1750 = arith.cmpi ne, %rem3A_1748, %ne3A_1749 : i32
        %lt3A_1751 = arith.constant 0 : i32
        %lt3A_1752 = arith.cmpi slt, %rem3A_1748, %lt3A_1751 : i32
        %lt3A_1753 = arith.constant 0 : i32
        %lt3A_1754 = arith.cmpi slt, %select_n3A_1747, %lt3A_1753 : i32
        %ne3A_1755 = arith.xori %lt3A_1752, %lt3A_1754 : i1
        %and3A_1756 = arith.andi %ne3A_1755, %ne3A_1750 : i1
        %add3A_1757 = arith.addi %rem3A_1748, %select_n3A_1747 : i32
        %select_n3A_1758 = arith.select %and3A_1756, %add3A_1757, %rem3A_1748 : i32
        %jit3A_1759 = arith.constant 3 : i32
        %div3A_1760 = arith.divsi %select_n3A_1758, %jit3A_1759 : i32
        %sign3A_1761 = arith.constant 0 : i32
        %sign3A_1762 = arith.cmpi sgt, %select_n3A_1758, %sign3A_1761 : i32
        %sign3A_1763 = arith.extui %sign3A_1762 : i1 to i32
        %sign3A_1764 = arith.constant 0 : i32
        %sign3A_1765 = arith.cmpi slt, %select_n3A_1758, %sign3A_1764 : i32
        %sign3A_1766 = arith.extui %sign3A_1765 : i1 to i32
        %sign3A_1767 = arith.subi %sign3A_1763, %sign3A_1766 : i32
        %sign3A_1768 = arith.constant 0 : i32
        %sign3A_1769 = arith.cmpi sgt, %jit3A_1759, %sign3A_1768 : i32
        %sign3A_1770 = arith.extui %sign3A_1769 : i1 to i32
        %sign3A_1771 = arith.constant 0 : i32
        %sign3A_1772 = arith.cmpi slt, %jit3A_1759, %sign3A_1771 : i32
        %sign3A_1773 = arith.extui %sign3A_1772 : i1 to i32
        %sign3A_1774 = arith.subi %sign3A_1770, %sign3A_1773 : i32
        %ne3A_1775 = arith.cmpi ne, %sign3A_1767, %sign3A_1774 : i32
        %rem3A_1776 = arith.remsi %select_n3A_1758, %jit3A_1759 : i32
        %ne3A_1777 = arith.constant 0 : i32
        %ne3A_1778 = arith.cmpi ne, %rem3A_1776, %ne3A_1777 : i32
        %and3A_1779 = arith.andi %ne3A_1775, %ne3A_1778 : i1
        %sub3A_1780 = arith.constant 1 : i32
        %sub3A_1781 = arith.subi %div3A_1760, %sub3A_1780 : i32
        %select_n3A_1782 = arith.select %and3A_1779, %sub3A_1781, %div3A_1760 : i32
        %jit3A_1783 = arith.constant 3 : i32
        %eq3A_1784 = arith.constant 0 : i32
        %eq3A_1785 = arith.cmpi eq, %jit3A_1783, %eq3A_1784 : i32
        %jit3A_1786 = arith.constant 1 : i32
        %select_n3A_1787 = arith.select %eq3A_1785, %jit3A_1786, %jit3A_1783 : i32
        %rem3A_1788 = arith.remsi %add3A_357, %select_n3A_1787 : i32
        %ne3A_1789 = arith.constant 0 : i32
        %ne3A_1790 = arith.cmpi ne, %rem3A_1788, %ne3A_1789 : i32
        %lt3A_1791 = arith.constant 0 : i32
        %lt3A_1792 = arith.cmpi slt, %rem3A_1788, %lt3A_1791 : i32
        %lt3A_1793 = arith.constant 0 : i32
        %lt3A_1794 = arith.cmpi slt, %select_n3A_1787, %lt3A_1793 : i32
        %ne3A_1795 = arith.xori %lt3A_1792, %lt3A_1794 : i1
        %and3A_1796 = arith.andi %ne3A_1795, %ne3A_1790 : i1
        %add3A_1797 = arith.addi %rem3A_1788, %select_n3A_1787 : i32
        %select_n3A_1798 = arith.select %and3A_1796, %add3A_1797, %rem3A_1788 : i32
        %jit3A_1799 = arith.constant 96 : i32
        %div3A_1800 = arith.divsi %add3A_357, %jit3A_1799 : i32
        %sign3A_1801 = arith.constant 0 : i32
        %sign3A_1802 = arith.cmpi sgt, %add3A_357, %sign3A_1801 : i32
        %sign3A_1803 = arith.extui %sign3A_1802 : i1 to i32
        %sign3A_1804 = arith.constant 0 : i32
        %sign3A_1805 = arith.cmpi slt, %add3A_357, %sign3A_1804 : i32
        %sign3A_1806 = arith.extui %sign3A_1805 : i1 to i32
        %sign3A_1807 = arith.subi %sign3A_1803, %sign3A_1806 : i32
        %sign3A_1808 = arith.constant 0 : i32
        %sign3A_1809 = arith.cmpi sgt, %jit3A_1799, %sign3A_1808 : i32
        %sign3A_1810 = arith.extui %sign3A_1809 : i1 to i32
        %sign3A_1811 = arith.constant 0 : i32
        %sign3A_1812 = arith.cmpi slt, %jit3A_1799, %sign3A_1811 : i32
        %sign3A_1813 = arith.extui %sign3A_1812 : i1 to i32
        %sign3A_1814 = arith.subi %sign3A_1810, %sign3A_1813 : i32
        %ne3A_1815 = arith.cmpi ne, %sign3A_1807, %sign3A_1814 : i32
        %rem3A_1816 = arith.remsi %add3A_357, %jit3A_1799 : i32
        %ne3A_1817 = arith.constant 0 : i32
        %ne3A_1818 = arith.cmpi ne, %rem3A_1816, %ne3A_1817 : i32
        %and3A_1819 = arith.andi %ne3A_1815, %ne3A_1818 : i1
        %sub3A_1820 = arith.constant 1 : i32
        %sub3A_1821 = arith.subi %div3A_1800, %sub3A_1820 : i32
        %select_n3A_1822 = arith.select %and3A_1819, %sub3A_1821, %div3A_1800 : i32
        %ne3A_1823 = arith.cmpi ne, %select_n3A_1702, %select_n3A_1782 : i32
        %ne3A_1824 = arith.cmpi ne, %select_n3A_1718, %select_n3A_1798 : i32
        %ne3A_1825 = arith.cmpi ne, %select_n3A_1742, %select_n3A_1822 : i32
        %or3A_1826 = arith.constant false
        %or3A_1827 = arith.ori %or3A_1826, %ne3A_1823 : i1
        %or3A_1828 = arith.ori %or3A_1827, %ne3A_1824 : i1
        %or3A_1829 = arith.ori %or3A_1828, %ne3A_1825 : i1
        %or3A_1830 = arith.constant false
        %or3A_1831 = arith.ori %or3A_1829, %or3A_1830 : i1
        %not3A_1832 = arith.constant true
        %not3A_1833 = arith.xori %eq3A_345, %not3A_1832 : i1
        %and3A_1834 = arith.andi %or3A_1831, %not3A_1833 : i1
        %convert_element_type3A_1835 = arith.extui %and3A_1834 : i1 to i32
        %cond3A_1836 = arith.constant 0 : i32
        %cond3A_1837 = arith.cmpi ne, %convert_element_type3A_1835, %cond3A_1836 : i32
        scf.if %cond3A_1837 {
        } else {
        }
        %and3A_1838 = arith.constant false
        %and3A_1839 = arith.andi %and3A_1834, %and3A_1838 : i1
        %jit3A_1840 = arith.constant 96 : i32
        %eq3A_1841 = arith.constant 0 : i32
        %eq3A_1842 = arith.cmpi eq, %jit3A_1840, %eq3A_1841 : i32
        %jit3A_1843 = arith.constant 1 : i32
        %select_n3A_1844 = arith.select %eq3A_1842, %jit3A_1843, %jit3A_1840 : i32
        %rem3A_1845 = arith.remsi %add3A_348, %select_n3A_1844 : i32
        %ne3A_1846 = arith.constant 0 : i32
        %ne3A_1847 = arith.cmpi ne, %rem3A_1845, %ne3A_1846 : i32
        %lt3A_1848 = arith.constant 0 : i32
        %lt3A_1849 = arith.cmpi slt, %rem3A_1845, %lt3A_1848 : i32
        %lt3A_1850 = arith.constant 0 : i32
        %lt3A_1851 = arith.cmpi slt, %select_n3A_1844, %lt3A_1850 : i32
        %ne3A_1852 = arith.xori %lt3A_1849, %lt3A_1851 : i1
        %and3A_1853 = arith.andi %ne3A_1852, %ne3A_1847 : i1
        %add3A_1854 = arith.addi %rem3A_1845, %select_n3A_1844 : i32
        %select_n3A_1855 = arith.select %and3A_1853, %add3A_1854, %rem3A_1845 : i32
        %jit3A_1856 = arith.constant 96 : i32
        %eq3A_1857 = arith.constant 0 : i32
        %eq3A_1858 = arith.cmpi eq, %jit3A_1856, %eq3A_1857 : i32
        %jit3A_1859 = arith.constant 1 : i32
        %select_n3A_1860 = arith.select %eq3A_1858, %jit3A_1859, %jit3A_1856 : i32
        %rem3A_1861 = arith.remsi %add3A_357, %select_n3A_1860 : i32
        %ne3A_1862 = arith.constant 0 : i32
        %ne3A_1863 = arith.cmpi ne, %rem3A_1861, %ne3A_1862 : i32
        %lt3A_1864 = arith.constant 0 : i32
        %lt3A_1865 = arith.cmpi slt, %rem3A_1861, %lt3A_1864 : i32
        %lt3A_1866 = arith.constant 0 : i32
        %lt3A_1867 = arith.cmpi slt, %select_n3A_1860, %lt3A_1866 : i32
        %ne3A_1868 = arith.xori %lt3A_1865, %lt3A_1867 : i1
        %and3A_1869 = arith.andi %ne3A_1868, %ne3A_1863 : i1
        %add3A_1870 = arith.addi %rem3A_1861, %select_n3A_1860 : i32
        %select_n3A_1871 = arith.select %and3A_1869, %add3A_1870, %rem3A_1861 : i32
        %ne3A_1872 = arith.cmpi ne, %select_n3A_1855, %select_n3A_1871 : i32
        %or3A_1873 = arith.constant false
        %or3A_1874 = arith.ori %or3A_1873, %ne3A_1872 : i1
        %or3A_1875 = arith.constant false
        %or3A_1876 = arith.ori %or3A_1874, %or3A_1875 : i1
        %not3A_1877 = arith.constant true
        %not3A_1878 = arith.xori %eq3A_345, %not3A_1877 : i1
        %and3A_1879 = arith.andi %or3A_1876, %not3A_1878 : i1
        %convert_element_type3A_1880 = arith.extui %and3A_1879 : i1 to i32
        %cond3A_1881 = arith.constant 0 : i32
        %cond3A_1882 = arith.cmpi ne, %convert_element_type3A_1880, %cond3A_1881 : i32
        scf.if %cond3A_1882 {
        } else {
        }
        %and3A_1883 = arith.constant false
        %and3A_1884 = arith.andi %and3A_1879, %and3A_1883 : i1
        %jit3A_1885 = arith.constant 96 : i32
        %eq3A_1886 = arith.constant 0 : i32
        %eq3A_1887 = arith.cmpi eq, %jit3A_1885, %eq3A_1886 : i32
        %jit3A_1888 = arith.constant 1 : i32
        %select_n3A_1889 = arith.select %eq3A_1887, %jit3A_1888, %jit3A_1885 : i32
        %rem3A_1890 = arith.remsi %add3A_348, %select_n3A_1889 : i32
        %ne3A_1891 = arith.constant 0 : i32
        %ne3A_1892 = arith.cmpi ne, %rem3A_1890, %ne3A_1891 : i32
        %lt3A_1893 = arith.constant 0 : i32
        %lt3A_1894 = arith.cmpi slt, %rem3A_1890, %lt3A_1893 : i32
        %lt3A_1895 = arith.constant 0 : i32
        %lt3A_1896 = arith.cmpi slt, %select_n3A_1889, %lt3A_1895 : i32
        %ne3A_1897 = arith.xori %lt3A_1894, %lt3A_1896 : i1
        %and3A_1898 = arith.andi %ne3A_1897, %ne3A_1892 : i1
        %add3A_1899 = arith.addi %rem3A_1890, %select_n3A_1889 : i32
        %select_n3A_1900 = arith.select %and3A_1898, %add3A_1899, %rem3A_1890 : i32
        %jit3A_1901 = arith.constant 3 : i32
        %div3A_1902 = arith.divsi %select_n3A_1900, %jit3A_1901 : i32
        %sign3A_1903 = arith.constant 0 : i32
        %sign3A_1904 = arith.cmpi sgt, %select_n3A_1900, %sign3A_1903 : i32
        %sign3A_1905 = arith.extui %sign3A_1904 : i1 to i32
        %sign3A_1906 = arith.constant 0 : i32
        %sign3A_1907 = arith.cmpi slt, %select_n3A_1900, %sign3A_1906 : i32
        %sign3A_1908 = arith.extui %sign3A_1907 : i1 to i32
        %sign3A_1909 = arith.subi %sign3A_1905, %sign3A_1908 : i32
        %sign3A_1910 = arith.constant 0 : i32
        %sign3A_1911 = arith.cmpi sgt, %jit3A_1901, %sign3A_1910 : i32
        %sign3A_1912 = arith.extui %sign3A_1911 : i1 to i32
        %sign3A_1913 = arith.constant 0 : i32
        %sign3A_1914 = arith.cmpi slt, %jit3A_1901, %sign3A_1913 : i32
        %sign3A_1915 = arith.extui %sign3A_1914 : i1 to i32
        %sign3A_1916 = arith.subi %sign3A_1912, %sign3A_1915 : i32
        %ne3A_1917 = arith.cmpi ne, %sign3A_1909, %sign3A_1916 : i32
        %rem3A_1918 = arith.remsi %select_n3A_1900, %jit3A_1901 : i32
        %ne3A_1919 = arith.constant 0 : i32
        %ne3A_1920 = arith.cmpi ne, %rem3A_1918, %ne3A_1919 : i32
        %and3A_1921 = arith.andi %ne3A_1917, %ne3A_1920 : i1
        %sub3A_1922 = arith.constant 1 : i32
        %sub3A_1923 = arith.subi %div3A_1902, %sub3A_1922 : i32
        %select_n3A_1924 = arith.select %and3A_1921, %sub3A_1923, %div3A_1902 : i32
        %jit3A_1925 = arith.constant 3 : i32
        %eq3A_1926 = arith.constant 0 : i32
        %eq3A_1927 = arith.cmpi eq, %jit3A_1925, %eq3A_1926 : i32
        %jit3A_1928 = arith.constant 1 : i32
        %select_n3A_1929 = arith.select %eq3A_1927, %jit3A_1928, %jit3A_1925 : i32
        %rem3A_1930 = arith.remsi %add3A_348, %select_n3A_1929 : i32
        %ne3A_1931 = arith.constant 0 : i32
        %ne3A_1932 = arith.cmpi ne, %rem3A_1930, %ne3A_1931 : i32
        %lt3A_1933 = arith.constant 0 : i32
        %lt3A_1934 = arith.cmpi slt, %rem3A_1930, %lt3A_1933 : i32
        %lt3A_1935 = arith.constant 0 : i32
        %lt3A_1936 = arith.cmpi slt, %select_n3A_1929, %lt3A_1935 : i32
        %ne3A_1937 = arith.xori %lt3A_1934, %lt3A_1936 : i1
        %and3A_1938 = arith.andi %ne3A_1937, %ne3A_1932 : i1
        %add3A_1939 = arith.addi %rem3A_1930, %select_n3A_1929 : i32
        %select_n3A_1940 = arith.select %and3A_1938, %add3A_1939, %rem3A_1930 : i32
        %jit3A_1941 = arith.constant 96 : i32
        %div3A_1942 = arith.divsi %add3A_348, %jit3A_1941 : i32
        %sign3A_1943 = arith.constant 0 : i32
        %sign3A_1944 = arith.cmpi sgt, %add3A_348, %sign3A_1943 : i32
        %sign3A_1945 = arith.extui %sign3A_1944 : i1 to i32
        %sign3A_1946 = arith.constant 0 : i32
        %sign3A_1947 = arith.cmpi slt, %add3A_348, %sign3A_1946 : i32
        %sign3A_1948 = arith.extui %sign3A_1947 : i1 to i32
        %sign3A_1949 = arith.subi %sign3A_1945, %sign3A_1948 : i32
        %sign3A_1950 = arith.constant 0 : i32
        %sign3A_1951 = arith.cmpi sgt, %jit3A_1941, %sign3A_1950 : i32
        %sign3A_1952 = arith.extui %sign3A_1951 : i1 to i32
        %sign3A_1953 = arith.constant 0 : i32
        %sign3A_1954 = arith.cmpi slt, %jit3A_1941, %sign3A_1953 : i32
        %sign3A_1955 = arith.extui %sign3A_1954 : i1 to i32
        %sign3A_1956 = arith.subi %sign3A_1952, %sign3A_1955 : i32
        %ne3A_1957 = arith.cmpi ne, %sign3A_1949, %sign3A_1956 : i32
        %rem3A_1958 = arith.remsi %add3A_348, %jit3A_1941 : i32
        %ne3A_1959 = arith.constant 0 : i32
        %ne3A_1960 = arith.cmpi ne, %rem3A_1958, %ne3A_1959 : i32
        %and3A_1961 = arith.andi %ne3A_1957, %ne3A_1960 : i1
        %sub3A_1962 = arith.constant 1 : i32
        %sub3A_1963 = arith.subi %div3A_1942, %sub3A_1962 : i32
        %select_n3A_1964 = arith.select %and3A_1961, %sub3A_1963, %div3A_1942 : i32
        %jit3A_1965 = arith.constant 96 : i32
        %eq3A_1966 = arith.constant 0 : i32
        %eq3A_1967 = arith.cmpi eq, %jit3A_1965, %eq3A_1966 : i32
        %jit3A_1968 = arith.constant 1 : i32
        %select_n3A_1969 = arith.select %eq3A_1967, %jit3A_1968, %jit3A_1965 : i32
        %rem3A_1970 = arith.remsi %add3A_357, %select_n3A_1969 : i32
        %ne3A_1971 = arith.constant 0 : i32
        %ne3A_1972 = arith.cmpi ne, %rem3A_1970, %ne3A_1971 : i32
        %lt3A_1973 = arith.constant 0 : i32
        %lt3A_1974 = arith.cmpi slt, %rem3A_1970, %lt3A_1973 : i32
        %lt3A_1975 = arith.constant 0 : i32
        %lt3A_1976 = arith.cmpi slt, %select_n3A_1969, %lt3A_1975 : i32
        %ne3A_1977 = arith.xori %lt3A_1974, %lt3A_1976 : i1
        %and3A_1978 = arith.andi %ne3A_1977, %ne3A_1972 : i1
        %add3A_1979 = arith.addi %rem3A_1970, %select_n3A_1969 : i32
        %select_n3A_1980 = arith.select %and3A_1978, %add3A_1979, %rem3A_1970 : i32
        %jit3A_1981 = arith.constant 3 : i32
        %div3A_1982 = arith.divsi %select_n3A_1980, %jit3A_1981 : i32
        %sign3A_1983 = arith.constant 0 : i32
        %sign3A_1984 = arith.cmpi sgt, %select_n3A_1980, %sign3A_1983 : i32
        %sign3A_1985 = arith.extui %sign3A_1984 : i1 to i32
        %sign3A_1986 = arith.constant 0 : i32
        %sign3A_1987 = arith.cmpi slt, %select_n3A_1980, %sign3A_1986 : i32
        %sign3A_1988 = arith.extui %sign3A_1987 : i1 to i32
        %sign3A_1989 = arith.subi %sign3A_1985, %sign3A_1988 : i32
        %sign3A_1990 = arith.constant 0 : i32
        %sign3A_1991 = arith.cmpi sgt, %jit3A_1981, %sign3A_1990 : i32
        %sign3A_1992 = arith.extui %sign3A_1991 : i1 to i32
        %sign3A_1993 = arith.constant 0 : i32
        %sign3A_1994 = arith.cmpi slt, %jit3A_1981, %sign3A_1993 : i32
        %sign3A_1995 = arith.extui %sign3A_1994 : i1 to i32
        %sign3A_1996 = arith.subi %sign3A_1992, %sign3A_1995 : i32
        %ne3A_1997 = arith.cmpi ne, %sign3A_1989, %sign3A_1996 : i32
        %rem3A_1998 = arith.remsi %select_n3A_1980, %jit3A_1981 : i32
        %ne3A_1999 = arith.constant 0 : i32
        %ne3A_2000 = arith.cmpi ne, %rem3A_1998, %ne3A_1999 : i32
        %and3A_2001 = arith.andi %ne3A_1997, %ne3A_2000 : i1
        %sub3A_2002 = arith.constant 1 : i32
        %sub3A_2003 = arith.subi %div3A_1982, %sub3A_2002 : i32
        %select_n3A_2004 = arith.select %and3A_2001, %sub3A_2003, %div3A_1982 : i32
        %jit3A_2005 = arith.constant 3 : i32
        %eq3A_2006 = arith.constant 0 : i32
        %eq3A_2007 = arith.cmpi eq, %jit3A_2005, %eq3A_2006 : i32
        %jit3A_2008 = arith.constant 1 : i32
        %select_n3A_2009 = arith.select %eq3A_2007, %jit3A_2008, %jit3A_2005 : i32
        %rem3A_2010 = arith.remsi %add3A_357, %select_n3A_2009 : i32
        %ne3A_2011 = arith.constant 0 : i32
        %ne3A_2012 = arith.cmpi ne, %rem3A_2010, %ne3A_2011 : i32
        %lt3A_2013 = arith.constant 0 : i32
        %lt3A_2014 = arith.cmpi slt, %rem3A_2010, %lt3A_2013 : i32
        %lt3A_2015 = arith.constant 0 : i32
        %lt3A_2016 = arith.cmpi slt, %select_n3A_2009, %lt3A_2015 : i32
        %ne3A_2017 = arith.xori %lt3A_2014, %lt3A_2016 : i1
        %and3A_2018 = arith.andi %ne3A_2017, %ne3A_2012 : i1
        %add3A_2019 = arith.addi %rem3A_2010, %select_n3A_2009 : i32
        %select_n3A_2020 = arith.select %and3A_2018, %add3A_2019, %rem3A_2010 : i32
        %jit3A_2021 = arith.constant 96 : i32
        %div3A_2022 = arith.divsi %add3A_357, %jit3A_2021 : i32
        %sign3A_2023 = arith.constant 0 : i32
        %sign3A_2024 = arith.cmpi sgt, %add3A_357, %sign3A_2023 : i32
        %sign3A_2025 = arith.extui %sign3A_2024 : i1 to i32
        %sign3A_2026 = arith.constant 0 : i32
        %sign3A_2027 = arith.cmpi slt, %add3A_357, %sign3A_2026 : i32
        %sign3A_2028 = arith.extui %sign3A_2027 : i1 to i32
        %sign3A_2029 = arith.subi %sign3A_2025, %sign3A_2028 : i32
        %sign3A_2030 = arith.constant 0 : i32
        %sign3A_2031 = arith.cmpi sgt, %jit3A_2021, %sign3A_2030 : i32
        %sign3A_2032 = arith.extui %sign3A_2031 : i1 to i32
        %sign3A_2033 = arith.constant 0 : i32
        %sign3A_2034 = arith.cmpi slt, %jit3A_2021, %sign3A_2033 : i32
        %sign3A_2035 = arith.extui %sign3A_2034 : i1 to i32
        %sign3A_2036 = arith.subi %sign3A_2032, %sign3A_2035 : i32
        %ne3A_2037 = arith.cmpi ne, %sign3A_2029, %sign3A_2036 : i32
        %rem3A_2038 = arith.remsi %add3A_357, %jit3A_2021 : i32
        %ne3A_2039 = arith.constant 0 : i32
        %ne3A_2040 = arith.cmpi ne, %rem3A_2038, %ne3A_2039 : i32
        %and3A_2041 = arith.andi %ne3A_2037, %ne3A_2040 : i1
        %sub3A_2042 = arith.constant 1 : i32
        %sub3A_2043 = arith.subi %div3A_2022, %sub3A_2042 : i32
        %select_n3A_2044 = arith.select %and3A_2041, %sub3A_2043, %div3A_2022 : i32
        %ne3A_2045 = arith.cmpi ne, %select_n3A_1924, %select_n3A_2004 : i32
        %ne3A_2046 = arith.cmpi ne, %select_n3A_1940, %select_n3A_2020 : i32
        %ne3A_2047 = arith.cmpi ne, %select_n3A_1964, %select_n3A_2044 : i32
        %or3A_2048 = arith.constant false
        %or3A_2049 = arith.ori %or3A_2048, %ne3A_2045 : i1
        %or3A_2050 = arith.ori %or3A_2049, %ne3A_2046 : i1
        %or3A_2051 = arith.ori %or3A_2050, %ne3A_2047 : i1
        %or3A_2052 = arith.constant false
        %or3A_2053 = arith.ori %or3A_2051, %or3A_2052 : i1
        %not3A_2054 = arith.constant true
        %not3A_2055 = arith.xori %eq3A_345, %not3A_2054 : i1
        %and3A_2056 = arith.andi %or3A_2053, %not3A_2055 : i1
        %convert_element_type3A_2057 = arith.extui %and3A_2056 : i1 to i32
        %cond3A_2058 = arith.constant 0 : i32
        %cond3A_2059 = arith.cmpi ne, %convert_element_type3A_2057, %cond3A_2058 : i32
        scf.if %cond3A_2059 {
          "tpu.trace_start"() <{level = 10 : i32, message = "ep_wait_out"}> : () -> ()
          %rem3A_2287 = arith.constant 2 : i32
          %rem3A_2288 = arith.remui %scan3A_342, %rem3A_2287 : i32
          %jit3A_2289 = arith.constant 96 : i32
          %eq3A_2290 = arith.constant 0 : i32
          %eq3A_2291 = arith.cmpi eq, %jit3A_2289, %eq3A_2290 : i32
          %jit3A_2292 = arith.constant 1 : i32
          %select_n3A_2293 = arith.select %eq3A_2291, %jit3A_2292, %jit3A_2289 : i32
          %rem3A_2294 = arith.remsi %add3A_357, %select_n3A_2293 : i32
          %ne3A_2295 = arith.constant 0 : i32
          %ne3A_2296 = arith.cmpi ne, %rem3A_2294, %ne3A_2295 : i32
          %lt3A_2297 = arith.constant 0 : i32
          %lt3A_2298 = arith.cmpi slt, %rem3A_2294, %lt3A_2297 : i32
          %lt3A_2299 = arith.constant 0 : i32
          %lt3A_2300 = arith.cmpi slt, %select_n3A_2293, %lt3A_2299 : i32
          %ne3A_2301 = arith.xori %lt3A_2298, %lt3A_2300 : i1
          %and3A_2302 = arith.andi %ne3A_2301, %ne3A_2296 : i1
          %add3A_2303 = arith.addi %rem3A_2294, %select_n3A_2293 : i32
          %select_n3A_2304 = arith.select %and3A_2302, %add3A_2303, %rem3A_2294 : i32
          %jit3A_2305 = arith.constant 3 : i32
          %div3A_2306 = arith.divsi %select_n3A_2304, %jit3A_2305 : i32
          %sign3A_2307 = arith.constant 0 : i32
          %sign3A_2308 = arith.cmpi sgt, %select_n3A_2304, %sign3A_2307 : i32
          %sign3A_2309 = arith.extui %sign3A_2308 : i1 to i32
          %sign3A_2310 = arith.constant 0 : i32
          %sign3A_2311 = arith.cmpi slt, %select_n3A_2304, %sign3A_2310 : i32
          %sign3A_2312 = arith.extui %sign3A_2311 : i1 to i32
          %sign3A_2313 = arith.subi %sign3A_2309, %sign3A_2312 : i32
          %sign3A_2314 = arith.constant 0 : i32
          %sign3A_2315 = arith.cmpi sgt, %jit3A_2305, %sign3A_2314 : i32
          %sign3A_2316 = arith.extui %sign3A_2315 : i1 to i32
          %sign3A_2317 = arith.constant 0 : i32
          %sign3A_2318 = arith.cmpi slt, %jit3A_2305, %sign3A_2317 : i32
          %sign3A_2319 = arith.extui %sign3A_2318 : i1 to i32
          %sign3A_2320 = arith.subi %sign3A_2316, %sign3A_2319 : i32
          %ne3A_2321 = arith.cmpi ne, %sign3A_2313, %sign3A_2320 : i32
          %rem3A_2322 = arith.remsi %select_n3A_2304, %jit3A_2305 : i32
          %ne3A_2323 = arith.constant 0 : i32
          %ne3A_2324 = arith.cmpi ne, %rem3A_2322, %ne3A_2323 : i32
          %and3A_2325 = arith.andi %ne3A_2321, %ne3A_2324 : i1
          %sub3A_2326 = arith.constant 1 : i32
          %sub3A_2327 = arith.subi %div3A_2306, %sub3A_2326 : i32
          %select_n3A_2328 = arith.select %and3A_2325, %sub3A_2327, %div3A_2306 : i32
          %jit3A_2329 = arith.constant 3 : i32
          %eq3A_2330 = arith.constant 0 : i32
          %eq3A_2331 = arith.cmpi eq, %jit3A_2329, %eq3A_2330 : i32
          %jit3A_2332 = arith.constant 1 : i32
          %select_n3A_2333 = arith.select %eq3A_2331, %jit3A_2332, %jit3A_2329 : i32
          %rem3A_2334 = arith.remsi %add3A_357, %select_n3A_2333 : i32
          %ne3A_2335 = arith.constant 0 : i32
          %ne3A_2336 = arith.cmpi ne, %rem3A_2334, %ne3A_2335 : i32
          %lt3A_2337 = arith.constant 0 : i32
          %lt3A_2338 = arith.cmpi slt, %rem3A_2334, %lt3A_2337 : i32
          %lt3A_2339 = arith.constant 0 : i32
          %lt3A_2340 = arith.cmpi slt, %select_n3A_2333, %lt3A_2339 : i32
          %ne3A_2341 = arith.xori %lt3A_2338, %lt3A_2340 : i1
          %and3A_2342 = arith.andi %ne3A_2341, %ne3A_2336 : i1
          %add3A_2343 = arith.addi %rem3A_2334, %select_n3A_2333 : i32
          %select_n3A_2344 = arith.select %and3A_2342, %add3A_2343, %rem3A_2334 : i32
          %jit3A_2345 = arith.constant 96 : i32
          %div3A_2346 = arith.divsi %add3A_357, %jit3A_2345 : i32
          %sign3A_2347 = arith.constant 0 : i32
          %sign3A_2348 = arith.cmpi sgt, %add3A_357, %sign3A_2347 : i32
          %sign3A_2349 = arith.extui %sign3A_2348 : i1 to i32
          %sign3A_2350 = arith.constant 0 : i32
          %sign3A_2351 = arith.cmpi slt, %add3A_357, %sign3A_2350 : i32
          %sign3A_2352 = arith.extui %sign3A_2351 : i1 to i32
          %sign3A_2353 = arith.subi %sign3A_2349, %sign3A_2352 : i32
          %sign3A_2354 = arith.constant 0 : i32
          %sign3A_2355 = arith.cmpi sgt, %jit3A_2345, %sign3A_2354 : i32
          %sign3A_2356 = arith.extui %sign3A_2355 : i1 to i32
          %sign3A_2357 = arith.constant 0 : i32
          %sign3A_2358 = arith.cmpi slt, %jit3A_2345, %sign3A_2357 : i32
          %sign3A_2359 = arith.extui %sign3A_2358 : i1 to i32
          %sign3A_2360 = arith.subi %sign3A_2356, %sign3A_2359 : i32
          %ne3A_2361 = arith.cmpi ne, %sign3A_2353, %sign3A_2360 : i32
          %rem3A_2362 = arith.remsi %add3A_357, %jit3A_2345 : i32
          %ne3A_2363 = arith.constant 0 : i32
          %ne3A_2364 = arith.cmpi ne, %rem3A_2362, %ne3A_2363 : i32
          %and3A_2365 = arith.andi %ne3A_2361, %ne3A_2364 : i1
          %sub3A_2366 = arith.constant 1 : i32
          %sub3A_2367 = arith.subi %div3A_2346, %sub3A_2366 : i32
          %select_n3A_2368 = arith.select %and3A_2365, %sub3A_2367, %div3A_2346 : i32
          %mul3A_2369 = arith.constant 1 : i32
          %mul3A_2370 = arith.muli %mul3A_2369, %select_n3A_2328 : i32
          %mul3A_2371 = arith.constant 1 : i32
          %mul3A_2372 = arith.muli %mul3A_2371, %select_n3A_2344 : i32
          %mul3A_2373 = arith.constant 32 : i32
          %mul3A_2374 = arith.muli %mul3A_2373, %select_n3A_2368 : i32
          %dma_wait3A_2375 = arith.constant 0 : i32
          %dma_wait3A_2376 = arith.constant 0 : i32
          %dma_wait3A_2377 = arith.constant 0 : i32
          %dma_wait3A_2378 = arith.constant 0 : i32
          %dma_wait3A_2379 = tpu.memref_slice %run_scoped3A_11[%rem3A_2288, %dma_wait3A_2375, %dma_wait3A_2376, %dma_wait3A_2377, %dma_wait3A_2378] : memref<2x1x1x32x512xf32, #tpu.memory_space<vmem>> -> memref<1x1x1x32x512xf32, #tpu.memory_space<vmem>>
          %dma_wait3A_2380 = tpu.memref_squeeze %dma_wait3A_2379 : memref<1x1x1x32x512xf32, #tpu.memory_space<vmem>> -> memref<1x1x32x512xf32, #tpu.memory_space<vmem>>
          %dma_wait3A_2381 = arith.constant 0 : i32
          %dma_wait3A_2382 = tpu.memref_slice %arg5[%mul3A_2370, %mul3A_2372, %mul3A_2374, %dma_wait3A_2381] : memref<32x3x512x512xf32, #tpu.memory_space<hbm>> -> memref<1x1x32x512xf32, #tpu.memory_space<hbm>>
          %dma_wait3A_2383 = tpu.memref_slice %run_scoped3A_12[%rem3A_2288] : memref<2x!tpu.dma_semaphore, #tpu.memory_space<semaphore_mem>> -> memref<1x!tpu.dma_semaphore, #tpu.memory_space<semaphore_mem>>
          %dma_wait3A_2384 = tpu.memref_squeeze %dma_wait3A_2383 : memref<1x!tpu.dma_semaphore, #tpu.memory_space<semaphore_mem>> -> memref<!tpu.dma_semaphore, #tpu.memory_space<semaphore_mem>>
          %dma_wait3A_2385 = arith.constant 0 : i32
          %dma_wait3A_2386 = tpu.memref_slice %arg5[%mul3A_2370, %mul3A_2372, %mul3A_2374, %dma_wait3A_2385] : memref<32x3x512x512xf32, #tpu.memory_space<hbm>> -> memref<1x1x32x512xf32, #tpu.memory_space<hbm>>
          %dma_wait3A_2387 = arith.constant 0 : i32
          %dma_wait3A_2388 = arith.constant 0 : i32
          %dma_wait3A_2389 = arith.constant 0 : i32
          %dma_wait3A_2390 = arith.constant 0 : i32
          %dma_wait3A_2391 = tpu.memref_slice %run_scoped3A_11[%rem3A_2288, %dma_wait3A_2387, %dma_wait3A_2388, %dma_wait3A_2389, %dma_wait3A_2390] : memref<2x1x1x32x512xf32, #tpu.memory_space<vmem>> -> memref<1x1x1x32x512xf32, #tpu.memory_space<vmem>>
          %dma_wait3A_2392 = tpu.memref_squeeze %dma_wait3A_2391 : memref<1x1x1x32x512xf32, #tpu.memory_space<vmem>> -> memref<1x1x32x512xf32, #tpu.memory_space<vmem>>
          tpu.wait_dma2 semaphore(%dma_wait3A_2384 : memref<!tpu.dma_semaphore, #tpu.memory_space<semaphore_mem>>) src(%dma_wait3A_2392 : memref<1x1x32x512xf32, #tpu.memory_space<vmem>>) dst(%dma_wait3A_2386 : memref<1x1x32x512xf32, #tpu.memory_space<hbm>>)
          "tpu.trace_stop"() : () -> ()
        } else {
        }
        %and3A_2060 = arith.constant true
        %and3A_2061 = arith.andi %and3A_2056, %and3A_2060 : i1
        %add3A_2062 = arith.constant 1 : i32
        %add3A_2063 = arith.addi %scan3A_342, %add3A_2062 : i32
        %select_n3A_2064 = arith.select %and3A_2061, %add3A_2063, %scan3A_342 : i32
        %jit3A_2065 = arith.constant 96 : i32
        %eq3A_2066 = arith.constant 0 : i32
        %eq3A_2067 = arith.cmpi eq, %jit3A_2065, %eq3A_2066 : i32
        %jit3A_2068 = arith.constant 1 : i32
        %select_n3A_2069 = arith.select %eq3A_2067, %jit3A_2068, %jit3A_2065 : i32
        %rem3A_2070 = arith.remsi %add3A_348, %select_n3A_2069 : i32
        %ne3A_2071 = arith.constant 0 : i32
        %ne3A_2072 = arith.cmpi ne, %rem3A_2070, %ne3A_2071 : i32
        %lt3A_2073 = arith.constant 0 : i32
        %lt3A_2074 = arith.cmpi slt, %rem3A_2070, %lt3A_2073 : i32
        %lt3A_2075 = arith.constant 0 : i32
        %lt3A_2076 = arith.cmpi slt, %select_n3A_2069, %lt3A_2075 : i32
        %ne3A_2077 = arith.xori %lt3A_2074, %lt3A_2076 : i1
        %and3A_2078 = arith.andi %ne3A_2077, %ne3A_2072 : i1
        %add3A_2079 = arith.addi %rem3A_2070, %select_n3A_2069 : i32
        %select_n3A_2080 = arith.select %and3A_2078, %add3A_2079, %rem3A_2070 : i32
        %jit3A_2081 = arith.constant 3 : i32
        %div3A_2082 = arith.divsi %select_n3A_2080, %jit3A_2081 : i32
        %sign3A_2083 = arith.constant 0 : i32
        %sign3A_2084 = arith.cmpi sgt, %select_n3A_2080, %sign3A_2083 : i32
        %sign3A_2085 = arith.extui %sign3A_2084 : i1 to i32
        %sign3A_2086 = arith.constant 0 : i32
        %sign3A_2087 = arith.cmpi slt, %select_n3A_2080, %sign3A_2086 : i32
        %sign3A_2088 = arith.extui %sign3A_2087 : i1 to i32
        %sign3A_2089 = arith.subi %sign3A_2085, %sign3A_2088 : i32
        %sign3A_2090 = arith.constant 0 : i32
        %sign3A_2091 = arith.cmpi sgt, %jit3A_2081, %sign3A_2090 : i32
        %sign3A_2092 = arith.extui %sign3A_2091 : i1 to i32
        %sign3A_2093 = arith.constant 0 : i32
        %sign3A_2094 = arith.cmpi slt, %jit3A_2081, %sign3A_2093 : i32
        %sign3A_2095 = arith.extui %sign3A_2094 : i1 to i32
        %sign3A_2096 = arith.subi %sign3A_2092, %sign3A_2095 : i32
        %ne3A_2097 = arith.cmpi ne, %sign3A_2089, %sign3A_2096 : i32
        %rem3A_2098 = arith.remsi %select_n3A_2080, %jit3A_2081 : i32
        %ne3A_2099 = arith.constant 0 : i32
        %ne3A_2100 = arith.cmpi ne, %rem3A_2098, %ne3A_2099 : i32
        %and3A_2101 = arith.andi %ne3A_2097, %ne3A_2100 : i1
        %sub3A_2102 = arith.constant 1 : i32
        %sub3A_2103 = arith.subi %div3A_2082, %sub3A_2102 : i32
        %select_n3A_2104 = arith.select %and3A_2101, %sub3A_2103, %div3A_2082 : i32
        %jit3A_2105 = arith.constant 3 : i32
        %eq3A_2106 = arith.constant 0 : i32
        %eq3A_2107 = arith.cmpi eq, %jit3A_2105, %eq3A_2106 : i32
        %jit3A_2108 = arith.constant 1 : i32
        %select_n3A_2109 = arith.select %eq3A_2107, %jit3A_2108, %jit3A_2105 : i32
        %rem3A_2110 = arith.remsi %add3A_348, %select_n3A_2109 : i32
        %ne3A_2111 = arith.constant 0 : i32
        %ne3A_2112 = arith.cmpi ne, %rem3A_2110, %ne3A_2111 : i32
        %lt3A_2113 = arith.constant 0 : i32
        %lt3A_2114 = arith.cmpi slt, %rem3A_2110, %lt3A_2113 : i32
        %lt3A_2115 = arith.constant 0 : i32
        %lt3A_2116 = arith.cmpi slt, %select_n3A_2109, %lt3A_2115 : i32
        %ne3A_2117 = arith.xori %lt3A_2114, %lt3A_2116 : i1
        %and3A_2118 = arith.andi %ne3A_2117, %ne3A_2112 : i1
        %add3A_2119 = arith.addi %rem3A_2110, %select_n3A_2109 : i32
        %select_n3A_2120 = arith.select %and3A_2118, %add3A_2119, %rem3A_2110 : i32
        %jit3A_2121 = arith.constant 96 : i32
        %div3A_2122 = arith.divsi %add3A_348, %jit3A_2121 : i32
        %sign3A_2123 = arith.constant 0 : i32
        %sign3A_2124 = arith.cmpi sgt, %add3A_348, %sign3A_2123 : i32
        %sign3A_2125 = arith.extui %sign3A_2124 : i1 to i32
        %sign3A_2126 = arith.constant 0 : i32
        %sign3A_2127 = arith.cmpi slt, %add3A_348, %sign3A_2126 : i32
        %sign3A_2128 = arith.extui %sign3A_2127 : i1 to i32
        %sign3A_2129 = arith.subi %sign3A_2125, %sign3A_2128 : i32
        %sign3A_2130 = arith.constant 0 : i32
        %sign3A_2131 = arith.cmpi sgt, %jit3A_2121, %sign3A_2130 : i32
        %sign3A_2132 = arith.extui %sign3A_2131 : i1 to i32
        %sign3A_2133 = arith.constant 0 : i32
        %sign3A_2134 = arith.cmpi slt, %jit3A_2121, %sign3A_2133 : i32
        %sign3A_2135 = arith.extui %sign3A_2134 : i1 to i32
        %sign3A_2136 = arith.subi %sign3A_2132, %sign3A_2135 : i32
        %ne3A_2137 = arith.cmpi ne, %sign3A_2129, %sign3A_2136 : i32
        %rem3A_2138 = arith.remsi %add3A_348, %jit3A_2121 : i32
        %ne3A_2139 = arith.constant 0 : i32
        %ne3A_2140 = arith.cmpi ne, %rem3A_2138, %ne3A_2139 : i32
        %and3A_2141 = arith.andi %ne3A_2137, %ne3A_2140 : i1
        %sub3A_2142 = arith.constant 1 : i32
        %sub3A_2143 = arith.subi %div3A_2122, %sub3A_2142 : i32
        %select_n3A_2144 = arith.select %and3A_2141, %sub3A_2143, %div3A_2122 : i32
        %jit3A_2145 = arith.constant 96 : i32
        %eq3A_2146 = arith.constant 0 : i32
        %eq3A_2147 = arith.cmpi eq, %jit3A_2145, %eq3A_2146 : i32
        %jit3A_2148 = arith.constant 1 : i32
        %select_n3A_2149 = arith.select %eq3A_2147, %jit3A_2148, %jit3A_2145 : i32
        %rem3A_2150 = arith.remsi %add3A_366, %select_n3A_2149 : i32
        %ne3A_2151 = arith.constant 0 : i32
        %ne3A_2152 = arith.cmpi ne, %rem3A_2150, %ne3A_2151 : i32
        %lt3A_2153 = arith.constant 0 : i32
        %lt3A_2154 = arith.cmpi slt, %rem3A_2150, %lt3A_2153 : i32
        %lt3A_2155 = arith.constant 0 : i32
        %lt3A_2156 = arith.cmpi slt, %select_n3A_2149, %lt3A_2155 : i32
        %ne3A_2157 = arith.xori %lt3A_2154, %lt3A_2156 : i1
        %and3A_2158 = arith.andi %ne3A_2157, %ne3A_2152 : i1
        %add3A_2159 = arith.addi %rem3A_2150, %select_n3A_2149 : i32
        %select_n3A_2160 = arith.select %and3A_2158, %add3A_2159, %rem3A_2150 : i32
        %jit3A_2161 = arith.constant 3 : i32
        %div3A_2162 = arith.divsi %select_n3A_2160, %jit3A_2161 : i32
        %sign3A_2163 = arith.constant 0 : i32
        %sign3A_2164 = arith.cmpi sgt, %select_n3A_2160, %sign3A_2163 : i32
        %sign3A_2165 = arith.extui %sign3A_2164 : i1 to i32
        %sign3A_2166 = arith.constant 0 : i32
        %sign3A_2167 = arith.cmpi slt, %select_n3A_2160, %sign3A_2166 : i32
        %sign3A_2168 = arith.extui %sign3A_2167 : i1 to i32
        %sign3A_2169 = arith.subi %sign3A_2165, %sign3A_2168 : i32
        %sign3A_2170 = arith.constant 0 : i32
        %sign3A_2171 = arith.cmpi sgt, %jit3A_2161, %sign3A_2170 : i32
        %sign3A_2172 = arith.extui %sign3A_2171 : i1 to i32
        %sign3A_2173 = arith.constant 0 : i32
        %sign3A_2174 = arith.cmpi slt, %jit3A_2161, %sign3A_2173 : i32
        %sign3A_2175 = arith.extui %sign3A_2174 : i1 to i32
        %sign3A_2176 = arith.subi %sign3A_2172, %sign3A_2175 : i32
        %ne3A_2177 = arith.cmpi ne, %sign3A_2169, %sign3A_2176 : i32
        %rem3A_2178 = arith.remsi %select_n3A_2160, %jit3A_2161 : i32
        %ne3A_2179 = arith.constant 0 : i32
        %ne3A_2180 = arith.cmpi ne, %rem3A_2178, %ne3A_2179 : i32
        %and3A_2181 = arith.andi %ne3A_2177, %ne3A_2180 : i1
        %sub3A_2182 = arith.constant 1 : i32
        %sub3A_2183 = arith.subi %div3A_2162, %sub3A_2182 : i32
        %select_n3A_2184 = arith.select %and3A_2181, %sub3A_2183, %div3A_2162 : i32
        %jit3A_2185 = arith.constant 3 : i32
        %eq3A_2186 = arith.constant 0 : i32
        %eq3A_2187 = arith.cmpi eq, %jit3A_2185, %eq3A_2186 : i32
        %jit3A_2188 = arith.constant 1 : i32
        %select_n3A_2189 = arith.select %eq3A_2187, %jit3A_2188, %jit3A_2185 : i32
        %rem3A_2190 = arith.remsi %add3A_366, %select_n3A_2189 : i32
        %ne3A_2191 = arith.constant 0 : i32
        %ne3A_2192 = arith.cmpi ne, %rem3A_2190, %ne3A_2191 : i32
        %lt3A_2193 = arith.constant 0 : i32
        %lt3A_2194 = arith.cmpi slt, %rem3A_2190, %lt3A_2193 : i32
        %lt3A_2195 = arith.constant 0 : i32
        %lt3A_2196 = arith.cmpi slt, %select_n3A_2189, %lt3A_2195 : i32
        %ne3A_2197 = arith.xori %lt3A_2194, %lt3A_2196 : i1
        %and3A_2198 = arith.andi %ne3A_2197, %ne3A_2192 : i1
        %add3A_2199 = arith.addi %rem3A_2190, %select_n3A_2189 : i32
        %select_n3A_2200 = arith.select %and3A_2198, %add3A_2199, %rem3A_2190 : i32
        %jit3A_2201 = arith.constant 96 : i32
        %div3A_2202 = arith.divsi %add3A_366, %jit3A_2201 : i32
        %sign3A_2203 = arith.constant 0 : i32
        %sign3A_2204 = arith.cmpi sgt, %add3A_366, %sign3A_2203 : i32
        %sign3A_2205 = arith.extui %sign3A_2204 : i1 to i32
        %sign3A_2206 = arith.constant 0 : i32
        %sign3A_2207 = arith.cmpi slt, %add3A_366, %sign3A_2206 : i32
        %sign3A_2208 = arith.extui %sign3A_2207 : i1 to i32
        %sign3A_2209 = arith.subi %sign3A_2205, %sign3A_2208 : i32
        %sign3A_2210 = arith.constant 0 : i32
        %sign3A_2211 = arith.cmpi sgt, %jit3A_2201, %sign3A_2210 : i32
        %sign3A_2212 = arith.extui %sign3A_2211 : i1 to i32
        %sign3A_2213 = arith.constant 0 : i32
        %sign3A_2214 = arith.cmpi slt, %jit3A_2201, %sign3A_2213 : i32
        %sign3A_2215 = arith.extui %sign3A_2214 : i1 to i32
        %sign3A_2216 = arith.subi %sign3A_2212, %sign3A_2215 : i32
        %ne3A_2217 = arith.cmpi ne, %sign3A_2209, %sign3A_2216 : i32
        %rem3A_2218 = arith.remsi %add3A_366, %jit3A_2201 : i32
        %ne3A_2219 = arith.constant 0 : i32
        %ne3A_2220 = arith.cmpi ne, %rem3A_2218, %ne3A_2219 : i32
        %and3A_2221 = arith.andi %ne3A_2217, %ne3A_2220 : i1
        %sub3A_2222 = arith.constant 1 : i32
        %sub3A_2223 = arith.subi %div3A_2202, %sub3A_2222 : i32
        %select_n3A_2224 = arith.select %and3A_2221, %sub3A_2223, %div3A_2202 : i32
        %ne3A_2225 = arith.cmpi ne, %select_n3A_2104, %select_n3A_2184 : i32
        %ne3A_2226 = arith.cmpi ne, %select_n3A_2120, %select_n3A_2200 : i32
        %ne3A_2227 = arith.cmpi ne, %select_n3A_2144, %select_n3A_2224 : i32
        %or3A_2228 = arith.constant false
        %or3A_2229 = arith.ori %or3A_2228, %ne3A_2225 : i1
        %or3A_2230 = arith.ori %or3A_2229, %ne3A_2226 : i1
        %or3A_2231 = arith.ori %or3A_2230, %ne3A_2227 : i1
        %or3A_2232 = arith.constant false
        %or3A_2233 = arith.ori %or3A_2231, %or3A_2232 : i1
        %or3A_2234 = arith.ori %or3A_2233, %eq3A_347 : i1
        %add3A_2235 = arith.constant 1 : i32
        %add3A_2236 = arith.addi %scan3A_338, %add3A_2235 : i32
        %select_n3A_2237 = arith.select %or3A_2234, %add3A_2236, %scan3A_338 : i32
        %jit3A_2238 = arith.constant 96 : i32
        %eq3A_2239 = arith.constant 0 : i32
        %eq3A_2240 = arith.cmpi eq, %jit3A_2238, %eq3A_2239 : i32
        %jit3A_2241 = arith.constant 1 : i32
        %select_n3A_2242 = arith.select %eq3A_2240, %jit3A_2241, %jit3A_2238 : i32
        %rem3A_2243 = arith.remsi %add3A_348, %select_n3A_2242 : i32
        %ne3A_2244 = arith.constant 0 : i32
        %ne3A_2245 = arith.cmpi ne, %rem3A_2243, %ne3A_2244 : i32
        %lt3A_2246 = arith.constant 0 : i32
        %lt3A_2247 = arith.cmpi slt, %rem3A_2243, %lt3A_2246 : i32
        %lt3A_2248 = arith.constant 0 : i32
        %lt3A_2249 = arith.cmpi slt, %select_n3A_2242, %lt3A_2248 : i32
        %ne3A_2250 = arith.xori %lt3A_2247, %lt3A_2249 : i1
        %and3A_2251 = arith.andi %ne3A_2250, %ne3A_2245 : i1
        %add3A_2252 = arith.addi %rem3A_2243, %select_n3A_2242 : i32
        %select_n3A_2253 = arith.select %and3A_2251, %add3A_2252, %rem3A_2243 : i32
        %jit3A_2254 = arith.constant 96 : i32
        %eq3A_2255 = arith.constant 0 : i32
        %eq3A_2256 = arith.cmpi eq, %jit3A_2254, %eq3A_2255 : i32
        %jit3A_2257 = arith.constant 1 : i32
        %select_n3A_2258 = arith.select %eq3A_2256, %jit3A_2257, %jit3A_2254 : i32
        %rem3A_2259 = arith.remsi %add3A_366, %select_n3A_2258 : i32
        %ne3A_2260 = arith.constant 0 : i32
        %ne3A_2261 = arith.cmpi ne, %rem3A_2259, %ne3A_2260 : i32
        %lt3A_2262 = arith.constant 0 : i32
        %lt3A_2263 = arith.cmpi slt, %rem3A_2259, %lt3A_2262 : i32
        %lt3A_2264 = arith.constant 0 : i32
        %lt3A_2265 = arith.cmpi slt, %select_n3A_2258, %lt3A_2264 : i32
        %ne3A_2266 = arith.xori %lt3A_2263, %lt3A_2265 : i1
        %and3A_2267 = arith.andi %ne3A_2266, %ne3A_2261 : i1
        %add3A_2268 = arith.addi %rem3A_2259, %select_n3A_2258 : i32
        %select_n3A_2269 = arith.select %and3A_2267, %add3A_2268, %rem3A_2259 : i32
        %ne3A_2270 = arith.cmpi ne, %select_n3A_2253, %select_n3A_2269 : i32
        %or3A_2271 = arith.constant false
        %or3A_2272 = arith.ori %or3A_2271, %ne3A_2270 : i1
        %or3A_2273 = arith.constant false
        %or3A_2274 = arith.ori %or3A_2272, %or3A_2273 : i1
        %or3A_2275 = arith.ori %or3A_2274, %eq3A_347 : i1
        %add3A_2276 = arith.constant 1 : i32
        %add3A_2277 = arith.addi %scan3A_340, %add3A_2276 : i32
        %select_n3A_2278 = arith.select %or3A_2275, %add3A_2277, %scan3A_340 : i32
        %add3A_2279 = arith.constant 1 : i32
        %add3A_2280 = arith.addi %scan3A_343, %add3A_2279 : i32
        %select_n3A_2281 = arith.constant true
        %select_n3A_2282 = arith.select %select_n3A_2281, %add3A_2280, %scan3A_343 : i32
        %eq3A_2283 = arith.constant 48 : i32
        %eq3A_2284 = arith.cmpi eq, %select_n3A_2282, %eq3A_2283 : i32
        %select_n3A_2285 = arith.constant 0 : i32
        %select_n3A_2286 = arith.select %eq3A_2284, %select_n3A_2285, %select_n3A_2282 : i32
        scf.yield %select_n3A_552, %select_n3A_2237, %select_n3A_602, %select_n3A_2278, %select_n3A_1662, %select_n3A_2064, %select_n3A_2286 : i32, i32, i32, i32, i32, i32, i32
      }
      %scan3A_194 = arith.constant 48 : i32
      %sub3A_195 = arith.constant 1 : i32
      %sub3A_196 = arith.subi %scan3A_193#6, %sub3A_195 : i32
      %select_n3A_197 = arith.constant true
      %select_n3A_198 = arith.select %select_n3A_197, %sub3A_196, %scan3A_193#6 : i32
      %eq3A_199 = arith.constant -1 : i32
      %eq3A_200 = arith.cmpi eq, %select_n3A_198, %eq3A_199 : i32
      %select_n3A_201 = arith.constant 47 : i32
      %select_n3A_202 = arith.select %eq3A_200, %select_n3A_201, %select_n3A_198 : i32
      %add3A_203 = arith.addi %select_n3A_202, %mul3A_7 : i32
      %sub3A_204 = arith.constant 1 : i32
      %sub3A_205 = arith.subi %select_n3A_202, %sub3A_204 : i32
      %select_n3A_206 = arith.constant true
      %select_n3A_207 = arith.select %select_n3A_206, %sub3A_205, %select_n3A_202 : i32
      %eq3A_208 = arith.constant -1 : i32
      %eq3A_209 = arith.cmpi eq, %select_n3A_207, %eq3A_208 : i32
      %select_n3A_210 = arith.constant 47 : i32
      %select_n3A_211 = arith.select %eq3A_209, %select_n3A_210, %select_n3A_207 : i32
      %add3A_212 = arith.addi %select_n3A_211, %mul3A_7 : i32
      %add3A_213 = arith.constant 1 : i32
      %add3A_214 = arith.addi %select_n3A_202, %add3A_213 : i32
      %select_n3A_215 = arith.constant true
      %select_n3A_216 = arith.select %select_n3A_215, %add3A_214, %select_n3A_202 : i32
      %eq3A_217 = arith.constant 48 : i32
      %eq3A_218 = arith.cmpi eq, %select_n3A_216, %eq3A_217 : i32
      %select_n3A_219 = arith.constant 0 : i32
      %select_n3A_220 = arith.select %eq3A_218, %select_n3A_219, %select_n3A_216 : i32
      %add3A_221 = arith.addi %select_n3A_220, %mul3A_7 : i32
      %add3A_222 = arith.constant 1 : i32
      %add3A_223 = arith.addi %select_n3A_220, %add3A_222 : i32
      %select_n3A_224 = arith.constant true
      %select_n3A_225 = arith.select %select_n3A_224, %add3A_223, %select_n3A_220 : i32
      %eq3A_226 = arith.constant 48 : i32
      %eq3A_227 = arith.cmpi eq, %select_n3A_225, %eq3A_226 : i32
      %select_n3A_228 = arith.constant 0 : i32
      %select_n3A_229 = arith.select %eq3A_227, %select_n3A_228, %select_n3A_225 : i32
      %add3A_230 = arith.addi %select_n3A_229, %mul3A_7 : i32
      "tpu.trace_start"() <{level = 10 : i32, message = "ep_finalize"}> : () -> ()
      %rem3A_231 = arith.constant 2 : i32
      %rem3A_232 = arith.remui %scan3A_193#5, %rem3A_231 : i32
      %jit3A_233 = arith.constant 96 : i32
      %eq3A_234 = arith.constant 0 : i32
      %eq3A_235 = arith.cmpi eq, %jit3A_233, %eq3A_234 : i32
      %jit3A_236 = arith.constant 1 : i32
      %select_n3A_237 = arith.select %eq3A_235, %jit3A_236, %jit3A_233 : i32
      %rem3A_238 = arith.remsi %add3A_203, %select_n3A_237 : i32
      %ne3A_239 = arith.constant 0 : i32
      %ne3A_240 = arith.cmpi ne, %rem3A_238, %ne3A_239 : i32
      %lt3A_241 = arith.constant 0 : i32
      %lt3A_242 = arith.cmpi slt, %rem3A_238, %lt3A_241 : i32
      %lt3A_243 = arith.constant 0 : i32
      %lt3A_244 = arith.cmpi slt, %select_n3A_237, %lt3A_243 : i32
      %ne3A_245 = arith.xori %lt3A_242, %lt3A_244 : i1
      %and3A_246 = arith.andi %ne3A_245, %ne3A_240 : i1
      %add3A_247 = arith.addi %rem3A_238, %select_n3A_237 : i32
      %select_n3A_248 = arith.select %and3A_246, %add3A_247, %rem3A_238 : i32
      %jit3A_249 = arith.constant 3 : i32
      %div3A_250 = arith.divsi %select_n3A_248, %jit3A_249 : i32
      %sign3A_251 = arith.constant 0 : i32
      %sign3A_252 = arith.cmpi sgt, %select_n3A_248, %sign3A_251 : i32
      %sign3A_253 = arith.extui %sign3A_252 : i1 to i32
      %sign3A_254 = arith.constant 0 : i32
      %sign3A_255 = arith.cmpi slt, %select_n3A_248, %sign3A_254 : i32
      %sign3A_256 = arith.extui %sign3A_255 : i1 to i32
      %sign3A_257 = arith.subi %sign3A_253, %sign3A_256 : i32
      %sign3A_258 = arith.constant 0 : i32
      %sign3A_259 = arith.cmpi sgt, %jit3A_249, %sign3A_258 : i32
      %sign3A_260 = arith.extui %sign3A_259 : i1 to i32
      %sign3A_261 = arith.constant 0 : i32
      %sign3A_262 = arith.cmpi slt, %jit3A_249, %sign3A_261 : i32
      %sign3A_263 = arith.extui %sign3A_262 : i1 to i32
      %sign3A_264 = arith.subi %sign3A_260, %sign3A_263 : i32
      %ne3A_265 = arith.cmpi ne, %sign3A_257, %sign3A_264 : i32
      %rem3A_266 = arith.remsi %select_n3A_248, %jit3A_249 : i32
      %ne3A_267 = arith.constant 0 : i32
      %ne3A_268 = arith.cmpi ne, %rem3A_266, %ne3A_267 : i32
      %and3A_269 = arith.andi %ne3A_265, %ne3A_268 : i1
      %sub3A_270 = arith.constant 1 : i32
      %sub3A_271 = arith.subi %div3A_250, %sub3A_270 : i32
      %select_n3A_272 = arith.select %and3A_269, %sub3A_271, %div3A_250 : i32
      %jit3A_273 = arith.constant 3 : i32
      %eq3A_274 = arith.constant 0 : i32
      %eq3A_275 = arith.cmpi eq, %jit3A_273, %eq3A_274 : i32
      %jit3A_276 = arith.constant 1 : i32
      %select_n3A_277 = arith.select %eq3A_275, %jit3A_276, %jit3A_273 : i32
      %rem3A_278 = arith.remsi %add3A_203, %select_n3A_277 : i32
      %ne3A_279 = arith.constant 0 : i32
      %ne3A_280 = arith.cmpi ne, %rem3A_278, %ne3A_279 : i32
      %lt3A_281 = arith.constant 0 : i32
      %lt3A_282 = arith.cmpi slt, %rem3A_278, %lt3A_281 : i32
      %lt3A_283 = arith.constant 0 : i32
      %lt3A_284 = arith.cmpi slt, %select_n3A_277, %lt3A_283 : i32
      %ne3A_285 = arith.xori %lt3A_282, %lt3A_284 : i1
      %and3A_286 = arith.andi %ne3A_285, %ne3A_280 : i1
      %add3A_287 = arith.addi %rem3A_278, %select_n3A_277 : i32
      %select_n3A_288 = arith.select %and3A_286, %add3A_287, %rem3A_278 : i32
      %jit3A_289 = arith.constant 96 : i32
      %div3A_290 = arith.divsi %add3A_203, %jit3A_289 : i32
      %sign3A_291 = arith.constant 0 : i32
      %sign3A_292 = arith.cmpi sgt, %add3A_203, %sign3A_291 : i32
      %sign3A_293 = arith.extui %sign3A_292 : i1 to i32
      %sign3A_294 = arith.constant 0 : i32
      %sign3A_295 = arith.cmpi slt, %add3A_203, %sign3A_294 : i32
      %sign3A_296 = arith.extui %sign3A_295 : i1 to i32
      %sign3A_297 = arith.subi %sign3A_293, %sign3A_296 : i32
      %sign3A_298 = arith.constant 0 : i32
      %sign3A_299 = arith.cmpi sgt, %jit3A_289, %sign3A_298 : i32
      %sign3A_300 = arith.extui %sign3A_299 : i1 to i32
      %sign3A_301 = arith.constant 0 : i32
      %sign3A_302 = arith.cmpi slt, %jit3A_289, %sign3A_301 : i32
      %sign3A_303 = arith.extui %sign3A_302 : i1 to i32
      %sign3A_304 = arith.subi %sign3A_300, %sign3A_303 : i32
      %ne3A_305 = arith.cmpi ne, %sign3A_297, %sign3A_304 : i32
      %rem3A_306 = arith.remsi %add3A_203, %jit3A_289 : i32
      %ne3A_307 = arith.constant 0 : i32
      %ne3A_308 = arith.cmpi ne, %rem3A_306, %ne3A_307 : i32
      %and3A_309 = arith.andi %ne3A_305, %ne3A_308 : i1
      %sub3A_310 = arith.constant 1 : i32
      %sub3A_311 = arith.subi %div3A_290, %sub3A_310 : i32
      %select_n3A_312 = arith.select %and3A_309, %sub3A_311, %div3A_290 : i32
      %mul3A_313 = arith.constant 1 : i32
      %mul3A_314 = arith.muli %mul3A_313, %select_n3A_272 : i32
      %mul3A_315 = arith.constant 1 : i32
      %mul3A_316 = arith.muli %mul3A_315, %select_n3A_288 : i32
      %mul3A_317 = arith.constant 32 : i32
      %mul3A_318 = arith.muli %mul3A_317, %select_n3A_312 : i32
      %dma_wait3A = arith.constant 0 : i32
      %dma_wait3A_319 = arith.constant 0 : i32
      %dma_wait3A_320 = arith.constant 0 : i32
      %dma_wait3A_321 = arith.constant 0 : i32
      %dma_wait3A_322 = tpu.memref_slice %run_scoped3A_11[%rem3A_232, %dma_wait3A, %dma_wait3A_319, %dma_wait3A_320, %dma_wait3A_321] : memref<2x1x1x32x512xf32, #tpu.memory_space<vmem>> -> memref<1x1x1x32x512xf32, #tpu.memory_space<vmem>>
      %dma_wait3A_323 = tpu.memref_squeeze %dma_wait3A_322 : memref<1x1x1x32x512xf32, #tpu.memory_space<vmem>> -> memref<1x1x32x512xf32, #tpu.memory_space<vmem>>
      %dma_wait3A_324 = arith.constant 0 : i32
      %dma_wait3A_325 = tpu.memref_slice %arg5[%mul3A_314, %mul3A_316, %mul3A_318, %dma_wait3A_324] : memref<32x3x512x512xf32, #tpu.memory_space<hbm>> -> memref<1x1x32x512xf32, #tpu.memory_space<hbm>>
      %dma_wait3A_326 = tpu.memref_slice %run_scoped3A_12[%rem3A_232] : memref<2x!tpu.dma_semaphore, #tpu.memory_space<semaphore_mem>> -> memref<1x!tpu.dma_semaphore, #tpu.memory_space<semaphore_mem>>
      %dma_wait3A_327 = tpu.memref_squeeze %dma_wait3A_326 : memref<1x!tpu.dma_semaphore, #tpu.memory_space<semaphore_mem>> -> memref<!tpu.dma_semaphore, #tpu.memory_space<semaphore_mem>>
      %dma_wait3A_328 = arith.constant 0 : i32
      %dma_wait3A_329 = tpu.memref_slice %arg5[%mul3A_314, %mul3A_316, %mul3A_318, %dma_wait3A_328] : memref<32x3x512x512xf32, #tpu.memory_space<hbm>> -> memref<1x1x32x512xf32, #tpu.memory_space<hbm>>
      %dma_wait3A_330 = arith.constant 0 : i32
      %dma_wait3A_331 = arith.constant 0 : i32
      %dma_wait3A_332 = arith.constant 0 : i32
      %dma_wait3A_333 = arith.constant 0 : i32
      %dma_wait3A_334 = tpu.memref_slice %run_scoped3A_11[%rem3A_232, %dma_wait3A_330, %dma_wait3A_331, %dma_wait3A_332, %dma_wait3A_333] : memref<2x1x1x32x512xf32, #tpu.memory_space<vmem>> -> memref<1x1x1x32x512xf32, #tpu.memory_space<vmem>>
      %dma_wait3A_335 = tpu.memref_squeeze %dma_wait3A_334 : memref<1x1x1x32x512xf32, #tpu.memory_space<vmem>> -> memref<1x1x32x512xf32, #tpu.memory_space<vmem>>
      tpu.wait_dma2 semaphore(%dma_wait3A_327 : memref<!tpu.dma_semaphore, #tpu.memory_space<semaphore_mem>>) src(%dma_wait3A_335 : memref<1x1x32x512xf32, #tpu.memory_space<vmem>>) dst(%dma_wait3A_329 : memref<1x1x32x512xf32, #tpu.memory_space<hbm>>)
      "tpu.trace_stop"() : () -> ()
      tpu.yield
    }) : () -> ()
    return
  }
}

</mosaic_0001>

<sc_bundles>
// kernel: kernel.3.cloned.1.call-start
scs
__scs_entry_jumppad:
0x0: {  	(pc) =	sbr.rel $0x88, $3  }
0x1: {  	(tag) =	ssettag $0x0;
	lr =	simm.s32 $0x1  }
0x2: {  	[smem:$0x3F9F] =	sst lr;
	_ =	strace $0xD0000000  }
0x3: {  	_ = 	snop  }
0x4: {  	_ = 	snop  }
0x5: {  	_ = 	snop  }
0x6: {  	_ = 	snop  }
0x7: {  	_ = 	snop  }
__scs_overlays_trampoline_lowered:
0x8: {  	[smem:$0x3FAE] =	sst s0  }
0x9: {  	[smem:$0x3FAF] =	sst s1  }
0xa: {  	[smem:$0x3FB0] =	sst s2  }
0xb: {  	[smem:$0x3FB1] =	sst s3  }
0xc: {  	[smem:$0x3FB2] =	sst s4  }
0xd: {  	[smem:$0x3FB3] =	sst s5  }
0xe: {  	[smem:$0x3FB4] =	sst s6  }
0xf: {  	[smem:$0x3FB5] =	sst s7  }
0x10: {  	[smem:$0x3FB6] =	sst s8  }
0x11: {  	[smem:$0x3FB7] =	sst s9;
	s0 =	simm.s32 @!p0 $0x0  }
0x12: {  	s1 =	sld [smem:$0x3F9D];
	s0 =	simm.s32 @p0 $0x1  }
0x13: {  	[smem:$0x3FB8] =	sst s0;
	s0 =	simm.s32 @!p1 $0x0  }
0x14: {  	s2 =	sld [smem:$0x3F9C];
	s0 =	simm.s32 @p1 $0x1  }
0x15: {  	[smem:$0x3FB9] =	sst s0;
	s0 =	simm.s32 @!p2 $0x0  }
0x16: {  	s3 =	sld [smem:$0x3FDB];
	s0 =	simm.s32 @p2 $0x1  }
0x17: {  	s4 =	simm.s32 $0x1BF5;
	[smem:$0x3FBB] =	sst s0  }
0x18: {  	s0 =	sld [smem:$0x3F9E];
	_ =	swait.ge [sflag:s4], $0x0  }
0x19: {  	s7 =	sld [smem:$0x3F9F]  }
0x1a: {  	s8 =	sadd.s32 $0xFFFFE003, lr  }
0x1b: {  	s9 =	sadd.s32 $0xFFFFFEF7, lr;
	s5 =	simm.s32 $0xFFFFFFFF;
	p2 =	slt.u32 s8, $0xFFFFF086  }
0x1c: {  	p1 =	slt.u32 s9, $0xF7A;
	s5 =	simm.s32 @!p2 $0x0  }
0x1d: {  	s5 =	simm.s32 @p1 $0x1;
	p0 =	seq.s32 s7, s2  }
0x1e: {  	s7 =	smul.u32 @!p0 $0xF7A, s2;
	p2 =	seq.s32 @!p0 s5, $0x0  }
0x1f: {  	s9 =	smul.u32 $0xF7A, s1;
	s8 =	simm.s32 @!p0 $0x1BF5;
	p2 =	por !p2, p0  }
0x20: {  	[sflag:s8] =	ssyncset.s32 @!p0 $0xFFFFF086;
	s6 =	sadd.s32 @!p0 s3, s7;
	s7 =	simm.s32 @!p0 $0x108  }
0x21: {  	s3 =	sadd.s32 s3, s9;
	s6 =	sadd.s32 @!p0 $0x88, s6;
	s7 =	simm.s32 @p2 $0x1082  }
0x22: {  	[simem:s7], [sflag:s8] =	dma.local @!p0 [hbm:s6], $0xF7A  }
0x23: {  	s9 =	sor.u32 $0xD0000000, s2;
	s6 =	simm.s32 $0x108;
	_ =	swait.ge @!p0 [sflag:s8], $0x0  }
0x24: {  	s3 =	sadd.s32 $0x88, s3;
	s6 =	simm.s32 @!p1 $0x1082;
	[sflag:s4] =	ssyncset.s32 $0xFFFFF086  }
0x25: {  	[simem:s6], [sflag:s4] =	dma.local [hbm:s3], $0xF7A  }
0x26: {  	[smem:$0x3F9F] =	sst s1;
	(tag) =	ssettag s2;
	_ =	strace s9  }
0x27: {  	s1 =	sld [smem:$0x3FAF]  }
0x28: {  	s2 =	sld [smem:$0x3FB0]  }
0x29: {  	s4 =	sld [smem:$0x3FB2]  }
0x2a: {  	p0 =	seq.s32 s5, $0x0;
	s5 =	sld [smem:$0x3FB3]  }
0x2b: {  	s6 =	sld [smem:$0x3FB4]  }
0x2c: {  	s7 =	sld [smem:$0x3FB5]  }
0x2d: {  	s3 =	simm.s32 $0x108;
	s8 =	sld [smem:$0x3FB6]  }
0x2e: {  	s3 =	simm.s32 @!p0 $0x1082;
	s9 =	sld [smem:$0x3FB7]  }
0x2f: {  	lr =	sadd.s32 s0, s3;
	s0 =	sld [smem:$0x3FAE]  }
0x30: {  	s3 =	sld [smem:$0x3FB1]  }
0x31: {  	[smem:$0x3FBA] =	sst s10  }
0x32: {  	s10 =	sld [smem:$0x3FB8];
	_ =	sdelay $0x3  }
0x33: {  	p0 =	seq.s32 s10, $0x1;
	s10 =	sld [smem:$0x3FBA];
	_ =	sdelay $0x3  }
0x34: {  	[smem:$0x3FBA] =	sst s10  }
0x35: {  	s10 =	sld [smem:$0x3FB9];
	_ =	sdelay $0x3  }
0x36: {  	p1 =	seq.s32 s10, $0x1;
	s10 =	sld [smem:$0x3FBA];
	_ =	sdelay $0x3  }
0x37: {  	[smem:$0x3FBA] =	sst s10  }
0x38: {  	s10 =	sld [smem:$0x3FBB]  }
0x39: {  	_ = 	snop;
	(pc) =	sbr.ind lr, $3  }
0x3a: {  	_ = 	snop  }
0x3b: {  	_ = 	snop  }
0x3c: {  	p2 =	seq.s32 s10, $0x1;
	s10 =	sld [smem:$0x3FBA]  }
0x3d: {  	_ =	shalt  }
0x3e: {  	_ =	shalt  }
0x3f: {  	_ =	shalt  }
0x40: {  	_ =	shalt  }
0x41: {  	_ =	shalt  }
0x42: {  	_ =	shalt  }
0x43: {  	_ =	shalt  }
0x44: {  	_ =	shalt  }
0x45: {  	_ =	shalt  }
0x46: {  	_ =	shalt  }
0x47: {  	_ =	shalt  }
0x48: {  	_ =	shalt  }
0x49: {  	_ =	shalt  }
0x4a: {  	_ =	shalt  }
0x4b: {  	_ =	shalt  }
0x4c: {  	_ =	shalt  }
0x4d: {  	_ =	shalt  }
0x4e: {  	_ =	shalt  }
0x4f: {  	_ =	shalt  }
0x50: {  	_ =	shalt  }
0x51: {  	_ =	shalt  }
0x52: {  	_ =	shalt  }
0x53: {  	_ =	shalt  }
0x54: {  	_ =	shalt  }
0x55: {  	_ =	shalt  }
0x56: {  	_ =	shalt  }
0x57: {  	_ =	shalt  }
0x58: {  	_ =	shalt  }
0x59: {  	_ =	shalt  }
0x5a: {  	_ =	shalt  }
0x5b: {  	_ =	shalt  }
0x5c: {  	_ =	shalt  }
0x5d: {  	_ =	shalt  }
0x5e: {  	_ =	shalt  }
0x5f: {  	_ =	shalt  }
0x60: {  	_ =	shalt  }
0x61: {  	_ =	shalt  }
0x62: {  	_ =	shalt  }
0x63: {  	_ =	shalt  }
0x64: {  	_ =	shalt  }
0x65: {  	_ =	shalt  }
0x66: {  	_ =	shalt  }
0x67: {  	_ =	shalt  }
0x68: {  	_ =	shalt  }
0x69: {  	_ =	shalt  }
0x6a: {  	_ =	shalt  }
0x6b: {  	_ =	shalt  }
0x6c: {  	_ =	shalt  }
0x6d: {  	_ =	shalt  }
0x6e: {  	_ =	shalt  }
0x6f: {  	_ =	shalt  }
0x70: {  	_ =	shalt  }
0x71: {  	_ =	shalt  }
0x72: {  	_ =	shalt  }
0x73: {  	_ =	shalt  }
0x74: {  	_ =	shalt  }
0x75: {  	_ =	shalt  }
0x76: {  	_ =	shalt  }
0x77: {  	_ =	shalt  }
0x78: {  	_ =	shalt  }
0x79: {  	_ =	shalt  }
0x7a: {  	_ =	shalt  }
0x7b: {  	_ =	shalt  }
0x7c: {  	_ =	shalt  }
0x7d: {  	_ =	shalt  }
0x7e: {  	_ =	shalt  }
0x7f: {  	_ =	shalt  }
0x80: {  	_ =	shalt  }
0x81: {  	_ =	shalt  }
0x82: {  	_ =	shalt  }
0x83: {  	_ =	shalt  }
0x84: {  	_ =	shalt  }
0x85: {  	_ =	shalt  }
0x86: {  	_ =	shalt  }
0x87: {  	_ =	shalt  }
.Lfunc_end0:
.L_simem_size_0:
called_computation_lowered:
.L_overlay_start_0:
0x88: {  	s2 =	sld [smem:$0x3FD9]  }
0x89: {  	s3 =	sld [smem:$0x3FFE];
	_ =	sdelay $0x1  }
0x8a: {  	s1 =	srdreg.scid  }
0x8b: {  	s0 =	sand.u32 $0x1, s1  }
0x8c: {  	s17 =	sshll.u32 s0, $0xA;
	s2 =	sadd.s32 s3, s2  }
0x8d: {  	s2 =	sadd.s32 s2, s17  }
0x8e: {  	[smem:$0x3FC6] =	sst s2  }
0x8f: {  	_ = 	snop  }
0x90: {  	s2 =	sld [smem:$0x3FC9]  }
0x91: {  	s18 =	sld [smem:$0x3FD0];
	(tm) =	ssettm $0x1  }
0x92: {  	s4 =	sld [smem:$0x3FFB];
	_ =	sdelay $0x3  }
0x93: {  	_ =	strace s4  }
0x94: {  	s4 =	sld [smem:$0x3FFC];
	_ =	sdelay $0x3  }
0x95: {  	_ =	strace s4  }
0x96: {  	s4 =	sld [smem:$0x3FFD];
	_ =	sdelay $0x3  }
0x97: {  	_ =	strace s4  }
0x98: {  	_ =	strace $0x8FFFFFFF  }
0x99: {  	s19 =	sld [smem:$0x3FDB];
	_ =	sdelay $0x1  }
0x9a: {  	s5 =	simm.s32 $_scs_section_size  }
0x9b: {  	s6 =	simm.s32 $_size__tile_overlayer_lowered;
	s7 =	simm.s32 $_tile_overlayer_lowered  }
0x9c: {  	s22 =	simm.s32 $0x1BFF;
	s21 =	sshll.u32 s7, $0x1;
	s4 =	sadd.s32 s5, s19  }
0x9d: {  	s8 =	simm.s32 $0x0;
	s20 =	sshll.u32 s6, $0x1;
	s6 =	sadd.s32 s21, s4  }
0x9e: {  	[timem:s8], [sflag:s22] =	dma.local [hbm:s6], s20  }
0x9f: {  	_ =	swait.ge [sflag:s22], s20  }
0xa0: {  	s5 =	ssub.s32 $0x0, s20;
	[sflag:s22] =	ssyncset.done $0x0  }
0xa1: {  	[sflag:s22] =	ssyncadd.s32 s5;
	_ =	sdelay $0x1  }
0xa2: {  	s23 =	simm.s32 $0x1B8B  }
0xa3: {  	_ =	swait.ge [sflag:s23], $0x1  }
0xa4: {  	[sflag:s23] =	ssyncset.done $0x0  }
0xa5: {  	s25 =	simm.s32 $0x1B8E;
	s24 =	sld [smem:$0x3FFE];
	[sflag:s23] =	ssyncadd.s32 $0xFFFFFFFF  }
0xa6: {  	s26 =	simm.s32 $execute0_lowered;
	[smem:$0x3FD2] =	sst s25  }
0xa7: {  	s6 =	sshll.u32 s26, $0x1;
	_ =	strace $0x80000046;
	[dreg:$0x1] =	wrdreg $0xFFFFFFFF  }
0xa8: {  	s28 =	simm.s32 $_size_execute0_lowered;
	s4 =	sadd.s32 s4, s6;
	[dreg:$0x0] =	wrdreg $0x0  }
0xa9: {  	s6 =	sshll.u32 s28, $0x1;
	[dreg:$0x2] =	wrdreg s4  }
0xaa: {  	[dreg:$0x3] =	wrdreg s6  }
0xab: {  	[dreg:$0x4] =	wrdreg $0xC0  }
0xac: {  	_ =	task [dreg:s8], $0x5FFFF  }
0xad: {  	[dreg:$0x1] =	wrdreg $0xFFFFFFFF  }
0xae: {  	[dreg:$0x0] =	wrdreg $0x60  }
0xaf: {  	[dreg:$0x2] =	wrdreg s2  }
0xb0: {  	[dreg:$0x3] =	wrdreg s24  }
0xb1: {  	[dreg:$0x4] =	wrdreg s18  }
0xb2: {  	[dreg:$0x5] =	wrdreg $0x9  }
0xb3: {  	_ =	task.clear_ibuf [dreg:s8], $0x6FFFF;
	_ =	strace $0x90000046  }
0xb4: {  	s29 =	simm.s32 $0x9;
	_ =	strace $0x80000051  }
0xb5: {  	_ =	swait.ge [sflag:s29], $0x1  }
0xb6: {  	[sflag:s29] =	ssyncadd.s32 $0xFFFFFFFF  }
0xb7: {  	_ =	strace $0x90000051  }
0xb8: {  	_ =	sfence  }
0xb9: {  	s30 =	sld [smem:$0x0];
	_ =	sdelay $0x2  }
0xba: {  	s31 =	sshll.u32 s1, $0xD;
	s1 =	sshrl.u32 s1, $0x2  }
0xbb: {  	s3 =	sand.u32 $0x4000, s31;
	s1 =	sadd.s32 s1, s30  }
0xbc: {  	s0 =	sor.u32 s3, s0;
	s1 =	sshll.u32 s1, $0x11  }
0xbd: {  	s0 =	sor.u32 s1, s0  }
0xbe: {  	s0 =	sadd.s32 $0x8F2B, s0  }
0xbf: {  	[sflag:s0] =	ssyncadd.remote.s32 $0x1  }
0xc0: {  	_ =	sfence.sel $0xFFFF  }
0xc1: {  	[dreg:$0x0] =	wrdreg $0xFFFFFFFF;
	(pc) =	sbr.abs _section_cstart, $3  }
0xc2: {  	[dreg:$0x1] =	wrdreg $0xFFFFFFFF  }
0xc3: {  	_ =	task.clear_ibuf [dreg:s8], $0x2FFFF;
	_ =	strace $0x9FFFFFFF  }
0xc4: {  	(tm) =	ssettm $0x7FFFFFFF  }
0xc5: {  	_ =	shalt  }
tec
execute0_lowered:
.L_overlay_start_1:
0x0: {  	(tag) =	ssettag $0x1  }
0x1: {  	s0 =	srdreg.scid  }
0x2: {  	s0 =	sand.u32 $0x1, s0  }
0x3: {  	s2 =	stileid.u32;
	s1 =	sshll.u32 s0, $0x4  }
0x4: {  	s1 =	sor.u32 s2, s1  }
0x5: {  	s2 =	smul.u32 $0x8010, s1;
	_ =	sdelay $0x1  }
0x6: {  	s3 =	smul.u32 $0x30, s1;
	s2 =	sshrl.u32 s2, $0x10  }
0x7: {  	s2 =	smul.u32 $0x60, s2;
	_ =	sdelay $0x1  }
0x8: {  	s4 =	rddreg [dreg:$0x0];
	s2 =	ssub.s32 s3, s2  }
0x9: {  	[dreg:$0x4] =	wrdreg s3;
	s3 =	sand.u32 $0xFFF0, s2  }
0xa: {  	s5 =	rddreg [dreg:$0x1];
	s6 =	simm.s32 $0x0;
	s3 =	smul.u32 $0x56, s3  }
0xb: {  	[smem:$0x7FF] =	sst s6;
	s7 =	sadd.s32 $0x600, s5;
	s0 =	ssub.s32 $0x2, s0  }
0xc: {  	s30 =	sshrl.u32 s0, $0x1;
	s1 =	sshll.u32 s1, $0xD;
	s3 =	sshrl.u32 s3, $0x8  }
0xd: {  	s0 =	ssub.s32 s0, s30;
	s1 =	sand.u32 $0x3C000, s1;
	s3 =	smul.u32 $0xC0000, s3  }
0xe: {  	s0 =	smax.u32 s0, $0x1;
	_ =	strace $0x80000047;
	s2 =	sshll.u32 s2, $0x4  }
0xf: {  	[dreg:$0x5] =	wrdreg s7;
	s2 =	sand.u32 $0xFF00, s2;
	s1 =	sor.u32 s1, s3  }
0x10: {  	[dreg:$0x8] =	wrdreg s0;
	s31 =	sadd.s32 s2, s5;
	s1 =	sshrl.u32 s1, $0x3  }
0x11: {  	[dreg:$0x7] =	wrdreg s31;
	s1 =	sadd.s32 s4, s1  }
0x12: {  	[dreg:$0x6] =	wrdreg s1;
	s1 =	simm.s32 $0x0  }
.LBB2_1:
0x13: {  	[dreg:$0x9] =	wrdreg s1  }
0x14: {  	s0 =	rddreg [dreg:$0x5];
	s24 =	simm.s32 $0x80;
	s25 =	simm.s32 $0x1  }
0x15: {  	[tilespmem:s24], [sflag:$0x1] =	stream.linear.gather [hbm4b:s0+s6], $0x1, $0x38;
	[tilespmem:$0x10200] =	vst v63  }
0x16: {  	_ =	swait.ge [sflag:s25], $0x1  }
0x17: {  	s28 =	simm.s32 $0x100;
	[sflag:s25] =	ssyncset.done $0x0  }
0x18: {  	s30 =	simm.s32 $0x8100;
	s17 =	simm.s32 $0x0;
	[sflag:s25] =	ssyncadd.s32 $0xFFFFFFFF  }
0x19: {  	s3 =	simm.s32 $0x0;
	s15 =	simm.s32 $0x0;
	v0 =	vld.msk [tilespmem:$0x80 ss:$0x0], $0xffff;
	_ =	strace $0x80000048  }
0x1a: {  	s16 =	simm.s32 $0x0;
	s21 =	simm.s32 $0x1;
	s26 =	rddreg [dreg:$0x6]  }
0x1b: {  	[tilespmem:s28], [sflag:$0x1] =	stream.linear.gather [hbm4b:s26+s6], $0x4000, $0x200038;
	[tilespmem:$0x10200] =	vst v63  }
0x1c: {  	s18 =	simm.s32 $0x0;
	s31 =	simm.s32 $0x1;
	s29 =	rddreg [dreg:$0x7]  }
0x1d: {  	[tilespmem:s30], [sflag:$0x3] =	stream.linear.gather [hbm4b:s29+s6], $0x80, $0x200038;
	[tilespmem:$0x10200] =	vst v63  }
0x1e: {  	s23 =	simm.s32 $0x0;
	_ =	strace $0x90000048;
	[dreg:$0xf] =	wrdreg s31  }
.LBB2_2:
0x1f: {  	s14 =	rddreg [dreg:$0x4]  }
0x20: {  	s7 =	sadd.s32 s14, s17  }
0x21: {  	s0 =	smulhi.u32 $0x2AAAAAAB, s7;
	s8 =	sshra.s32 s7, $0x1F  }
0x22: {  	s1 =	smul.u32 $0x2AAAAAAB, s8  }
0x23: {  	s2 =	sadd.s32 $0xFFFFFFFF, s17;
	p0 =	seq.s32 s17, $0x0;
	s17 =	sadd.s32 $0x1, s17  }
0x24: {  	[dreg:$0xa] =	wrdreg s3;
	p1 =	seq.s32 s17, $0x30;
	s0 =	sadd.s32 s1, s0  }
0x25: {  	s25 =	smulhi.u32 $0x55555556, s7;
	s1 =	sshrl.u32 s0, $0x1F;
	s0 =	sshra.s32 s0, $0x4  }
0x26: {  	s17 =	simm.s32 @p1 $0x0;
	s8 =	smul.u32 $0x55555556, s8;
	s3 =	sadd.s32 s1, s0  }
0x27: {  	p6 =	slt.s32 s7, $0x1;
	s4 =	sadd.s32 s14, s17;
	s0 =	smul.u32 $0xFFFFFFA0, s3  }
0x28: {  	s5 =	smulhi.u32 $0x2AAAAAAB, s4;
	s9 =	sshra.s32 s4, $0x1F;
	s8 =	sadd.s32 s8, s25  }
0x29: {  	s22 =	smul.u32 $0x2AAAAAAB, s9;
	s19 =	sshrl.u32 s8, $0x1F;
	s0 =	sadd.s32 s7, s0  }
0x2a: {  	s9 =	smul.u32 $0x55555556, s9;
	p1 =	slt.s32 s0, $0x0;
	s1 =	sadd.s32 $0x60, s0  }
0x2b: {  	s8 =	sadd.s32 s19, s8;
	p2 =	sne.s32 s0, $0x0;
	s0 =	smov.u32 @p1 s1  }
0x2c: {  	s8 =	smul.u32 $0x3, s8;
	s1 =	sadd.s32 s22, s5;
	s10 =	sshll.u32 s0, $0x10  }
0x2d: {  	s5 =	sshrl.u32 s1, $0x1F;
	s1 =	sshra.s32 s1, $0x4;
	s10 =	sshra.s32 s10, $0x10  }
0x2e: {  	s25 =	ssub.s32 s7, s8;
	s5 =	sadd.s32 s5, s1;
	s10 =	smul.u32 $0x5556, s10  }
0x2f: {  	p2 =	por !p6, !p2;
	p6 =	slt.s32 s4, $0x1;
	s11 =	smul.u32 $0xFFFFFFA0, s5  }
0x30: {  	s13 =	ssub.s32 $0x0, s0;
	p4 =	slt.s32 s0, $0x1;
	p2 =	por !p2, !p2  }
0x31: {  	s24 =	sshrl.u32 s10, $0x1F;
	s10 =	sshrl.u32 s10, $0x10;
	s1 =	sadd.s32 s4, s11  }
0x32: {  	s13 =	sand.u32 $0xFFFF, s13;
	s10 =	sadd.s32 s24, s10;
	p1 =	sne.s32 s1, $0x0  }
0x33: {  	p3 =	slt.s32 s1, $0x0;
	s11 =	sadd.s32 $0x60, s1;
	s24 =	smulhi.u32 $0x55555556, s4  }
0x34: {  	s12 =	smul.u32 $0xFFFFFFFD, s10;
	s1 =	smov.u32 @p3 s11;
	s10 =	sshll.u32 s10, $0x10  }
0x35: {  	p1 =	por !p6, !p1;
	s26 =	sshll.u32 s1, $0x10;
	s10 =	sshra.s32 s10, $0x10  }
0x36: {  	s7 =	sadd.s32 s9, s24;
	s9 =	simm.s32 $0x1;
	s12 =	sand.u32 $0xFFFF, s12  }
0x37: {  	p1 =	por !p1, !p1;
	p5 =	sne.s32 s12, s13;
	s13 =	sshra.s32 s26, $0x10  }
0x38: {  	s9 =	simm.s32 @!p2 $0x0;
	s26 =	ssub.s32 $0x0, s1;
	s11 =	smul.u32 $0x5556, s13  }
0x39: {  	p3 =	por !p4, !p5;
	s13 =	simm.s32 $0x1;
	p5 =	slt.s32 s1, $0x1  }
0x3a: {  	p3 =	por !p3, !p3;
	s20 =	sshrl.u32 s11, $0x1F;
	s11 =	sshrl.u32 s11, $0x10  }
0x3b: {  	s13 =	simm.s32 @!p3 $0x0;
	p3 =	slt.s32 s25, $0x0;
	s11 =	sadd.s32 s20, s11  }
0x3c: {  	s12 =	ssub.s32 s10, s13;
	s10 =	sadd.s32 $0x3, s25;
	s22 =	smul.u32 $0xFFFFFFFD, s11  }
0x3d: {  	s13 =	sshrl.u32 s7, $0x1F;
	s25 =	smov.u32 @p3 s10;
	s10 =	sand.u32 $0xFFFF, s26  }
0x3e: {  	s7 =	sadd.s32 s13, s7;
	s19 =	sshll.u32 s11, $0x10;
	s8 =	sand.u32 $0xFFFF, s22  }
0x3f: {  	s11 =	ssub.s32 s3, s9;
	s7 =	smul.u32 $0x3, s7;
	p4 =	sne.s32 s8, s10  }
0x40: {  	s9 =	simm.s32 $0x1;
	s20 =	sshra.s32 s19, $0x10;
	p2 =	por !p5, !p4  }
0x41: {  	s8 =	simm.s32 $0x1;
	s7 =	ssub.s32 s4, s7;
	p2 =	por !p2, !p2  }
0x42: {  	s4 =	sadd.s32 $0x3, s7;
	s8 =	simm.s32 @!p2 $0x0;
	p2 =	slt.s32 s7, $0x0  }
0x43: {  	s9 =	simm.s32 @!p1 $0x0;
	s8 =	ssub.s32 s20, s8;
	s7 =	smov.u32 @p2 s4  }
0x44: {  	s4 =	ssub.s32 s5, s9;
	p4 =	sne.s32 s12, s8;
	p2 =	sne.s32 s25, s7  }
0x45: {  	p5 =	sne.s32 s11, s4;
	p1 =	por p2, p4  }
0x46: {  	s2 =	simm.s32 @p0 $0x2F;
	p6 =	sne.s32 s23, $0x2F;
	p1 =	por p5, p1  }
0x47: {  	s3 =	sadd.s32 s14, s2;
	p3 =	por !p6, !p1  }
0x48: {  	s22 =	smulhi.u32 $0x2AAAAAAB, s3;
	p3 =	por !p3, !p3  }
0x49: {  	s24 =	sshra.s32 s3, $0x1F;
	s2 =	smul.u32 @p3 $0xC0000, s8  }
0x4a: {  	s5 =	sshll.u32 @p3 s7, $0x12;
	s4 =	sshll.u32 @p3 s4, $0xE;
	s7 =	rddreg [dreg:$0xf]  }
0x4b: {  	s26 =	smul.u32 $0x2AAAAAAB, s24;
	s7 =	sand.u32 @p3 $0x1, s7;
	s4 =	sadd.s32 @p3 s5, s4  }
0x4c: {  	_ =	strace @p3 $0x80000049;
	s5 =	sshll.u32 @p3 s7, $0xE;
	s2 =	sadd.s32 @p3 s2, s4  }
0x4d: {  	s9 =	rddreg [dreg:$0x0];
	s4 =	sor.u32 @p3 $0x100, s5;
	s2 =	sshrl.u32 @p3 s2, $0x3  }
0x4e: {  	s5 =	sadd.s32 @p3 $0x1, s7;
	s2 =	sadd.s32 @p3 s9, s2;
	s9 =	simm.s32 @p3 $0x0  }
0x4f: {  	[tilespmem:s4], [sflag:s5] =	stream.linear.gather @p3 [hbm4b:s2+s9], $0x4000, $0x200038;
	[tilespmem:$0x10200] =	vst v63  }
0x50: {  	p0 =	sne.s32 s0, s1;
	s9 =	sadd.s32 s26, s22  }
0x51: {  	p2 =	por !p6, !p0;
	s10 =	sshrl.u32 s9, $0x1F;
	s2 =	sshra.s32 s9, $0x4  }
0x52: {  	p4 =	por !p2, !p2;
	s4 =	sadd.s32 s10, s2  }
0x53: {  	s1 =	sshll.u32 @p4 s1, $0x4;
	s2 =	smul.u32 $0xFFFFFFA0, s4  }
0x54: {  	s20 =	smulhi.u32 $0x55555556, s3;
	s1 =	sand.u32 @p4 $0x1FFFFFF0, s1  }
0x55: {  	s5 =	sand.u32 @p4 $0x1, s21;
	s22 =	smul.u32 $0x55555556, s24;
	s2 =	sadd.s32 s3, s2  }
0x56: {  	_ =	strace @p3 $0x90000049;
	p5 =	slt.s32 s2, $0x0;
	s7 =	sadd.s32 $0x60, s2  }
0x57: {  	s9 =	sshll.u32 @p4 s5, $0x7;
	p2 =	sne.s32 s2, $0x0;
	s2 =	smov.u32 @p5 s7  }
0x58: {  	s5 =	sadd.s32 @p4 $0x3, s5;
	_ =	strace @p4 $0x8000004A;
	s13 =	sshll.u32 s2, $0x10  }
0x59: {  	s10 =	rddreg [dreg:$0x1];
	s7 =	sor.u32 @p4 $0x8100, s9;
	s9 =	sshra.s32 s13, $0x10  }
0x5a: {  	s1 =	sadd.s32 @p4 s10, s1;
	s10 =	simm.s32 @p4 $0x0;
	s9 =	smul.u32 $0x5556, s9  }
0x5b: {  	[tilespmem:s7], [sflag:s5] =	stream.linear.gather @p4 [hbm4b:s1+s10], $0x80, $0x200038;
	[tilespmem:$0x10200] =	vst v63  }
0x5c: {  	s5 =	sadd.s32 s22, s20;
	s14 =	sshrl.u32 s9, $0x1F;
	s19 =	sshrl.u32 s9, $0x10  }
0x5d: {  	s13 =	sshrl.u32 s5, $0x1F;
	s1 =	sadd.s32 s14, s19  }
0x5e: {  	s26 =	ssub.s32 $0x0, s2;
	s5 =	sadd.s32 s13, s5;
	s24 =	smul.u32 $0xFFFFFFFD, s1  }
0x5f: {  	p5 =	slt.s32 s2, $0x1;
	s7 =	simm.s32 $0x1;
	s5 =	smul.u32 $0x3, s5  }
0x60: {  	s10 =	sand.u32 $0xFFFF, s26;
	s1 =	sshll.u32 s1, $0x10;
	s8 =	sand.u32 $0xFFFF, s24  }
0x61: {  	s5 =	ssub.s32 s3, s5;
	s1 =	sshra.s32 s1, $0x10;
	p6 =	sne.s32 s8, s10  }
0x62: {  	s8 =	simm.s32 $0x1;
	p5 =	por !p5, !p6;
	p6 =	slt.s32 s3, $0x1  }
0x63: {  	s3 =	sadd.s32 $0x3, s5;
	p5 =	por !p5, !p5;
	p2 =	por !p6, !p2  }
0x64: {  	s7 =	simm.s32 @!p5 $0x0;
	p5 =	slt.s32 s5, $0x0;
	p2 =	por !p2, !p2  }
0x65: {  	s1 =	ssub.s32 s1, s7;
	s5 =	smov.u32 @p5 s3;
	s8 =	simm.s32 @!p2 $0x0  }
0x66: {  	s14 =	ssub.s32 s4, s8;
	p2 =	sne.s32 s12, s1;
	p5 =	sne.s32 s25, s5  }
0x67: {  	p6 =	sne.s32 s11, s14;
	p2 =	por p5, p2  }
0x68: {  	[dreg:$0x10] =	wrdreg s12;
	p5 =	seq.s32 s23, $0x0;
	p2 =	por p6, p2  }
0x69: {  	[dreg:$0x11] =	wrdreg s11;
	p6 =	por p5, p2  }
0x6a: {  	_ =	strace @p4 $0x9000004A;
	s1 =	sand.u32 @p6 $0x1, s18  }
0x6b: {  	_ =	strace @p6 $0x8000004B;
	s1 =	sadd.s32 @p6 $0x1, s1  }
0x6c: {  	_ =	swait.ge @p6 [sflag:s1], $0x4000  }
0x6d: {  	[sflag:s1] =	ssyncset.done @p6 $0x0  }
0x6e: {  	[sflag:s1] =	ssyncadd.s32 @p6 $0xFFFFC000  }
0x6f: {  	_ =	strace @p6 $0x9000004B;
	p6 =	seq.s32 @!p5 s0, s2  }
0x70: {  	p5 =	por p5, !p6  }
0x71: {  	s0 =	sand.u32 @p5 $0x1, s16  }
0x72: {  	_ =	strace @p5 $0x8000004C;
	s0 =	sadd.s32 @p5 $0x3, s0  }
0x73: {  	_ =	swait.ge @p5 [sflag:s0], $0x80  }
0x74: {  	[sflag:s0] =	ssyncset.done @p5 $0x0  }
0x75: {  	[sflag:s0] =	ssyncadd.s32 @p5 $0xFFFFFF80  }
0x76: {  	_ =	strace @p5 $0x9000004C;
	[dreg:$0xc] =	wrdreg s16;
	s16 =	sshll.u32 s16, $0x7  }
0x77: {  	_ =	strace $0x8000004D;
	s19 =	sand.u32 $0x80, s16  }
0x78: {  	v1 =	vld [tilespmem:s19+$0x8101]  }
0x79: {  	v2 =	vld [tilespmem:s19+$0x8100];
	_ =	sdelay $0x4  }
0x7a: {  	v1 =	vsub.f32 v1, v2;
	_ =	sdelay $0x1  }
0x7b: {  	[tilespmem:$0x0] =	vst v1  }
0x7c: {  	v1 =	vld [tilespmem:s19+$0x8111]  }
0x7d: {  	v2 =	vld [tilespmem:s19+$0x8110];
	_ =	sdelay $0x4  }
0x7e: {  	v1 =	vsub.f32 v1, v2;
	_ =	sdelay $0x1  }
0x7f: {  	[tilespmem:$0x10] =	vst v1  }
0x80: {  	v1 =	vld [tilespmem:s19+$0x8121]  }
0x81: {  	v2 =	vld [tilespmem:s19+$0x8120];
	_ =	sdelay $0x4  }
0x82: {  	v1 =	vsub.f32 v1, v2;
	_ =	sdelay $0x1  }
0x83: {  	[tilespmem:$0x20] =	vst v1  }
0x84: {  	v1 =	vld [tilespmem:s19+$0x8131]  }
0x85: {  	v2 =	vld [tilespmem:s19+$0x8130];
	_ =	sdelay $0x4  }
0x86: {  	v1 =	vsub.f32 v1, v2;
	_ =	sdelay $0x1  }
0x87: {  	[tilespmem:$0x30] =	vst v1  }
0x88: {  	v1 =	vld [tilespmem:s19+$0x8141]  }
0x89: {  	s20 =	sshll.u32 s18, $0xE;
	v3 =	vld [tilespmem:s19+$0x8140]  }
0x8a: {  	s0 =	sand.u32 $0x4000, s20  }
0x8b: {  	s0 =	sor.u32 $0x100, s0  }
0x8c: {  	s22 =	simm.s32 $0x0;
	s24 =	simm.s32 $0x0;
	v2 =	vmov s0  }
0x8d: {  	s26 =	sand.u32 $0xC00, s22;
	s0 =	sand.u32 $0x3000, s24  }
0x8e: {  	s1 =	sand.u32 $0x380, s22;
	s0 =	sor.u32 s0, s26;
	v1 =	vsub.f32 v1, v3  }
0x8f: {  	s1 =	sor.u32 s1, s0  }
0x90: {  	[dreg:$0xe] =	wrdreg s18;
	s4 =	sor.u32 $0x60, s1;
	[tilespmem:$0x40] =	vst v1  }
0x91: {  	v1 =	vld.idx.msk [tilespmem:v2+s4+$0x0 ss:$0x1], $0xffff;
	_ =	sdelay $0x4  }
0x92: {  	s18 =	sor.u32 $0x20, s1;
	v1 =	vmul.f32 v1, v0  }
0x93: {  	v5 =	vld.idx.msk [tilespmem:v2+s18+$0x0 ss:$0x1], $0xffff  }
0x94: {  	s0 =	sor.u32 $0x40, s1;
	v3 =	vld.idx.msk [tilespmem:v2+s1+$0x0 ss:$0x1], $0xffff;
	v4 =	vtrunc.f32 v1  }
0x95: {  	s9 =	simm.s32 $0x80;
	s10 =	simm.s32 $0x400;
	v6 =	vld.idx.msk [tilespmem:v2+s0+$0x0 ss:$0x1], $0xffff;
	v4 =	vcvt.f32.s32 v4  }
0x96: {  	s7 =	sand.u32 $0xC00, s10;
	s11 =	simm.s32 $0x20;
	s2 =	sand.u32 $0x3000, s9  }
0x97: {  	s12 =	sand.u32 $0x380, s11;
	s2 =	sor.u32 s2, s7  }
0x98: {  	s8 =	sor.u32 s12, s2;
	v5 =	vmul.f32 v5, v0  }
0x99: {  	s2 =	sor.u32 $0x60, s8;
	v3 =	vmul.f32 v3, v0  }
0x9a: {  	v10 =	vld.idx.msk [tilespmem:v2+s2+$0x0 ss:$0x1], $0xffff;
	v6 =	vmul.f32 v6, v0;
	v8 =	vtrunc.f32 v5  }
0x9b: {  	s30 =	sor.u32 $0x8100, s19;
	v9 =	vtrunc.f32 v3;
	v8 =	vcvt.f32.s32 v8;
	v7 =	vld.idx.msk [tilespmem:v4+s6+$0x0], $0xffff  }
0x9c: {  	s13 =	sand.u32 $0x1, s15;
	v9 =	vcvt.f32.s32 v9;
	v11 =	vcvt.s32.f32 v4;
	v4 =	vld.idx.msk [tilespmem:v4+s30+$0x0], $0xffff;
	[dreg:$0xb] =	wrdreg s15  }
0x9d: {  	s14 =	sshll.u32 s13, $0xE;
	v12 =	vtrunc.f32 v6;
	[dreg:$0x12] =	wrdreg s13  }
0x9e: {  	s3 =	sor.u32 $0x40, s8;
	v1 =	vsub.f32 v1, v11;
	v11 =	vcvt.f32.s32 v12;
	s15 =	sor.u32 $0x8200, s14;
	v12 =	vld.idx.msk [tilespmem:v2+s8+$0x0 ss:$0x1], $0xffff  }
0x9f: {  	s16 =	sor.u32 $0x20, s8;
	v13 =	vld.idx.msk [tilespmem:v2+s3+$0x0 ss:$0x1], $0xffff;
	[dreg:$0x13] =	wrdreg s15  }
0xa0: {  	s20 =	simm.s32 $0x800;
	s19 =	simm.s32 $0x100;
	v14 =	vld.idx.msk [tilespmem:v2+s16+$0x0 ss:$0x1], $0xffff  }
0xa1: {  	s22 =	sand.u32 $0xC00, s20;
	s24 =	simm.s32 $0x40;
	s9 =	sand.u32 $0x3000, s19;
	v15 =	vld.idx.msk [tilespmem:v8+s6+$0x0], $0xffff;
	v7 =	vmul.f32 v1, v7  }
0xa2: {  	s10 =	sand.u32 $0x380, s24;
	s5 =	sor.u32 s9, s22;
	v10 =	vmul.f32 v10, v0;
	v16 =	vld.idx.msk [tilespmem:v9+s6+$0x0], $0xffff;
	v1 =	vmov s15  }
0xa3: {  	s12 =	sor.u32 s10, s5;
	v17 =	vld.idx.msk [tilespmem:v9+s30+$0x0], $0xffff;
	v4 =	vadd.f32 v7, v4  }
0xa4: {  	s5 =	sor.u32 $0x60, s12;
	v18 =	vcvt.s32.f32 v8;
	v8 =	vld.idx.msk [tilespmem:v8+s30+$0x0], $0xffff;
	v7 =	vtrunc.f32 v10  }
0xa5: {  	v22 =	vld.idx.msk [tilespmem:v2+s5+$0x0 ss:$0x1], $0xffff;
	v14 =	vmul.f32 v14, v0;
	v7 =	vcvt.f32.s32 v7;
	v4 =	vmax.f32 v4, $0.0e+00  }
0xa6: {  	v23 =	vld.idx.msk [tilespmem:v2+s12+$0x0 ss:$0x1], $0xffff;
	v4 =	vmin.f32 v4, $1.000000000e+00  }
0xa7: {  	v19 =	vcvt.s32.f32 v11;
	v20 =	vtrunc.f32 v14;
	[tilespmem:v1+s4+$0x0 ss:$0x1] =	vst.idx.msk $0xffff, v4;
	v4 =	vld.idx.msk [tilespmem:v11+s30+$0x0], $0xffff  }
0xa8: {  	s22 =	sor.u32 $0x40, s12;
	v5 =	vsub.f32 v5, v18;
	v12 =	vmul.f32 v12, v0;
	v20 =	vcvt.f32.s32 v20;
	v11 =	vld.idx.msk [tilespmem:v11+s6+$0x0], $0xffff  }
0xa9: {  	s26 =	sor.u32 $0x70, s1;
	v24 =	vld.idx.msk [tilespmem:v2+s22+$0x0 ss:$0x1], $0xffff;
	v9 =	vcvt.s32.f32 v9  }
0xaa: {  	v5 =	vmul.f32 v5, v15;
	v21 =	vtrunc.f32 v12;
	v18 =	vld.idx.msk [tilespmem:v2+s26+$0x0 ss:$0x1], $0xffff  }
0xab: {  	v6 =	vsub.f32 v6, v19;
	v13 =	vmul.f32 v13, v0;
	v21 =	vcvt.f32.s32 v21;
	v15 =	vld.idx.msk [tilespmem:v7+s6+$0x0], $0xffff  }
0xac: {  	s11 =	simm.s32 $0x180;
	s10 =	sor.u32 $0x20, s12;
	s13 =	simm.s32 $0xC00;
	v5 =	vadd.f32 v5, v8;
	v8 =	vld.idx.msk [tilespmem:v7+s30+$0x0], $0xffff;
	v7 =	vcvt.s32.f32 v7  }
0xad: {  	s14 =	simm.s32 $0x60;
	s9 =	sand.u32 $0xC00, s13;
	v3 =	vsub.f32 v3, v9;
	v19 =	vtrunc.f32 v13;
	s4 =	sand.u32 $0x3000, s11;
	v6 =	vmul.f32 v6, v11;
	v11 =	vld.idx.msk [tilespmem:v2+s10+$0x0 ss:$0x1], $0xffff  }
0xae: {  	s15 =	sand.u32 $0x380, s14;
	v5 =	vmax.f32 v5, $0.0e+00;
	s4 =	sor.u32 s4, s9;
	v7 =	vsub.f32 v10, v7;
	v10 =	vcvt.f32.s32 v19;
	v19 =	vld.idx.msk [tilespmem:v20+s6+$0x0], $0xffff  }
0xaf: {  	v23 =	vmul.f32 v23, v0;
	v5 =	vmin.f32 v5, $1.000000000e+00;
	s13 =	sor.u32 s15, s4;
	v25 =	vld.idx.msk [tilespmem:v20+s30+$0x0], $0xffff;
	v20 =	vcvt.s32.f32 v20  }
0xb0: {  	v30 =	vld.idx.msk [tilespmem:v2+s13+$0x0 ss:$0x1], $0xffff;
	v4 =	vadd.f32 v6, v4;
	v6 =	vmul.f32 v22, v0;
	v7 =	vmul.f32 v7, v15  }
0xb1: {  	v3 =	vmul.f32 v3, v16;
	[tilespmem:v1+s18+$0x0 ss:$0x1] =	vst.idx.msk $0xffff, v5;
	s15 =	sor.u32 $0x40, s13;
	v5 =	vld.idx.msk [tilespmem:v21+s6+$0x0], $0xffff;
	v14 =	vsub.f32 v14, v20  }
0xb2: {  	v16 =	vld.idx.msk [tilespmem:v2+s15+$0x0 ss:$0x1], $0xffff;
	v15 =	vmax.f32 v4, $0.0e+00;
	v22 =	vtrunc.f32 v6;
	v7 =	vadd.f32 v7, v8  }
0xb3: {  	s31 =	sor.u32 $0x30, s1;
	v4 =	vmul.f32 v18, v0;
	v18 =	vld.idx.msk [tilespmem:v21+s30+$0x0], $0xffff;
	v15 =	vmin.f32 v15, $1.000000000e+00;
	v22 =	vcvt.f32.s32 v22  }
0xb4: {  	v8 =	vld.idx.msk [tilespmem:v2+s31+$0x0 ss:$0x1], $0xffff;
	v28 =	vmul.f32 v11, v0;
	v11 =	vcvt.s32.f32 v21;
	[tilespmem:v1+s0+$0x0 ss:$0x1] =	vst.idx.msk $0xffff, v15;
	s0 =	sor.u32 $0x50, s1;
	v7 =	vmax.f32 v7, $0.0e+00  }
0xb5: {  	v14 =	vmul.f32 v14, v19;
	v26 =	vtrunc.f32 v4;
	v27 =	vld.idx.msk [tilespmem:v2+s0+$0x0 ss:$0x1], $0xffff;
	v7 =	vmin.f32 v7, $1.000000000e+00  }
0xb6: {  	v15 =	vcvt.s32.f32 v10;
	v21 =	vcvt.f32.s32 v26;
	[tilespmem:v1+s2+$0x0 ss:$0x1] =	vst.idx.msk $0xffff, v7;
	v7 =	vld.idx.msk [tilespmem:v10+s30+$0x0], $0xffff  }
0xb7: {  	v20 =	vtrunc.f32 v28;
	v11 =	vsub.f32 v12, v11;
	v14 =	vadd.f32 v14, v25;
	s2 =	sor.u32 $0x70, s8;
	v10 =	vld.idx.msk [tilespmem:v10+s6+$0x0], $0xffff  }
0xb8: {  	v9 =	vtrunc.f32 v23;
	s4 =	sor.u32 $0x20, s13;
	v20 =	vcvt.f32.s32 v20;
	v26 =	vld.idx.msk [tilespmem:v2+s2+$0x0 ss:$0x1], $0xffff  }
0xb9: {  	v5 =	vmul.f32 v11, v5;
	v11 =	vmul.f32 v8, v0;
	v8 =	vmax.f32 v14, $0.0e+00;
	v14 =	vld.idx.msk [tilespmem:v2+s4+$0x0 ss:$0x1], $0xffff  }
0xba: {  	v9 =	vcvt.f32.s32 v9;
	v29 =	vld.idx.msk [tilespmem:v22+s6+$0x0], $0xffff  }
0xbb: {  	v24 =	vmul.f32 v24, v0;
	v17 =	vadd.f32 v3, v17;
	s18 =	sor.u32 $0x60, s13;
	v19 =	vld.idx.msk [tilespmem:v22+s30+$0x0], $0xffff;
	v8 =	vmin.f32 v8, $1.000000000e+00  }
0xbc: {  	v16 =	vmul.f32 v16, v0;
	v22 =	vcvt.s32.f32 v22;
	[tilespmem:v1+s16+$0x0 ss:$0x1] =	vst.idx.msk $0xffff, v8;
	v8 =	vld.idx.msk [tilespmem:v2+s18+$0x0 ss:$0x1], $0xffff  }
0xbd: {  	s11 =	sor.u32 $0x30, s8;
	v12 =	vtrunc.f32 v24;
	v13 =	vsub.f32 v13, v15;
	v3 =	vtrunc.f32 v11;
	v25 =	vld.idx.msk [tilespmem:v21+s6+$0x0], $0xffff  }
0xbe: {  	v15 =	vmul.f32 v27, v0;
	v6 =	vsub.f32 v6, v22;
	v33 =	vcvt.f32.s32 v3;
	v22 =	vld.idx.msk [tilespmem:v2+s11+$0x0 ss:$0x1], $0xffff  }
0xbf: {  	v17 =	vmax.f32 v17, $0.0e+00;
	v12 =	vcvt.f32.s32 v12;
	v32 =	vld.idx.msk [tilespmem:v20+s6+$0x0], $0xffff;
	v10 =	vmul.f32 v13, v10  }
0xc0: {  	v18 =	vadd.f32 v5, v18;
	v5 =	vcvt.s32.f32 v9;
	v31 =	vtrunc.f32 v15;
	v13 =	vld.idx.msk [tilespmem:v9+s6+$0x0], $0xffff  }
0xc1: {  	v9 =	vld.idx.msk [tilespmem:v9+s30+$0x0], $0xffff;
	v31 =	vcvt.f32.s32 v31;
	v6 =	vmul.f32 v6, v29;
	v7 =	vadd.f32 v10, v7  }
0xc2: {  	v5 =	vsub.f32 v23, v5;
	v23 =	vmul.f32 v30, v0;
	v3 =	vmul.f32 v26, v0;
	v26 =	vld.idx.msk [tilespmem:v21+s30+$0x0], $0xffff  }
0xc3: {  	v27 =	vcvt.s32.f32 v12;
	v6 =	vadd.f32 v6, v19;
	v19 =	vld.idx.msk [tilespmem:v20+s30+$0x0], $0xffff;
	v7 =	vmax.f32 v7, $0.0e+00  }
0xc4: {  	v34 =	vmul.f32 v14, v0;
	v37 =	vtrunc.f32 v23;
	v29 =	vmin.f32 v7, $1.000000000e+00;
	v7 =	vld.idx.msk [tilespmem:v33+s6+$0x0], $0xffff  }
0xc5: {  	v55 =	vcvt.f32.s32 v37;
	v5 =	vmul.f32 v5, v13;
	v13 =	vmin.f32 v17, $1.000000000e+00;
	v17 =	vld.idx.msk [tilespmem:v12+s30+$0x0], $0xffff  }
0xc6: {  	v24 =	vsub.f32 v24, v27;
	v10 =	vtrunc.f32 v3;
	v20 =	vcvt.s32.f32 v20;
	v12 =	vld.idx.msk [tilespmem:v12+s6+$0x0], $0xffff  }
0xc7: {  	s7 =	sor.u32 $0x50, s8;
	v41 =	vmax.f32 v18, $0.0e+00;
	v30 =	vmul.f32 v8, v0;
	v8 =	vtrunc.f32 v16;
	[tilespmem:v1+s3+$0x0 ss:$0x1] =	vst.idx.msk $0xffff, v29;
	v27 =	vld.idx.msk [tilespmem:v31+s6+$0x0], $0xffff  }
0xc8: {  	v36 =	vtrunc.f32 v34;
	v8 =	vcvt.f32.s32 v8;
	v14 =	vsub.f32 v28, v20;
	v28 =	vld.idx.msk [tilespmem:v2+s7+$0x0 ss:$0x1], $0xffff  }
0xc9: {  	s28 =	simm.s32 $0x200;
	s29 =	simm.s32 $0x1000;
	s24 =	simm.s32 $0x80;
	v57 =	vcvt.f32.s32 v10;
	v20 =	vcvt.s32.f32 v21;
	v6 =	vmax.f32 v6, $0.0e+00;
	v29 =	vld.idx.msk [tilespmem:v31+s30+$0x0], $0xffff  }
0xca: {  	s19 =	sand.u32 $0xC00, s29;
	s14 =	sor.u32 $0x10, s1;
	s16 =	sand.u32 $0x3000, s28;
	v21 =	vtrunc.f32 v30;
	[tilespmem:v1+s1+$0x0 ss:$0x1] =	vst.idx.msk $0xffff, v13;
	v13 =	vcvt.s32.f32 v8;
	v35 =	vmin.f32 v6, $1.000000000e+00;
	v6 =	vld.idx.msk [tilespmem:v33+s30+$0x0], $0xffff  }
0xcb: {  	s20 =	sand.u32 $0x380, s24;
	s1 =	sor.u32 s16, s19;
	v21 =	vcvt.f32.s32 v21;
	v31 =	vcvt.s32.f32 v31;
	v9 =	vadd.f32 v5, v9;
	v56 =	vld.idx.msk [tilespmem:v2+s14+$0x0 ss:$0x1], $0xffff;
	[tilespmem:v1+s5+$0x0 ss:$0x1] =	vst.idx.msk $0xffff, v35  }
0xcc: {  	s9 =	sor.u32 $0x70, s12;
	s3 =	sor.u32 s20, s1;
	v14 =	vmul.f32 v14, v32;
	v5 =	vsub.f32 v16, v13;
	v20 =	vsub.f32 v4, v20;
	v39 =	vld.idx.msk [tilespmem:v55+s6+$0x0], $0xffff  }
0xcd: {  	v16 =	vcvt.f32.s32 v36;
	v13 =	vcvt.s32.f32 v55;
	s20 =	sor.u32 $0x60, s3;
	v15 =	vsub.f32 v15, v31;
	v10 =	vld.idx.msk [tilespmem:v2+s9+$0x0 ss:$0x1], $0xffff  }
0xce: {  	v4 =	vmul.f32 v22, v0;
	v59 =	vld.idx.msk [tilespmem:v2+s20+$0x0 ss:$0x1], $0xffff;
	v19 =	vadd.f32 v14, v19;
	v20 =	vmul.f32 v20, v25  }
0xcf: {  	s1 =	sor.u32 $0x40, s3;
	v58 =	vsub.f32 v23, v13;
	v23 =	vld.idx.msk [tilespmem:v2+s3+$0x0 ss:$0x1], $0xffff;
	v24 =	vmul.f32 v24, v12;
	v15 =	vmul.f32 v15, v27  }
0xd0: {  	v25 =	vld.idx.msk [tilespmem:v2+s1+$0x0 ss:$0x1], $0xffff;
	v14 =	vmul.f32 v28, v0;
	v13 =	vmax.f32 v19, $0.0e+00;
	v19 =	vcvt.s32.f32 v21  }
0xd1: {  	v37 =	vmul.f32 v56, v0;
	v28 =	vtrunc.f32 v4;
	v20 =	vadd.f32 v20, v26;
	v27 =	vld.idx.msk [tilespmem:v21+s6+$0x0], $0xffff  }
0xd2: {  	v18 =	vld.idx.msk [tilespmem:v21+s30+$0x0], $0xffff;
	v21 =	vmin.f32 v13, $1.000000000e+00;
	v22 =	vtrunc.f32 v14;
	v19 =	vsub.f32 v30, v19  }
0xd3: {  	s5 =	sor.u32 $0x20, s3;
	v13 =	vld.idx.msk [tilespmem:v57+s6+$0x0], $0xffff;
	v15 =	vadd.f32 v15, v29;
	v10 =	vmul.f32 v10, v0;
	v30 =	vtrunc.f32 v37  }
0xd4: {  	v29 =	vld.idx.msk [tilespmem:v2+s5+$0x0 ss:$0x1], $0xffff;
	v12 =	vmax.f32 v20, $0.0e+00;
	v42 =	vcvt.f32.s32 v22;
	v40 =	vcvt.f32.s32 v30  }
0xd5: {  	[tilespmem:v1+s10+$0x0 ss:$0x1] =	vst.idx.msk $0xffff, v21;
	s10 =	sor.u32 $0x30, s12;
	v22 =	vld.idx.msk [tilespmem:v16+s6+$0x0], $0xffff;
	v43 =	vmin.f32 v12, $1.000000000e+00;
	v30 =	vcvt.s32.f32 v16;
	v12 =	vcvt.f32.s32 v28  }
0xd6: {  	v21 =	vld.idx.msk [tilespmem:v2+s10+$0x0 ss:$0x1], $0xffff;
	v27 =	vmul.f32 v19, v27;
	v19 =	vmax.f32 v15, $0.0e+00;
	v15 =	vcvt.s32.f32 v33  }
0xd7: {  	v20 =	vmul.f32 v23, v0;
	v23 =	vadd.f32 v24, v17;
	v60 =	vmul.f32 v25, v0;
	v17 =	vld.idx.msk [tilespmem:v57+s30+$0x0], $0xffff  }
0xd8: {  	v25 =	vcvt.s32.f32 v40;
	v18 =	vadd.f32 v27, v18;
	v27 =	vld.idx.msk [tilespmem:v55+s30+$0x0], $0xffff;
	v24 =	vsub.f32 v11, v15  }
0xd9: {  	v11 =	vmul.f32 v29, v0;
	v29 =	vld.idx.msk [tilespmem:v16+s30+$0x0], $0xffff;
	v15 =	vmax.f32 v23, $0.0e+00;
	v16 =	vtrunc.f32 v60  }
0xda: {  	[tilespmem:v1+s26+$0x0 ss:$0x1] =	vst.idx.msk $0xffff, v43;
	v31 =	vld.idx.msk [tilespmem:v42+s6+$0x0], $0xffff;
	v61 =	vmax.f32 v18, $0.0e+00;
	v18 =	vcvt.f32.s32 v16;
	v16 =	vmin.f32 v15, $1.000000000e+00  }
0xdb: {  	s16 =	simm.s32 $0x1;
	v32 =	vcvt.s32.f32 v57;
	v62 =	vmul.f32 v58, v39;
	v28 =	vld.idx.msk [tilespmem:v40+s30+$0x0], $0xffff;
	[tilespmem:v1+s22+$0x0 ss:$0x1] =	vst.idx.msk $0xffff, v16  }
0xdc: {  	s19 =	simm.s32 $0x1;
	s16 =	simm.s32 @!p3 $0x0;
	v26 =	vtrunc.f32 v10;
	v38 =	vcvt.s32.f32 v42;
	v36 =	vsub.f32 v37, v25;
	v37 =	vld.idx.msk [tilespmem:v40+s6+$0x0], $0xffff;
	s26 =	rddreg [dreg:$0xf]  }
0xdd: {  	s19 =	simm.s32 @!p4 $0x0;
	v23 =	vmul.f32 v59, v0;
	v40 =	vtrunc.f32 v20;
	v15 =	vld.idx.msk [tilespmem:v12+s6+$0x0], $0xffff;
	s22 =	sor.u32 $0x50, s12;
	s26 =	sadd.s32 s16, s26  }
0xde: {  	v30 =	vsub.f32 v34, v30;
	v39 =	vtrunc.f32 v11;
	v16 =	vcvt.s32.f32 v18;
	v34 =	vld.idx.msk [tilespmem:v2+s22+$0x0 ss:$0x1], $0xffff;
	[dreg:$0xf] =	wrdreg s26;
	s26 =	sadd.s32 s19, s21  }
0xdf: {  	v63 =	vtrunc.f32 v23;
	v44 =	vmin.f32 v61, $1.000000000e+00;
	v25 =	vadd.f32 v62, v27;
	[dreg:$0xd] =	wrdreg s26  }
0xe0: {  	v33 =	vcvt.f32.s32 v63;
	v27 =	vmin.f32 v41, $1.000000000e+00;
	v16 =	vsub.f32 v60, v16;
	[tilespmem:v1+s18+$0x0 ss:$0x1] =	vst.idx.msk $0xffff, v44;
	v35 =	vld.idx.msk [tilespmem:v42+s30+$0x0], $0xffff  }
.LBB2_3:
0xe1: {  	s28 =	sadd.s32 $0x80, s28;
	v40 =	vcvt.f32.s32 v40;
	v39 =	vcvt.f32.s32 v39;
	s29 =	sadd.s32 $0x400, s29;
	v41 =	vld.idx.msk [tilespmem:v8+s30+$0x0], $0xffff;
	[tilespmem:v1+s8+$0x0 ss:$0x1] =	vst.idx.msk $0xffff, v27;
	s18 =	sor.u32 $0x10, s8;
	v14 =	vsub.f32 v14, v38  }
0xe2: {  	s24 =	sadd.s32 $0x20, s24;
	v22 =	vmul.f32 v30, v22;
	v38 =	vcvt.f32.s32 v26;
	v30 =	vmin.f32 v19, $1.000000000e+00;
	s8 =	sand.u32 $0x3000, s28;
	s16 =	sand.u32 $0xC00, s29;
	v26 =	vld.idx.msk [tilespmem:v12+s30+$0x0], $0xffff  }
0xe3: {  	s19 =	sor.u32 $0x70, s13;
	v32 =	vsub.f32 v3, v32;
	v3 =	vmovc v10;
	s8 =	sor.u32 s8, s16;
	s16 =	sand.u32 $0x380, s24;
	v19 =	vcvt.s32.f32 v40;
	v42 =	vld.idx.msk [tilespmem:v2+s18+$0x0 ss:$0x1], $0xffff;
	v31 =	vmul.f32 v14, v31  }
0xe4: {  	v27 =	vmax.f32 v9, $0.0e+00;
	v9 =	vmovc v25;
	p3 =	slt.u32 s28, $0x3F80;
	v10 =	vadd.f32 v22, v29;
	v29 =	vmul.f32 v36, v37;
	s16 =	sor.u32 s16, s8;
	v22 =	vld.idx.msk [tilespmem:v2+s19+$0x0 ss:$0x1], $0xffff;
	s8 =	smov.u32 s12  }
0xe5: {  	v36 =	vmul.f32 v21, v0;
	s12 =	smov.u32 s13;
	s13 =	smov.u32 s3;
	s21 =	sor.u32 $0x20, s16;
	v25 =	vsub.f32 v20, v19;
	v20 =	vld.idx.msk [tilespmem:v8+s6+$0x0], $0xffff;
	v19 =	vmul.f32 v24, v7  }
0xe6: {  	v14 =	vmul.f32 v34, v0;
	s26 =	sor.u32 $0x40, s16;
	v37 =	vmax.f32 v10, $0.0e+00;
	v24 =	vadd.f32 v29, v28;
	v8 =	vmovc v18;
	s3 =	smov.u32 s16;
	v21 =	vld.idx.msk [tilespmem:v33+s6+$0x0], $0xffff  }
0xe7: {  	v13 =	vmul.f32 v32, v13;
	v28 =	vadd.f32 v31, v35;
	v7 =	vmovc v15;
	s16 =	sor.u32 $0x60, s3;
	v10 =	vmin.f32 v37, $1.000000000e+00;
	v18 =	vld.idx.msk [tilespmem:v33+s30+$0x0], $0xffff  }
0xe8: {  	v29 =	vcvt.s32.f32 v33;
	v31 =	vadd.f32 v19, v6;
	v15 =	vld.idx.msk [tilespmem:v2+s3+$0x0 ss:$0x1], $0xffff;
	[tilespmem:v1+s4+$0x0 ss:$0x1] =	vst.idx.msk $0xffff, v10;
	v10 =	vtrunc.f32 v14;
	s4 =	smov.u32 s5;
	s5 =	smov.u32 s21  }
0xe9: {  	v17 =	vadd.f32 v13, v17;
	v19 =	vmax.f32 v28, $0.0e+00;
	v6 =	vmovc v26;
	v33 =	vmul.f32 v42, v0;
	v32 =	vld.idx.msk [tilespmem:v2+s26+$0x0 ss:$0x1], $0xffff  }
0xea: {  	v23 =	vsub.f32 v23, v29;
	v28 =	vtrunc.f32 v36;
	v35 =	vcvt.f32.s32 v10;
	v13 =	vld.idx.msk [tilespmem:v38+s6+$0x0], $0xffff;
	[tilespmem:v1+s0+$0x0 ss:$0x1] =	vst.idx.msk $0xffff, v30;
	s0 =	smov.u32 s7;
	s7 =	smov.u32 s22  }
0xeb: {  	v34 =	vmax.f32 v24, $0.0e+00;
	v10 =	vmul.f32 v22, v0;
	v30 =	vtrunc.f32 v33;
	v29 =	vld.idx.msk [tilespmem:v2+s5+$0x0 ss:$0x1], $0xffff  }
0xec: {  	v21 =	vmul.f32 v23, v21;
	v23 =	vcvt.s32.f32 v12;
	v12 =	vmax.f32 v17, $0.0e+00;
	v22 =	vld.idx.msk [tilespmem:v39+s6+$0x0], $0xffff  }
0xed: {  	v17 =	vmul.f32 v5, v20;
	v26 =	vtrunc.f32 v10;
	v5 =	vmovc v16;
	v24 =	vmin.f32 v12, $1.000000000e+00;
	v37 =	vld.idx.msk [tilespmem:v2+s16+$0x0 ss:$0x1], $0xffff  }
0xee: {  	s21 =	sor.u32 $0x30, s12;
	v42 =	vcvt.f32.s32 v30;
	v20 =	vmul.f32 v15, v0;
	v16 =	vadd.f32 v21, v18;
	v15 =	vld.idx.msk [tilespmem:v40+s6+$0x0], $0xffff  }
0xef: {  	v12 =	vcvt.f32.s32 v28;
	v18 =	vcvt.s32.f32 v39;
	v41 =	vadd.f32 v17, v41;
	v21 =	vld.idx.msk [tilespmem:v2+s21+$0x0 ss:$0x1], $0xffff;
	[tilespmem:v1+s2+$0x0 ss:$0x1] =	vst.idx.msk $0xffff, v24;
	s2 =	smov.u32 s9;
	s9 =	smov.u32 s19  }
0xf0: {  	v28 =	vmax.f32 v31, $0.0e+00;
	v24 =	vsub.f32 v4, v23;
	v23 =	vmin.f32 v34, $1.000000000e+00;
	v4 =	vmovc v36;
	v43 =	vld.idx.msk [tilespmem:v40+s30+$0x0], $0xffff  }
0xf1: {  	v44 =	vmul.f32 v32, v0;
	v30 =	vsub.f32 v11, v18;
	v34 =	vcvt.s32.f32 v42;
	v17 =	vld.idx.msk [tilespmem:v38+s30+$0x0], $0xffff  }
0xf2: {  	v36 =	vmax.f32 v41, $0.0e+00;
	v18 =	vmin.f32 v28, $1.000000000e+00;
	v11 =	vmul.f32 v29, v0;
	v29 =	vld.idx.msk [tilespmem:v39+s30+$0x0], $0xffff;
	[tilespmem:v1+s14+$0x0 ss:$0x1] =	vst.idx.msk $0xffff, v23;
	s14 =	smov.u32 s18  }
0xf3: {  	v32 =	vcvt.s32.f32 v38;
	v16 =	vmax.f32 v16, $0.0e+00;
	v23 =	vtrunc.f32 v44;
	v31 =	vld.idx.msk [tilespmem:v35+s6+$0x0], $0xffff;
	[tilespmem:v1+s31+$0x0 ss:$0x1] =	vst.idx.msk $0xffff, v18;
	s31 =	smov.u32 s11;
	s11 =	smov.u32 s10;
	s10 =	smov.u32 s21  }
.Ltmp0:
0xf4: {  	v36 =	vmin.f32 v36, $1.000000000e+00;
	v38 =	vcvt.s32.f32 v35;
	v18 =	vcvt.f32.s32 v23;
	v28 =	vld.idx.msk [tilespmem:v42+s30+$0x0], $0xffff;
	(pc) =	sbr.rel @p3 .LBB2_3-.Ltmp0, $4  }
0xf5: {  	v16 =	vmin.f32 v16, $1.000000000e+00;
	v23 =	vmul.f32 v37, v0;
	v25 =	vmul.f32 v25, v15;
	v15 =	vld.idx.msk [tilespmem:v12+s6+$0x0], $0xffff  }
0xf6: {  	s22 =	sor.u32 $0x50, s12;
	v39 =	vtrunc.f32 v11;
	v41 =	vcvt.s32.f32 v18;
	[tilespmem:v1+s15+$0x0 ss:$0x1] =	vst.idx.msk $0xffff, v36;
	v36 =	vsub.f32 v33, v34;
	v37 =	vld.idx.msk [tilespmem:v42+s6+$0x0], $0xffff;
	s15 =	smov.u32 s1;
	s1 =	smov.u32 s26  }
0xf7: {  	v40 =	vtrunc.f32 v20;
	v25 =	vadd.f32 v25, v43;
	v33 =	vtrunc.f32 v23;
	[tilespmem:v1+s20+$0x0 ss:$0x1] =	vst.idx.msk $0xffff, v16;
	v34 =	vld.idx.msk [tilespmem:v2+s22+$0x0 ss:$0x1], $0xffff;
	s20 =	smov.u32 s16  }
0xf8: {  	v27 =	vmin.f32 v27, $1.000000000e+00;
	v16 =	vsub.f32 v44, v41;
	v33 =	vcvt.f32.s32 v33;
	v35 =	vld.idx.msk [tilespmem:v35+s30+$0x0], $0xffff  }
0xf9: {  	_ = 	snop  }
0xfa: {  	v40 =	vcvt.f32.s32 v40  }
0xfb: {  	v39 =	vcvt.f32.s32 v39;
	v38 =	vsub.f32 v14, v38;
	v22 =	vmul.f32 v30, v22  }
0xfc: {  	v26 =	vcvt.f32.s32 v26;
	v14 =	vmin.f32 v19, $1.000000000e+00;
	v3 =	vsub.f32 v3, v32  }
0xfd: {  	v59 =	vld.idx.msk [tilespmem:v8+s30+$0x0], $0xffff;
	v9 =	vmax.f32 v9, $0.0e+00;
	v7 =	vmul.f32 v24, v7;
	v51 =	vcvt.s32.f32 v12  }
0xfe: {  	v62 =	vld.idx.msk [tilespmem:v8+s6+$0x0], $0xffff;
	v25 =	vmax.f32 v25, $0.0e+00;
	v41 =	vcvt.s32.f32 v33;
	v9 =	vmin.f32 v9, $1.000000000e+00  }
0xff: {  	[tilespmem:v1+s8+$0x0 ss:$0x1] =	vst.idx.msk $0xffff, v27;
	s24 =	sor.u32 $0x10, s8;
	v30 =	vld.idx.msk [tilespmem:v12+s30+$0x0], $0xffff;
	v25 =	vmin.f32 v25, $1.000000000e+00;
	v57 =	vcvt.s32.f32 v40;
	v58 =	vmul.f32 v38, v31  }
0x100: {  	s8 =	sor.u32 $0x70, s13;
	v27 =	vld.idx.msk [tilespmem:v2+s24+$0x0 ss:$0x1], $0xffff;
	v22 =	vadd.f32 v22, v29;
	v60 =	vmul.f32 v36, v37;
	v3 =	vmul.f32 v3, v13  }
0x101: {  	v61 =	vld.idx.msk [tilespmem:v2+s8+$0x0 ss:$0x1], $0xffff;
	v6 =	vadd.f32 v7, v6;
	v55 =	vcvt.s32.f32 v39;
	v4 =	vsub.f32 v4, v51  }
0x102: {  	v42 =	vld.idx.msk [tilespmem:v33+s30+$0x0], $0xffff;
	v13 =	vsub.f32 v23, v41;
	v19 =	vsub.f32 v20, v57;
	v20 =	vmul.f32 v21, v0  }
0x103: {  	v37 =	vld.idx.msk [tilespmem:v33+s6+$0x0], $0xffff;
	v63 =	vmax.f32 v22, $0.0e+00;
	v22 =	vmul.f32 v34, v0;
	v36 =	vadd.f32 v60, v28  }
0x104: {  	s21 =	sor.u32 $0x10, s13;
	[tilespmem:v1+s13+$0x0 ss:$0x1] =	vst.idx.msk $0xffff, v25;
	v38 =	vadd.f32 v58, v35;
	v17 =	vadd.f32 v3, v17;
	v6 =	vmax.f32 v6, $0.0e+00  }
0x105: {  	v51 =	vld.idx.msk [tilespmem:v2+s21+$0x0 ss:$0x1], $0xffff;
	v11 =	vsub.f32 v11, v55;
	v4 =	vmul.f32 v4, v15;
	v21 =	vmin.f32 v63, $1.000000000e+00  }
0x106: {  	v5 =	vmul.f32 v5, v62;
	v6 =	vmin.f32 v6, $1.000000000e+00;
	v62 =	vcvt.s32.f32 v26;
	v63 =	vld.idx.msk [tilespmem:v18+s6+$0x0], $0xffff  }
0x107: {  	v34 =	vtrunc.f32 v22;
	v27 =	vmul.f32 v27, v0;
	v43 =	vmax.f32 v38, $0.0e+00;
	v46 =	vld.idx.msk [tilespmem:v26+s6+$0x0], $0xffff  }
0x108: {  	v44 =	vtrunc.f32 v20;
	v48 =	vld.idx.msk [tilespmem:v39+s6+$0x0], $0xffff;
	v3 =	vmul.f32 v61, v0;
	v24 =	vmax.f32 v36, $0.0e+00  }
0x109: {  	v50 =	vld.idx.msk [tilespmem:v40+s6+$0x0], $0xffff;
	v17 =	vmax.f32 v17, $0.0e+00;
	v4 =	vadd.f32 v4, v30;
	v45 =	vcvt.f32.s32 v34  }
0x10a: {  	v54 =	vld.idx.msk [tilespmem:v40+s30+$0x0], $0xffff;
	v13 =	vmul.f32 v13, v37;
	v5 =	vadd.f32 v5, v59;
	v17 =	vmin.f32 v17, $1.000000000e+00  }
0x10b: {  	v56 =	vld.idx.msk [tilespmem:v39+s30+$0x0], $0xffff;
	v29 =	vcvt.f32.s32 v44;
	v12 =	vmin.f32 v24, $1.000000000e+00;
	v7 =	vmin.f32 v43, $1.000000000e+00  }
0x10c: {  	s19 =	sor.u32 $0x10, s12;
	[tilespmem:v1+s12+$0x0 ss:$0x1] =	vst.idx.msk $0xffff, v9;
	v40 =	vld.idx.msk [tilespmem:v26+s30+$0x0], $0xffff;
	v10 =	vsub.f32 v10, v62;
	v47 =	vtrunc.f32 v27;
	v53 =	vtrunc.f32 v3  }
0x10d: {  	v34 =	vld.idx.msk [tilespmem:v2+s19+$0x0 ss:$0x1], $0xffff;
	v4 =	vmax.f32 v4, $0.0e+00;
	v49 =	vcvt.f32.s32 v47;
	v5 =	vmax.f32 v5, $0.0e+00  }
0x10e: {  	[tilespmem:v1+s4+$0x0 ss:$0x1] =	vst.idx.msk $0xffff, v21;
	s4 =	sor.u32 $0x30, s13;
	v37 =	vld.idx.msk [tilespmem:v18+s30+$0x0], $0xffff;
	v13 =	vadd.f32 v13, v42;
	v60 =	vcvt.s32.f32 v45;
	v5 =	vmin.f32 v5, $1.000000000e+00  }
0x10f: {  	s16 =	sor.u32 $0x50, s13;
	v52 =	vld.idx.msk [tilespmem:v2+s4+$0x0 ss:$0x1], $0xffff;
	v31 =	vcvt.f32.s32 v53;
	v55 =	vcvt.s32.f32 v29;
	v4 =	vmin.f32 v4, $1.000000000e+00;
	[tilespmem:v1+s15+$0x0 ss:$0x1] =	vst.idx.msk $0xffff, v5  }
0x110: {  	v9 =	vmul.f32 v16, v63;
	v58 =	vcvt.s32.f32 v49;
	v13 =	vmax.f32 v13, $0.0e+00;
	v61 =	vld.idx.msk [tilespmem:v2+s16+$0x0 ss:$0x1], $0xffff  }
0x111: {  	v19 =	vmul.f32 v19, v50;
	v22 =	vsub.f32 v22, v60;
	v11 =	vmul.f32 v11, v48;
	v57 =	vld.idx.msk [tilespmem:v45+s6+$0x0], $0xffff  }
0x112: {  	v10 =	vmul.f32 v10, v46;
	v20 =	vsub.f32 v20, v55;
	v13 =	vmin.f32 v13, $1.000000000e+00;
	v21 =	vld.idx.msk [tilespmem:v45+s30+$0x0], $0xffff  }
0x113: {  	s18 =	sor.u32 $0x70, s3;
	v42 =	vmul.f32 v34, v0;
	v9 =	vadd.f32 v9, v37;
	[tilespmem:v1+s20+$0x0 ss:$0x1] =	vst.idx.msk $0xffff, v13;
	v45 =	vld.idx.msk [tilespmem:v29+s6+$0x0], $0xffff  }
0x114: {  	v26 =	vmul.f32 v52, v0;
	v27 =	vsub.f32 v27, v58;
	v19 =	vadd.f32 v19, v54;
	v43 =	vld.idx.msk [tilespmem:v2+s18+$0x0 ss:$0x1], $0xffff  }
0x115: {  	v11 =	vadd.f32 v11, v56;
	v47 =	vld.idx.msk [tilespmem:v29+s30+$0x0], $0xffff;
	v10 =	vadd.f32 v10, v40;
	v46 =	vtrunc.f32 v42  }
0x116: {  	v9 =	vmax.f32 v9, $0.0e+00;
	v52 =	vtrunc.f32 v26;
	v59 =	vld.idx.msk [tilespmem:v49+s6+$0x0], $0xffff;
	v41 =	vmul.f32 v61, v0  }
0x117: {  	v11 =	vmax.f32 v11, $0.0e+00;
	v48 =	vmin.f32 v9, $1.000000000e+00;
	v54 =	vld.idx.msk [tilespmem:v31+s6+$0x0], $0xffff;
	v61 =	vcvt.s32.f32 v31  }
0x118: {  	s26 =	sor.u32 $0x50, s3;
	v8 =	vld.idx.msk [tilespmem:v49+s30+$0x0], $0xffff;
	v19 =	vmax.f32 v19, $0.0e+00;
	[tilespmem:v1+s1+$0x0 ss:$0x1] =	vst.idx.msk $0xffff, v48;
	v22 =	vmul.f32 v22, v57;
	v44 =	vtrunc.f32 v41  }
0x119: {  	v19 =	vmin.f32 v19, $1.000000000e+00;
	v53 =	vld.idx.msk [tilespmem:v2+s26+$0x0 ss:$0x1], $0xffff;
	v15 =	vmul.f32 v43, v0;
	v16 =	vcvt.f32.s32 v44  }
0x11a: {  	s28 =	sor.u32 $0x10, s3;
	[tilespmem:v1+s3+$0x0 ss:$0x1] =	vst.idx.msk $0xffff, v19;
	v3 =	vsub.f32 v3, v61;
	v21 =	vadd.f32 v22, v21;
	v22 =	vcvt.f32.s32 v46  }
0x11b: {  	v49 =	vmin.f32 v11, $1.000000000e+00;
	v19 =	vld.idx.msk [tilespmem:v2+s28+$0x0 ss:$0x1], $0xffff;
	v18 =	vmul.f32 v20, v45;
	v5 =	vmul.f32 v27, v59  }
0x11c: {  	s29 =	sor.u32 $0x30, s3;
	v10 =	vmax.f32 v10, $0.0e+00;
	v33 =	vld.idx.msk [tilespmem:v31+s30+$0x0], $0xffff;
	[tilespmem:v1+s5+$0x0 ss:$0x1] =	vst.idx.msk $0xffff, v49;
	v56 =	vtrunc.f32 v15;
	v3 =	vmul.f32 v3, v54  }
0x11d: {  	v2 =	vld.idx.msk [tilespmem:v2+s29+$0x0 ss:$0x1], $0xffff;
	v50 =	vmax.f32 v21, $0.0e+00;
	v21 =	vcvt.f32.s32 v52;
	v58 =	vcvt.s32.f32 v22  }
0x11e: {  	[tilespmem:v1+s0+$0x0 ss:$0x1] =	vst.idx.msk $0xffff, v14;
	v5 =	vadd.f32 v5, v8;
	v60 =	vcvt.s32.f32 v16;
	v8 =	vmul.f32 v51, v0  }
0x11f: {  	[tilespmem:v1+s31+$0x0 ss:$0x1] =	vst.idx.msk $0xffff, v6;
	v10 =	vmin.f32 v10, $1.000000000e+00;
	v24 =	vmul.f32 v53, v0;
	v14 =	vcvt.f32.s32 v56;
	v57 =	vld.idx.msk [tilespmem:v16+s6+$0x0], $0xffff  }
0x120: {  	v18 =	vadd.f32 v18, v47;
	v34 =	vmul.f32 v19, v0;
	v63 =	vtrunc.f32 v8;
	v59 =	vld.idx.msk [tilespmem:v22+s6+$0x0], $0xffff  }
0x121: {  	[tilespmem:v1+s2+$0x0 ss:$0x1] =	vst.idx.msk $0xffff, v17;
	v11 =	vmin.f32 v50, $1.000000000e+00;
	v32 =	vtrunc.f32 v24;
	v62 =	vld.idx.msk [tilespmem:v22+s30+$0x0], $0xffff;
	v22 =	vcvt.f32.s32 v63  }
0x122: {  	v2 =	vmul.f32 v2, v0;
	v3 =	vadd.f32 v3, v33;
	v28 =	vld.idx.msk [tilespmem:v16+s30+$0x0], $0xffff;
	v16 =	vcvt.f32.s32 v32  }
0x123: {  	[tilespmem:v1+s14+$0x0 ss:$0x1] =	vst.idx.msk $0xffff, v12;
	v50 =	vmax.f32 v18, $0.0e+00;
	v5 =	vmax.f32 v5, $0.0e+00;
	v37 =	vtrunc.f32 v34;
	v35 =	vld.idx.msk [tilespmem:v21+s6+$0x0], $0xffff  }
0x124: {  	[tilespmem:v1+s7+$0x0 ss:$0x1] =	vst.idx.msk $0xffff, v7;
	v9 =	vsub.f32 v41, v60;
	v38 =	vtrunc.f32 v2;
	v12 =	vcvt.f32.s32 v37;
	v36 =	vld.idx.msk [tilespmem:v21+s30+$0x0], $0xffff  }
0x125: {  	[tilespmem:v1+s11+$0x0 ss:$0x1] =	vst.idx.msk $0xffff, v4;
	v27 =	vsub.f32 v42, v58;
	v45 =	vcvt.s32.f32 v21;
	v40 =	vcvt.f32.s32 v38;
	v39 =	vld.idx.msk [tilespmem:v14+s6+$0x0], $0xffff  }
0x126: {  	[tilespmem:v1+s9+$0x0 ss:$0x1] =	vst.idx.msk $0xffff, v10;
	v46 =	vcvt.s32.f32 v14;
	v5 =	vmin.f32 v5, $1.000000000e+00;
	v3 =	vmax.f32 v3, $0.0e+00;
	v47 =	vld.idx.msk [tilespmem:v14+s30+$0x0], $0xffff  }
0x127: {  	[tilespmem:v1+s22+$0x0 ss:$0x1] =	vst.idx.msk $0xffff, v11;
	v3 =	vmin.f32 v3, $1.000000000e+00;
	v4 =	vsub.f32 v26, v45;
	v43 =	vcvt.s32.f32 v22;
	v41 =	vld.idx.msk [tilespmem:v22+s6+$0x0], $0xffff  }
0x128: {  	v15 =	vsub.f32 v15, v46;
	[tilespmem:v1+s8+$0x0 ss:$0x1] =	vst.idx.msk $0xffff, v3;
	v48 =	vcvt.s32.f32 v16;
	v53 =	vcvt.s32.f32 v12;
	v44 =	vld.idx.msk [tilespmem:v16+s6+$0x0], $0xffff  }
0x129: {  	v3 =	vmin.f32 v50, $1.000000000e+00;
	v9 =	vmul.f32 v9, v57;
	v6 =	vmul.f32 v27, v59;
	v22 =	vld.idx.msk [tilespmem:v22+s30+$0x0], $0xffff  }
0x12a: {  	v54 =	vcvt.s32.f32 v40;
	v8 =	vsub.f32 v8, v43;
	v14 =	vsub.f32 v24, v48;
	v51 =	vld.idx.msk [tilespmem:v12+s6+$0x0], $0xffff  }
0x12b: {  	v52 =	vld.idx.msk [tilespmem:v40+s6+$0x0], $0xffff;
	v6 =	vadd.f32 v6, v62;
	v9 =	vadd.f32 v9, v28;
	v13 =	vmul.f32 v15, v39  }
0x12c: {  	v55 =	vsub.f32 v34, v53;
	v2 =	vsub.f32 v2, v54;
	v49 =	vld.idx.msk [tilespmem:v16+s30+$0x0], $0xffff;
	v4 =	vmul.f32 v4, v35  }
0x12d: {  	[tilespmem:v1+s24+$0x0 ss:$0x1] =	vst.idx.msk $0xffff, v5;
	v12 =	vld.idx.msk [tilespmem:v12+s30+$0x0], $0xffff;
	v42 =	vmax.f32 v9, $0.0e+00;
	v6 =	vmax.f32 v6, $0.0e+00;
	v11 =	vadd.f32 v13, v47  }
0x12e: {  	[tilespmem:v1+s10+$0x0 ss:$0x1] =	vst.idx.msk $0xffff, v3;
	v3 =	vadd.f32 v4, v36;
	v6 =	vmin.f32 v6, $1.000000000e+00;
	v8 =	vmul.f32 v8, v41  }
0x12f: {  	v7 =	vld.idx.msk [tilespmem:v40+s30+$0x0], $0xffff;
	v5 =	vmin.f32 v42, $1.000000000e+00;
	v14 =	vmul.f32 v14, v44;
	[tilespmem:v1+s19+$0x0 ss:$0x1] =	vst.idx.msk $0xffff, v6;
	v57 =	vmax.f32 v11, $0.0e+00  }
0x130: {  	v58 =	vmul.f32 v55, v51;
	v2 =	vmul.f32 v2, v52;
	v8 =	vadd.f32 v8, v22  }
0x131: {  	[tilespmem:v1+s16+$0x0 ss:$0x1] =	vst.idx.msk $0xffff, v5;
	v3 =	vmax.f32 v3, $0.0e+00;
	v4 =	vmin.f32 v57, $1.000000000e+00;
	v56 =	vadd.f32 v14, v49  }
0x132: {  	v3 =	vmin.f32 v3, $1.000000000e+00;
	[tilespmem:v1+s18+$0x0 ss:$0x1] =	vst.idx.msk $0xffff, v4;
	v61 =	vadd.f32 v58, v12;
	v59 =	vmax.f32 v8, $0.0e+00  }
0x133: {  	[tilespmem:v1+s4+$0x0 ss:$0x1] =	vst.idx.msk $0xffff, v3;
	v62 =	vmax.f32 v56, $0.0e+00;
	v60 =	vmin.f32 v59, $1.000000000e+00  }
0x134: {  	v2 =	vadd.f32 v2, v7;
	v63 =	vmax.f32 v61, $0.0e+00;
	v3 =	vmin.f32 v62, $1.000000000e+00;
	[tilespmem:v1+s21+$0x0 ss:$0x1] =	vst.idx.msk $0xffff, v60  }
0x135: {  	[tilespmem:v1+s26+$0x0 ss:$0x1] =	vst.idx.msk $0xffff, v3;
	v3 =	vmin.f32 v63, $1.000000000e+00  }
0x136: {  	p3 =	seq.s32 s23, $0x2F;
	v2 =	vmax.f32 v2, $0.0e+00;
	[tilespmem:v1+s28+$0x0 ss:$0x1] =	vst.idx.msk $0xffff, v3  }
0x137: {  	p1 =	por p3, p1;
	v2 =	vmin.f32 v2, $1.000000000e+00;
	s1 =	rddreg [dreg:$0x10]  }
0x138: {  	s2 =	sshll.u32 @p1 s25, $0x12;
	s3 =	rddreg [dreg:$0x11];
	[tilespmem:v1+s29+$0x0 ss:$0x1] =	vst.idx.msk $0xffff, v2  }
0x139: {  	s1 =	smul.u32 @p1 $0xC0000, s1;
	s3 =	sshll.u32 @p1 s3, $0xE;
	_ =	strace $0x9000004D  }
0x13a: {  	s0 =	sadd.s32 @p1 s2, s3;
	_ =	strace @p1 $0x8000004E  }
0x13b: {  	s0 =	sadd.s32 @p1 s1, s0;
	s1 =	rddreg [dreg:$0x12]  }
0x13c: {  	s2 =	rddreg [dreg:$0x2]  }
0x13d: {  	p4 =	sne.s32 s23, $0x0;
	s3 =	rddreg [dreg:$0x13];
	s0 =	sshrl.u32 @p1 s0, $0x3  }
0x13e: {  	s1 =	sadd.s32 @p1 $0x5, s1;
	s0 =	sadd.s32 @p1 s2, s0;
	s2 =	simm.s32 @p1 $0x0  }
0x13f: {  	[hbm4b:s0+s2] =	stream.linear.scatter @p1 [tilespmem:s3], [sflag:s1], $0x4000, $0x200038;
	[tilespmem:$0x10200] =	vst v63  }
0x140: {  	p2 =	por !p4, !p2;
	_ =	strace @p1 $0x9000004E  }
0x141: {  	p2 =	por !p2, !p2;
	s3 =	rddreg [dreg:$0xa]  }
0x142: {  	s0 =	sand.u32 @p2 $0x1, s3  }
0x143: {  	_ =	strace @p2 $0x8000004F;
	s0 =	sadd.s32 @p2 $0x5, s0  }
0x144: {  	_ =	swait.ge @p2 [sflag:s0], $0x4000  }
0x145: {  	s23 =	sadd.s32 $0x1, s23;
	[sflag:s0] =	ssyncset.done @p2 $0x0  }
0x146: {  	p0 =	por p3, p0;
	[sflag:s0] =	ssyncadd.s32 @p2 $0xFFFFC000;
	s0 =	simm.s32 $0x1  }
0x147: {  	s0 =	simm.s32 @!p0 $0x0;
	p0 =	sne.s32 s23, $0x30  }
.Ltmp1:
0x148: {  	s1 =	simm.s32 $0x1;
	(pc) =	sbr.rel @p0 .LBB2_2-.Ltmp1, $4  }
0x149: {  	s2 =	simm.s32 $0x1;
	s1 =	simm.s32 @!p2 $0x0;
	s30 =	rddreg [dreg:$0xb]  }
0x14a: {  	s2 =	simm.s32 @!p1 $0x0;
	s3 =	sadd.s32 s1, s3;
	s31 =	rddreg [dreg:$0xe]  }
0x14b: {  	s16 =	rddreg [dreg:$0xc];
	s15 =	sadd.s32 s2, s30;
	_ =	strace @p2 $0x9000004F  }
0x14c: {  	s18 =	sadd.s32 s2, s31;
	s16 =	sadd.s32 s0, s16;
	s21 =	rddreg [dreg:$0xd]  }
0x14d: {  	s0 =	sand.u32 $0x1, s3  }
0x14e: {  	_ =	strace $0x80000050;
	s0 =	sadd.s32 $0x5, s0  }
0x14f: {  	_ =	swait.ge [sflag:s0], $0x4000  }
0x150: {  	s1 =	rddreg [dreg:$0x9]  }
0x151: {  	s31 =	rddreg [dreg:$0x8];
	s1 =	sadd.s32 $0x1, s1  }
0x152: {  	p0 =	sne.s32 s1, s31  }
.Ltmp2:
0x153: {  	_ = 	snop;
	(pc) =	sbr.rel @p0 .LBB2_1-.Ltmp2, $4  }
0x154: {  	_ = 	snop  }
0x155: {  	[sflag:s0] =	ssyncset.done $0x0  }
0x156: {  	[sflag:s0] =	ssyncadd.s32 $0xFFFFC000  }
0x157: {  	_ =	strace $0x90000050  }
0x158: {  	_ =	sfence.sel $0x180000  }
0x159: {  	[bflag:$0x0] =	sbarrier.arrive $0xFFFF  }
0x15a: {  	_ =	strace $0x90000047  }
0x15b: {  	s0 =	stileid.u32;
	[bflag:$0x2] =	sbarrier.arrive $0xFFFF  }
0x15c: {  	p0 =	sne.s32 s0, $0x0;
	s0 =	rddreg [dreg:$0x3]  }
0x15d: {  	s0 =	sadd.s32 @!p0 $0x100000, s0  }
0x15e: {  	[sflag:s0] =	ssyncadd.tile.s32 @!p0 $0x1;
	_ =	shalt  }
.Lfunc_end2:
_tile_overlayer_lowered:
.L_overlay_start_2:
0x15f: {  	(tag) =	ssettag $0x2  }
0x160: {  	s0 =	rddreg [dreg:$0x0];
	s2 =	stileid.u32  }
0x161: {  	s1 =	rddreg [dreg:$0x1];
	p0 =	sne.s32 s2, $0x0  }
0x162: {  	s3 =	rddreg [dreg:$0x2];
	[bflag:$0x3] =	sbarrier.arrive $0xFFFF;
	s2 =	simm.s32 @!p0 $0x1C01  }
0x163: {  	[timem:s3], [sflag:s2] =	dma.local @!p0 [hbm:s0], s1  }
0x164: {  	s0 =	simm.s32 @!p0 $0x1  }
0x165: {  	_ =	swait.ge @!p0 [sflag:s0], s1  }
0x166: {  	s1 =	ssub.s32 @!p0 $0x0, s1;
	[sflag:s0] =	ssyncset.done @!p0 $0x0  }
0x167: {  	[sflag:s0] =	ssyncadd.s32 @!p0 s1  }
0x168: {  	[bflag:$0x3] =	sbarrier.arrive $0xFFFF  }
0x169: {  	_ =	shalt  }

</sc_bundles>
